<compile_context>
chip_gen: v7x
topology: tpu7x:2x2x1
jax: 0.10.2.dev20260603
libtpu: 0.0.44.dev20260713+nightly
codegen_flags: <defaults>
</compile_context>

<pallas_src>
import functools

import jax
import jax.numpy as jnp
from jax import lax
from jax.experimental import pallas as pl
from jax.experimental.pallas import tpu as pltpu
from jax.experimental.pallas import tpu_sc as plsc

_NC = 2
_NS = 16
_NW = _NC * _NS
_G = 64


def _segment_sum_sc(p, edge_index, zeros, *, n, h, chunk):
    e = edge_index.shape[1]
    pe = e // _NW
    fc, tail = pe // chunk, pe % chunk
    mesh = plsc.VectorSubcoreMesh(core_axis_name="c", subcore_axis_name="s")
    rows_per_sub = n // _NS
    nslot = 4

    @functools.partial(
        pl.kernel,
        out_type=jax.ShapeDtypeStruct((_NC, n, h), jnp.float32),
        mesh=mesh,
        compiler_params=pltpu.CompilerParams(use_tc_tiling_on_sc=False),
        scratch_types=[
            pltpu.VMEM((pe,), jnp.int32),
            pltpu.VMEM((pe,), jnp.int32),
            [pltpu.VMEM((chunk, h), jnp.float32) for _ in range(nslot)],
            pltpu.VMEM_SHARED((n, h), jnp.float32),
            [pltpu.SemaphoreType.DMA for _ in range(nslot)],
            [pltpu.SemaphoreType.DMA for _ in range(nslot)],
        ],
    )
    def seg_kernel(p_hbm, ei_hbm, z_hbm, out_hbm,
                   src_v, dst_v, bufs, acc, gsem, ssem):
        c = lax.axis_index("c")
        s = lax.axis_index("s")
        wid = s * _NC + c
        r0 = s * rows_per_sub
        d_zero = pltpu.async_copy(z_hbm.at[pl.ds(r0, rows_per_sub)],
                                  acc.at[pl.ds(r0, rows_per_sub)], gsem[0])
        d_src = pltpu.async_copy(ei_hbm.at[0, pl.ds(wid * pe, pe)],
                                 src_v, gsem[1])
        d_dst = pltpu.async_copy(ei_hbm.at[1, pl.ds(wid * pe, pe)],
                                 dst_v, gsem[2])
        d_src.wait()
        d_dst.wait()
        d_zero.wait()
        plsc.subcore_barrier()

        def gather(idx, k, cn=chunk):
            pltpu.async_copy(p_hbm.at[src_v.at[pl.ds(idx * chunk, cn)]],
                             bufs[k].at[pl.ds(0, cn)], gsem[k])

        def wait_gather(k, cn=chunk):
            pltpu.make_async_copy(p_hbm.at[src_v.at[pl.ds(0, cn)]],
                                  bufs[k].at[pl.ds(0, cn)], gsem[k]).wait()

        def scatter_wait(idx, k, cn=chunk):
            pltpu.async_copy(bufs[k].at[pl.ds(0, cn)],
                             acc.at[dst_v.at[pl.ds(idx * chunk, cn)]],
                             ssem[k], add=True).wait()

        for k in range(nslot):
            gather(k, k)

        main = (fc // nslot) * nslot

        def visit(idx, k, more):
            wait_gather(k)
            scatter_wait(idx, k)
            if more is None:
                @pl.when(idx + nslot < fc)
                def _():
                    gather(idx + nslot, k)
            elif more:
                gather(idx + nslot, k)

        @pl.loop(0, main, step=nslot)
        def _(j):
            for k in range(nslot):
                visit(j + k, k, None)

        for idx in range(main, fc):
            visit(idx, idx % nslot, idx + nslot < fc)

        if tail:
            gather(fc, 0, tail)
            wait_gather(0, tail)
            scatter_wait(fc, 0, tail)

        plsc.subcore_barrier()
        pltpu.sync_copy(acc.at[pl.ds(r0, rows_per_sub)],
                        out_hbm.at[c, pl.ds(r0, rows_per_sub)])

    return seg_kernel(p, edge_index, zeros)


def _tc_l1(aa, ab, x2, w_top, w_bot, ws2, b2, *, blk):
    _, n2, hp = aa.shape
    d2 = x2.shape[1]

    def body(aa_ref, ab_ref, x_ref, wt_ref, wb_ref, ws_ref, b_ref, h_ref):
        bf = jnp.bfloat16
        agg_t = jnp.dot((aa_ref[0] + aa_ref[1]).astype(bf),
                        wt_ref[...].astype(bf),
                        preferred_element_type=jnp.float32)
        agg_b = jnp.dot((ab_ref[0] + ab_ref[1]).astype(bf),
                        wb_ref[...].astype(bf),
                        preferred_element_type=jnp.float32)
        self_t = jnp.dot(x_ref[...].astype(bf), ws_ref[...].astype(bf),
                         preferred_element_type=jnp.float32)
        h_ref[...] = jnp.maximum(agg_t + agg_b + b_ref[...] + self_t, 0.0)

    return pl.pallas_call(
        body,
        grid=(n2 // blk,),
        in_specs=[
            pl.BlockSpec((_NC, blk, hp), lambda i: (0, i, 0)),
            pl.BlockSpec((_NC, blk, hp), lambda i: (0, i, 0)),
            pl.BlockSpec((blk, d2), lambda i: (i, 0)),
            pl.BlockSpec((hp, hp), lambda i: (0, 0)),
            pl.BlockSpec((hp, hp), lambda i: (0, 0)),
            pl.BlockSpec((d2, hp), lambda i: (0, 0)),
            pl.BlockSpec((1, hp), lambda i: (0, 0)),
        ],
        out_specs=pl.BlockSpec((blk, hp), lambda i: (i, 0)),
        out_shape=jax.ShapeDtypeStruct((n2, hp), jnp.float32),
    )(aa, ab, x2, w_top, w_bot, ws2, b2)


def _tc_l2(acc2, hprev, wr2, ws2, b2, *, blk):
    _, n2, hp = acc2.shape

    def body(a_ref, h_ref, wr_ref, ws_ref, b_ref, o_ref):
        bf = jnp.bfloat16
        agg = jnp.dot((a_ref[0] + a_ref[1]).astype(bf),
                      wr_ref[...].astype(bf),
                      preferred_element_type=jnp.float32)
        self_t = jnp.dot(h_ref[...].astype(bf), ws_ref[...].astype(bf),
                         preferred_element_type=jnp.float32)
        o_ref[...] = jnp.maximum(agg + b_ref[...] + self_t, 0.0)

    return pl.pallas_call(
        body,
        grid=(n2 // blk,),
        in_specs=[
            pl.BlockSpec((_NC, blk, hp), lambda i: (0, i, 0)),
            pl.BlockSpec((blk, hp), lambda i: (i, 0)),
            pl.BlockSpec((hp, hp), lambda i: (0, 0)),
            pl.BlockSpec((hp, hp), lambda i: (0, 0)),
            pl.BlockSpec((1, hp), lambda i: (0, 0)),
        ],
        out_specs=pl.BlockSpec((blk, hp), lambda i: (i, 0)),
        out_shape=jax.ShapeDtypeStruct((n2, hp), jnp.float32),
    )(acc2, hprev, wr2, ws2, b2)


def _tc_final(acc2, hprev, wr2, ws2, b2, batch_ev, batch_od,
              wf1, bf1, wf2, bf2, *, h):
    _, n2, hp = acc2.shape
    f1 = wf1.shape[1]

    def body(a_ref, hp_ref, wr_ref, ws_ref, b_ref, be_ref, bo_ref,
             w1_ref, b1_ref, w2_ref, b2_ref, o_ref):
        bf = jnp.bfloat16
        agg = jnp.dot((a_ref[0] + a_ref[1]).astype(bf),
                      wr_ref[...].astype(bf),
                      preferred_element_type=jnp.float32)
        self_t = jnp.dot(hp_ref[...].astype(bf), ws_ref[...].astype(bf),
                         preferred_element_type=jnp.float32)
        hv = jnp.maximum(agg + b_ref[...] + self_t, 0.0)
        gi = lax.broadcasted_iota(jnp.int32, (_G, n2), 0)
        oh_e = jnp.where(be_ref[0:1, :] == gi, 1.0, 0.0)
        oh_o = jnp.where(bo_ref[0:1, :] == gi, 1.0, 0.0)
        sums = (jnp.dot(oh_e, hv[:, :h], preferred_element_type=jnp.float32,
                        precision=lax.Precision.HIGHEST)
                + jnp.dot(oh_o, hv[:, h:], preferred_element_type=jnp.float32,
                          precision=lax.Precision.HIGHEST))
        cnt = (jnp.sum(oh_e, axis=1, keepdims=True)
               + jnp.sum(oh_o, axis=1, keepdims=True))
        pooled = sums / jnp.maximum(cnt, 1.0)
        h2 = jnp.maximum(
            jnp.dot(pooled.astype(bf), w1_ref[...].astype(bf),
                    preferred_element_type=jnp.float32) + b1_ref[...], 0.0)
        o_ref[...] = jnp.dot(h2.astype(bf), w2_ref[...].astype(bf),
                             preferred_element_type=jnp.float32) + b2_ref[...]

    out = pl.pallas_call(
        body,
        out_shape=jax.ShapeDtypeStruct((_G, 1), jnp.float32),
    )(acc2, hprev, wr2, ws2, b2, batch_ev, batch_od,
      wf1, bf1.reshape(1, f1), wf2, bf2.reshape(1, 1))
    return out.reshape(-1)


def _blockdiag(w):
    z = jnp.zeros_like(w)
    return jnp.concatenate(
        [jnp.concatenate([w, z], axis=1), jnp.concatenate([z, w], axis=1)],
        axis=0)


def kernel(x, edge_index, batch,
           W1r, b1r, W1s, W2r, b2r, W2s, W3r, b3r, W3s,
           Wf1, bf1, Wf2, bf2):
    n, d = x.shape
    h = W1r.shape[1]
    e = edge_index.shape[1]
    n2 = n // 2
    assert n % 2 == 0 and d % 128 == 0 and h == 64

    chunk = 128
    assert e % (8 * _NW) == 0
    blk = next(bs for bs in range(1000, 0, -1) if n2 % bs == 0 and bs % 8 == 0)

    zeros = jnp.zeros((n, h), jnp.float32)
    bi = batch.astype(jnp.int32)
    batch_ev = jnp.broadcast_to(bi[0::2][None, :], (8, n2))
    batch_od = jnp.broadcast_to(bi[1::2][None, :], (8, n2))

    x2 = x.reshape(n2, 2 * d)
    xa = x[:, :h]
    xb = x[:, h:]
    w1top = _blockdiag(W1r[:h, :])
    w1bot = _blockdiag(W1r[h:, :])
    w1s2 = _blockdiag(W1s)
    w2r2, w2s2 = _blockdiag(W2r), _blockdiag(W2s)
    w3r2, w3s2 = _blockdiag(W3r), _blockdiag(W3s)
    b1t = jnp.tile(b1r, 2).reshape(1, 2 * h)
    b2t = jnp.tile(b2r, 2).reshape(1, 2 * h)
    b3t = jnp.tile(b3r, 2).reshape(1, 2 * h)

    def seg(v):
        acc = _segment_sum_sc(v, edge_index, zeros, n=n, h=h, chunk=chunk)
        return acc.reshape(_NC, n2, 2 * h)

    a1a = seg(xa)
    a1b = seg(xb)
    h1p = _tc_l1(a1a, a1b, x2, w1top, w1bot, w1s2, b1t, blk=blk)
    a2 = seg(h1p.reshape(n, h))
    h2p = _tc_l2(a2, h1p, w2r2, w2s2, b2t, blk=blk)
    a3 = seg(h2p.reshape(n, h))
    return _tc_final(a3, h2p, w3r2, w3s2, b3t, batch_ev, batch_od,
                     Wf1, bf1, Wf2, bf2, h=h)

# --- scband reference (transcript-rebuilt; emitter-appended) ---
"""Pipeline reference for scband-gnn-15650860827313 (READ-ONLY COPY).

The authoritative reference and input builder live on the scoring server;
editing this copy changes nothing except your own understanding.
"""

import jax, jax.numpy as jnp
import numpy as np

N = 10000
E = 320000
D = 128
H = 64
G = 64


def setup_inputs(seed: int = 0) -> dict:
    key = jax.random.key(seed)
    ks = jax.random.split(key, 16)
    x = jax.random.normal(ks[0], (N, D), dtype=jnp.float32)
    edge_index = jax.random.randint(ks[1], (2, E), 0, N, dtype=jnp.int32)
    batch = jnp.sort(jax.random.randint(ks[2], (N,), 0, G, dtype=jnp.int32))
    s = 0.05
    W1r = jax.random.normal(ks[3], (D, H), dtype=jnp.float32) * s
    b1r = jnp.zeros((H,), dtype=jnp.float32)
    W1s = jax.random.normal(ks[4], (D, H), dtype=jnp.float32) * s
    W2r = jax.random.normal(ks[5], (H, H), dtype=jnp.float32) * s
    b2r = jnp.zeros((H,), dtype=jnp.float32)
    W2s = jax.random.normal(ks[6], (H, H), dtype=jnp.float32) * s
    W3r = jax.random.normal(ks[7], (H, H), dtype=jnp.float32) * s
    b3r = jnp.zeros((H,), dtype=jnp.float32)
    W3s = jax.random.normal(ks[8], (H, H), dtype=jnp.float32) * s
    Wf1 = jax.random.normal(ks[9], (H, 32), dtype=jnp.float32) * s
    bf1 = jnp.zeros((32,), dtype=jnp.float32)
    Wf2 = jax.random.normal(ks[10], (32, 1), dtype=jnp.float32) * s
    bf2 = jnp.zeros((1,), dtype=jnp.float32)
    return dict(x=x, edge_index=edge_index, batch=batch,
                W1r=W1r, b1r=b1r, W1s=W1s,
                W2r=W2r, b2r=b2r, W2s=W2s,
                W3r=W3r, b3r=b3r, W3s=W3s,
                Wf1=Wf1, bf1=bf1, Wf2=Wf2, bf2=bf2)


def reference(x, edge_index, batch, W1r, b1r, W1s, W2r, b2r, W2s, W3r, b3r, W3s, Wf1, bf1, Wf2, bf2):
    # GraphConv (PyG): out = lin_rel(sum_{j in N(i)} x_j) + lin_root(x_i)
    src = edge_index[0]
    dst = edge_index[1]

    def conv(h, Wr, br, Ws):
        agg = jax.ops.segment_sum(h[src], dst, num_segments=N)
        return agg @ Wr + br + h @ Ws

    h = jax.nn.relu(conv(x, W1r, b1r, W1s))
    h = jax.nn.relu(conv(h, W2r, b2r, W2s))
    h = jax.nn.relu(conv(h, W3r, b3r, W3s))
    # global_mean_pool over batch segment ids
    sums = jax.ops.segment_sum(h, batch, num_segments=G)
    cnt = jax.ops.segment_sum(jnp.ones((N, 1), dtype=jnp.float32), batch, num_segments=G)
    pooled = sums / jnp.maximum(cnt, 1.0)
    h = jax.nn.relu(pooled @ Wf1 + bf1)
    out = (h @ Wf2 + bf2).reshape(-1)
    return out

if __name__ == "__main__":
    import jax
    _d = setup_inputs()
    print(jax.jit(kernel)(*tuple(_d.values())))

</pallas_src>

<mosaic_0001>
#map = affine_map<(d0, d1) -> (0, 0)>
#map1 = affine_map<(d0, d1) -> (0, 0, 0)>
module attributes {stable_mosaic.version = 14 : i64} {
  func.func @seg_kernel(%arg0: i32, %arg1: i32, %arg2: memref<10000x64xf32, #tpu.memory_space<hbm>>, %arg3: memref<2x320000xi32, #tpu.memory_space<hbm>>, %arg4: memref<10000x64xf32, #tpu.memory_space<hbm>>, %arg5: memref<2x10000x64xf32, #tpu.memory_space<hbm>>, %arg6: memref<10000xi32, #tpu.memory_space<vmem>>, %arg7: memref<10000xi32, #tpu.memory_space<vmem>>, %arg8: memref<128x64xf32, #tpu.memory_space<vmem>>, %arg9: memref<128x64xf32, #tpu.memory_space<vmem>>, %arg10: memref<128x64xf32, #tpu.memory_space<vmem>>, %arg11: memref<128x64xf32, #tpu.memory_space<vmem>>, %arg12: memref<10000x64xf32, #tpu.memory_space<vmem_shared>>, %arg13: memref<!tpu.dma_semaphore, #tpu.memory_space<semaphore_mem>>, %arg14: memref<!tpu.dma_semaphore, #tpu.memory_space<semaphore_mem>>, %arg15: memref<!tpu.dma_semaphore, #tpu.memory_space<semaphore_mem>>, %arg16: memref<!tpu.dma_semaphore, #tpu.memory_space<semaphore_mem>>, %arg17: memref<!tpu.dma_semaphore, #tpu.memory_space<semaphore_mem>>, %arg18: memref<!tpu.dma_semaphore, #tpu.memory_space<semaphore_mem>>, %arg19: memref<!tpu.dma_semaphore, #tpu.memory_space<semaphore_mem>>, %arg20: memref<!tpu.dma_semaphore, #tpu.memory_space<semaphore_mem>>) attributes {dimension_semantics = [#tpu.dimension_semantics<core_parallel>, #tpu.dimension_semantics<subcore_parallel>], iteration_bounds = array<i64: 2, 16>, scalar_prefetch = 0 : i64, scratch_operands = 15 : i64, tpu.core_type = #tpu.core_type<sc_vector_subcore>, window_params = [{transform_indices = #map}, {transform_indices = #map}, {transform_indices = #map}, {transform_indices = #map1}]} {
    %mul3A = arith.constant 2 : i32
    %mul3A_0 = arith.muli %arg1, %mul3A : i32
    %add3A = arith.addi %mul3A_0, %arg0 : i32
    %mul3A_1 = arith.constant 625 : i32
    %mul3A_2 = arith.muli %arg1, %mul3A_1 : i32
    %dma_start3A = arith.constant 0 : i32
    %dma_start3A_3 = tpu.memref_slice %arg12[%mul3A_2, %dma_start3A] : memref<10000x64xf32, #tpu.memory_space<vmem_shared>> -> memref<625x64xf32, #tpu.memory_space<vmem_shared>>
    %dma_start3A_4 = arith.constant 0 : i32
    %dma_start3A_5 = tpu.memref_slice %arg4[%mul3A_2, %dma_start3A_4] : memref<10000x64xf32, #tpu.memory_space<hbm>> -> memref<625x64xf32, #tpu.memory_space<hbm>>
    tpu.enqueue_dma source(%dma_start3A_5 : memref<625x64xf32, #tpu.memory_space<hbm>>) target(%dma_start3A_3 : memref<625x64xf32, #tpu.memory_space<vmem_shared>>) target_semaphore(%arg13 : memref<!tpu.dma_semaphore, #tpu.memory_space<semaphore_mem>>)
    %mul3A_6 = arith.constant 10000 : i32
    %mul3A_7 = arith.muli %add3A, %mul3A_6 : i32
    %dma_start3A_8 = arith.constant 0 : i32
    %dma_start3A_9 = tpu.memref_slice %arg3[%dma_start3A_8, %mul3A_7] : memref<2x320000xi32, #tpu.memory_space<hbm>> -> memref<1x10000xi32, #tpu.memory_space<hbm>>
    %dma_start3A_10 = tpu.memref_squeeze %dma_start3A_9 : memref<1x10000xi32, #tpu.memory_space<hbm>> -> memref<10000xi32, #tpu.memory_space<hbm>>
    %dma_start3A_11 = tpu.memref_slice %arg3[%dma_start3A_8, %mul3A_7] : memref<2x320000xi32, #tpu.memory_space<hbm>> -> memref<1x10000xi32, #tpu.memory_space<hbm>>
    %dma_start3A_12 = tpu.memref_squeeze %dma_start3A_11 : memref<1x10000xi32, #tpu.memory_space<hbm>> -> memref<10000xi32, #tpu.memory_space<hbm>>
    tpu.enqueue_dma source(%dma_start3A_12 : memref<10000xi32, #tpu.memory_space<hbm>>) target(%arg6 : memref<10000xi32, #tpu.memory_space<vmem>>) target_semaphore(%arg14 : memref<!tpu.dma_semaphore, #tpu.memory_space<semaphore_mem>>)
    %mul3A_13 = arith.constant 10000 : i32
    %mul3A_14 = arith.muli %add3A, %mul3A_13 : i32
    %dma_start3A_15 = arith.constant 1 : i32
    %dma_start3A_16 = tpu.memref_slice %arg3[%dma_start3A_15, %mul3A_14] : memref<2x320000xi32, #tpu.memory_space<hbm>> -> memref<1x10000xi32, #tpu.memory_space<hbm>>
    %dma_start3A_17 = tpu.memref_squeeze %dma_start3A_16 : memref<1x10000xi32, #tpu.memory_space<hbm>> -> memref<10000xi32, #tpu.memory_space<hbm>>
    %dma_start3A_18 = tpu.memref_slice %arg3[%dma_start3A_15, %mul3A_14] : memref<2x320000xi32, #tpu.memory_space<hbm>> -> memref<1x10000xi32, #tpu.memory_space<hbm>>
    %dma_start3A_19 = tpu.memref_squeeze %dma_start3A_18 : memref<1x10000xi32, #tpu.memory_space<hbm>> -> memref<10000xi32, #tpu.memory_space<hbm>>
    tpu.enqueue_dma source(%dma_start3A_19 : memref<10000xi32, #tpu.memory_space<hbm>>) target(%arg7 : memref<10000xi32, #tpu.memory_space<vmem>>) target_semaphore(%arg15 : memref<!tpu.dma_semaphore, #tpu.memory_space<semaphore_mem>>)
    %dma_wait3A = arith.constant 0 : i32
    %dma_wait3A_20 = tpu.memref_slice %arg3[%dma_wait3A, %mul3A_7] : memref<2x320000xi32, #tpu.memory_space<hbm>> -> memref<1x10000xi32, #tpu.memory_space<hbm>>
    %dma_wait3A_21 = tpu.memref_squeeze %dma_wait3A_20 : memref<1x10000xi32, #tpu.memory_space<hbm>> -> memref<10000xi32, #tpu.memory_space<hbm>>
    %dma_wait3A_22 = tpu.memref_slice %arg3[%dma_wait3A, %mul3A_7] : memref<2x320000xi32, #tpu.memory_space<hbm>> -> memref<1x10000xi32, #tpu.memory_space<hbm>>
    %dma_wait3A_23 = tpu.memref_squeeze %dma_wait3A_22 : memref<1x10000xi32, #tpu.memory_space<hbm>> -> memref<10000xi32, #tpu.memory_space<hbm>>
    tpu.wait_dma2 semaphore(%arg14 : memref<!tpu.dma_semaphore, #tpu.memory_space<semaphore_mem>>) src(%dma_wait3A_23 : memref<10000xi32, #tpu.memory_space<hbm>>) dst(%arg6 : memref<10000xi32, #tpu.memory_space<vmem>>)
    %dma_wait3A_24 = arith.constant 1 : i32
    %dma_wait3A_25 = tpu.memref_slice %arg3[%dma_wait3A_24, %mul3A_14] : memref<2x320000xi32, #tpu.memory_space<hbm>> -> memref<1x10000xi32, #tpu.memory_space<hbm>>
    %dma_wait3A_26 = tpu.memref_squeeze %dma_wait3A_25 : memref<1x10000xi32, #tpu.memory_space<hbm>> -> memref<10000xi32, #tpu.memory_space<hbm>>
    %dma_wait3A_27 = tpu.memref_slice %arg3[%dma_wait3A_24, %mul3A_14] : memref<2x320000xi32, #tpu.memory_space<hbm>> -> memref<1x10000xi32, #tpu.memory_space<hbm>>
    %dma_wait3A_28 = tpu.memref_squeeze %dma_wait3A_27 : memref<1x10000xi32, #tpu.memory_space<hbm>> -> memref<10000xi32, #tpu.memory_space<hbm>>
    tpu.wait_dma2 semaphore(%arg15 : memref<!tpu.dma_semaphore, #tpu.memory_space<semaphore_mem>>) src(%dma_wait3A_28 : memref<10000xi32, #tpu.memory_space<hbm>>) dst(%arg7 : memref<10000xi32, #tpu.memory_space<vmem>>)
    %dma_wait3A_29 = arith.constant 0 : i32
    %dma_wait3A_30 = tpu.memref_slice %arg12[%mul3A_2, %dma_wait3A_29] : memref<10000x64xf32, #tpu.memory_space<vmem_shared>> -> memref<625x64xf32, #tpu.memory_space<vmem_shared>>
    %dma_wait3A_31 = arith.constant 0 : i32
    %dma_wait3A_32 = tpu.memref_slice %arg4[%mul3A_2, %dma_wait3A_31] : memref<10000x64xf32, #tpu.memory_space<hbm>> -> memref<625x64xf32, #tpu.memory_space<hbm>>
    tpu.wait_dma2 semaphore(%arg13 : memref<!tpu.dma_semaphore, #tpu.memory_space<semaphore_mem>>) src(%dma_wait3A_32 : memref<625x64xf32, #tpu.memory_space<hbm>>) dst(%dma_wait3A_30 : memref<625x64xf32, #tpu.memory_space<vmem_shared>>)
    %barrier3A = arith.constant 0 : index
    tpu.barrier barrier_id(%barrier3A)
    %dma_start3A_33 = arith.constant 0 : i32
    %dma_start3A_34 = arith.constant 0 : i32
    %dma_start3A_35 = tpu.memref_slice %arg8[%dma_start3A_33, %dma_start3A_34] : memref<128x64xf32, #tpu.memory_space<vmem>> -> memref<128x64xf32, #tpu.memory_space<vmem>>
    %dma_start3A_36 = arith.constant 0 : i32
    %dma_start3A_37 = tpu.memref_slice %arg6[%dma_start3A_36] : memref<10000xi32, #tpu.memory_space<vmem>> -> memref<128xi32, #tpu.memory_space<vmem>>
    %dma_start3A_38 = arith.constant 0 : i32
    %dma_start3A_39 = arith.constant 0 : i32
    %dma_start3A_40 = tpu.memref_slice %arg2[%dma_start3A_38, %dma_start3A_39] : memref<10000x64xf32, #tpu.memory_space<hbm>> -> memref<10000x64xf32, #tpu.memory_space<hbm>>
    tpu.enqueue_indirect_dma source(%dma_start3A_40 : memref<10000x64xf32, #tpu.memory_space<hbm>>) target(%dma_start3A_35 : memref<128x64xf32, #tpu.memory_space<vmem>>) offsets(%dma_start3A_37 : memref<128xi32, #tpu.memory_space<vmem>>) semaphore(%arg13 : memref<!tpu.dma_semaphore, #tpu.memory_space<semaphore_mem>>)
    %dma_start3A_41 = arith.constant 0 : i32
    %dma_start3A_42 = arith.constant 0 : i32
    %dma_start3A_43 = tpu.memref_slice %arg9[%dma_start3A_41, %dma_start3A_42] : memref<128x64xf32, #tpu.memory_space<vmem>> -> memref<128x64xf32, #tpu.memory_space<vmem>>
    %dma_start3A_44 = arith.constant 128 : i32
    %dma_start3A_45 = tpu.memref_slice %arg6[%dma_start3A_44] : memref<10000xi32, #tpu.memory_space<vmem>> -> memref<128xi32, #tpu.memory_space<vmem>>
    %dma_start3A_46 = arith.constant 0 : i32
    %dma_start3A_47 = arith.constant 0 : i32
    %dma_start3A_48 = tpu.memref_slice %arg2[%dma_start3A_46, %dma_start3A_47] : memref<10000x64xf32, #tpu.memory_space<hbm>> -> memref<10000x64xf32, #tpu.memory_space<hbm>>
    tpu.enqueue_indirect_dma source(%dma_start3A_48 : memref<10000x64xf32, #tpu.memory_space<hbm>>) target(%dma_start3A_43 : memref<128x64xf32, #tpu.memory_space<vmem>>) offsets(%dma_start3A_45 : memref<128xi32, #tpu.memory_space<vmem>>) semaphore(%arg14 : memref<!tpu.dma_semaphore, #tpu.memory_space<semaphore_mem>>)
    %dma_start3A_49 = arith.constant 0 : i32
    %dma_start3A_50 = arith.constant 0 : i32
    %dma_start3A_51 = tpu.memref_slice %arg10[%dma_start3A_49, %dma_start3A_50] : memref<128x64xf32, #tpu.memory_space<vmem>> -> memref<128x64xf32, #tpu.memory_space<vmem>>
    %dma_start3A_52 = arith.constant 256 : i32
    %dma_start3A_53 = tpu.memref_slice %arg6[%dma_start3A_52] : memref<10000xi32, #tpu.memory_space<vmem>> -> memref<128xi32, #tpu.memory_space<vmem>>
    %dma_start3A_54 = arith.constant 0 : i32
    %dma_start3A_55 = arith.constant 0 : i32
    %dma_start3A_56 = tpu.memref_slice %arg2[%dma_start3A_54, %dma_start3A_55] : memref<10000x64xf32, #tpu.memory_space<hbm>> -> memref<10000x64xf32, #tpu.memory_space<hbm>>
    tpu.enqueue_indirect_dma source(%dma_start3A_56 : memref<10000x64xf32, #tpu.memory_space<hbm>>) target(%dma_start3A_51 : memref<128x64xf32, #tpu.memory_space<vmem>>) offsets(%dma_start3A_53 : memref<128xi32, #tpu.memory_space<vmem>>) semaphore(%arg15 : memref<!tpu.dma_semaphore, #tpu.memory_space<semaphore_mem>>)
    %dma_start3A_57 = arith.constant 0 : i32
    %dma_start3A_58 = arith.constant 0 : i32
    %dma_start3A_59 = tpu.memref_slice %arg11[%dma_start3A_57, %dma_start3A_58] : memref<128x64xf32, #tpu.memory_space<vmem>> -> memref<128x64xf32, #tpu.memory_space<vmem>>
    %dma_start3A_60 = arith.constant 384 : i32
    %dma_start3A_61 = tpu.memref_slice %arg6[%dma_start3A_60] : memref<10000xi32, #tpu.memory_space<vmem>> -> memref<128xi32, #tpu.memory_space<vmem>>
    %dma_start3A_62 = arith.constant 0 : i32
    %dma_start3A_63 = arith.constant 0 : i32
    %dma_start3A_64 = tpu.memref_slice %arg2[%dma_start3A_62, %dma_start3A_63] : memref<10000x64xf32, #tpu.memory_space<hbm>> -> memref<10000x64xf32, #tpu.memory_space<hbm>>
    tpu.enqueue_indirect_dma source(%dma_start3A_64 : memref<10000x64xf32, #tpu.memory_space<hbm>>) target(%dma_start3A_59 : memref<128x64xf32, #tpu.memory_space<vmem>>) offsets(%dma_start3A_61 : memref<128xi32, #tpu.memory_space<vmem>>) semaphore(%arg16 : memref<!tpu.dma_semaphore, #tpu.memory_space<semaphore_mem>>)
    %scan3A = arith.constant 0 : i32
    %scan3A_65 = arith.constant 19 : i32
    %scan3A_66 = arith.addi %scan3A, %scan3A_65 : i32
    %scan3A_67 = arith.constant 1 : i32
    scf.for %scan3A_150 = %scan3A to %scan3A_66 step %scan3A_67  : i32 {
      %mul3A_151 = arith.constant 4 : i32
      %mul3A_152 = arith.muli %scan3A_150, %mul3A_151 : i32
      %add3A_153 = arith.constant 0 : i32
      %add3A_154 = arith.addi %add3A_153, %mul3A_152 : i32
      %add3A_155 = arith.constant 0 : i32
      %add3A_156 = arith.addi %add3A_154, %add3A_155 : i32
      %dma_wait3A_157 = arith.constant 0 : i32
      %dma_wait3A_158 = arith.constant 0 : i32
      %dma_wait3A_159 = tpu.memref_slice %arg8[%dma_wait3A_157, %dma_wait3A_158] : memref<128x64xf32, #tpu.memory_space<vmem>> -> memref<128x64xf32, #tpu.memory_space<vmem>>
      %dma_wait3A_160 = arith.constant 0 : i32
      %dma_wait3A_161 = tpu.memref_slice %arg6[%dma_wait3A_160] : memref<10000xi32, #tpu.memory_space<vmem>> -> memref<128xi32, #tpu.memory_space<vmem>>
      %dma_wait3A_162 = arith.constant 0 : i32
      %dma_wait3A_163 = arith.constant 0 : i32
      %dma_wait3A_164 = tpu.memref_slice %arg2[%dma_wait3A_162, %dma_wait3A_163] : memref<10000x64xf32, #tpu.memory_space<hbm>> -> memref<10000x64xf32, #tpu.memory_space<hbm>>
      tpu.wait_indirect_dma semaphore(%arg13 : memref<!tpu.dma_semaphore, #tpu.memory_space<semaphore_mem>>) src(%dma_wait3A_164 : memref<10000x64xf32, #tpu.memory_space<hbm>>) dst(%dma_wait3A_159 : memref<128x64xf32, #tpu.memory_space<vmem>>)
      %mul3A_165 = arith.constant 128 : i32
      %mul3A_166 = arith.muli %add3A_156, %mul3A_165 : i32
      %dma_start3A_167 = arith.constant 0 : i32
      %dma_start3A_168 = arith.constant 0 : i32
      %dma_start3A_169 = tpu.memref_slice %arg8[%dma_start3A_167, %dma_start3A_168] : memref<128x64xf32, #tpu.memory_space<vmem>> -> memref<128x64xf32, #tpu.memory_space<vmem>>
      %dma_start3A_170 = tpu.memref_slice %arg7[%mul3A_166] : memref<10000xi32, #tpu.memory_space<vmem>> -> memref<128xi32, #tpu.memory_space<vmem>>
      %dma_start3A_171 = arith.constant 0 : i32
      %dma_start3A_172 = arith.constant 0 : i32
      %dma_start3A_173 = tpu.memref_slice %arg12[%dma_start3A_171, %dma_start3A_172] : memref<10000x64xf32, #tpu.memory_space<vmem_shared>> -> memref<10000x64xf32, #tpu.memory_space<vmem_shared>>
      tpu.enqueue_indirect_dma source(%dma_start3A_169 : memref<128x64xf32, #tpu.memory_space<vmem>>) target(%dma_start3A_173 : memref<10000x64xf32, #tpu.memory_space<vmem_shared>>) offsets(%dma_start3A_170 : memref<128xi32, #tpu.memory_space<vmem>>) semaphore(%arg17 : memref<!tpu.dma_semaphore, #tpu.memory_space<semaphore_mem>>) {add = true}
      %dma_wait3A_174 = arith.constant 0 : i32
      %dma_wait3A_175 = arith.constant 0 : i32
      %dma_wait3A_176 = tpu.memref_slice %arg8[%dma_wait3A_174, %dma_wait3A_175] : memref<128x64xf32, #tpu.memory_space<vmem>> -> memref<128x64xf32, #tpu.memory_space<vmem>>
      %dma_wait3A_177 = tpu.memref_slice %arg7[%mul3A_166] : memref<10000xi32, #tpu.memory_space<vmem>> -> memref<128xi32, #tpu.memory_space<vmem>>
      %dma_wait3A_178 = arith.constant 0 : i32
      %dma_wait3A_179 = arith.constant 0 : i32
      %dma_wait3A_180 = tpu.memref_slice %arg12[%dma_wait3A_178, %dma_wait3A_179] : memref<10000x64xf32, #tpu.memory_space<vmem_shared>> -> memref<10000x64xf32, #tpu.memory_space<vmem_shared>>
      tpu.wait_indirect_dma semaphore(%arg17 : memref<!tpu.dma_semaphore, #tpu.memory_space<semaphore_mem>>) src(%dma_wait3A_176 : memref<128x64xf32, #tpu.memory_space<vmem>>) dst(%dma_wait3A_180 : memref<10000x64xf32, #tpu.memory_space<vmem_shared>>)
      %add3A_181 = arith.constant 4 : i32
      %add3A_182 = arith.addi %add3A_156, %add3A_181 : i32
      %lt3A = arith.constant 78 : i32
      %lt3A_183 = arith.cmpi slt, %add3A_182, %lt3A : i32
      %convert_element_type3A = arith.extui %lt3A_183 : i1 to i32
      %cond3A = arith.constant 0 : i32
      %cond3A_184 = arith.cmpi ne, %convert_element_type3A, %cond3A : i32
      scf.if %cond3A_184 {
        %add3A_284 = arith.constant 4 : i32
        %add3A_285 = arith.addi %add3A_156, %add3A_284 : i32
        %mul3A_286 = arith.constant 128 : i32
        %mul3A_287 = arith.muli %add3A_285, %mul3A_286 : i32
        %dma_start3A_288 = arith.constant 0 : i32
        %dma_start3A_289 = arith.constant 0 : i32
        %dma_start3A_290 = tpu.memref_slice %arg8[%dma_start3A_288, %dma_start3A_289] : memref<128x64xf32, #tpu.memory_space<vmem>> -> memref<128x64xf32, #tpu.memory_space<vmem>>
        %dma_start3A_291 = tpu.memref_slice %arg6[%mul3A_287] : memref<10000xi32, #tpu.memory_space<vmem>> -> memref<128xi32, #tpu.memory_space<vmem>>
        %dma_start3A_292 = arith.constant 0 : i32
        %dma_start3A_293 = arith.constant 0 : i32
        %dma_start3A_294 = tpu.memref_slice %arg2[%dma_start3A_292, %dma_start3A_293] : memref<10000x64xf32, #tpu.memory_space<hbm>> -> memref<10000x64xf32, #tpu.memory_space<hbm>>
        tpu.enqueue_indirect_dma source(%dma_start3A_294 : memref<10000x64xf32, #tpu.memory_space<hbm>>) target(%dma_start3A_290 : memref<128x64xf32, #tpu.memory_space<vmem>>) offsets(%dma_start3A_291 : memref<128xi32, #tpu.memory_space<vmem>>) semaphore(%arg13 : memref<!tpu.dma_semaphore, #tpu.memory_space<semaphore_mem>>)
      } else {
      }
      %add3A_185 = arith.constant 1 : i32
      %add3A_186 = arith.addi %add3A_154, %add3A_185 : i32
      %dma_wait3A_187 = arith.constant 0 : i32
      %dma_wait3A_188 = arith.constant 0 : i32
      %dma_wait3A_189 = tpu.memref_slice %arg9[%dma_wait3A_187, %dma_wait3A_188] : memref<128x64xf32, #tpu.memory_space<vmem>> -> memref<128x64xf32, #tpu.memory_space<vmem>>
      %dma_wait3A_190 = arith.constant 0 : i32
      %dma_wait3A_191 = tpu.memref_slice %arg6[%dma_wait3A_190] : memref<10000xi32, #tpu.memory_space<vmem>> -> memref<128xi32, #tpu.memory_space<vmem>>
      %dma_wait3A_192 = arith.constant 0 : i32
      %dma_wait3A_193 = arith.constant 0 : i32
      %dma_wait3A_194 = tpu.memref_slice %arg2[%dma_wait3A_192, %dma_wait3A_193] : memref<10000x64xf32, #tpu.memory_space<hbm>> -> memref<10000x64xf32, #tpu.memory_space<hbm>>
      tpu.wait_indirect_dma semaphore(%arg14 : memref<!tpu.dma_semaphore, #tpu.memory_space<semaphore_mem>>) src(%dma_wait3A_194 : memref<10000x64xf32, #tpu.memory_space<hbm>>) dst(%dma_wait3A_189 : memref<128x64xf32, #tpu.memory_space<vmem>>)
      %mul3A_195 = arith.constant 128 : i32
      %mul3A_196 = arith.muli %add3A_186, %mul3A_195 : i32
      %dma_start3A_197 = arith.constant 0 : i32
      %dma_start3A_198 = arith.constant 0 : i32
      %dma_start3A_199 = tpu.memref_slice %arg9[%dma_start3A_197, %dma_start3A_198] : memref<128x64xf32, #tpu.memory_space<vmem>> -> memref<128x64xf32, #tpu.memory_space<vmem>>
      %dma_start3A_200 = tpu.memref_slice %arg7[%mul3A_196] : memref<10000xi32, #tpu.memory_space<vmem>> -> memref<128xi32, #tpu.memory_space<vmem>>
      %dma_start3A_201 = arith.constant 0 : i32
      %dma_start3A_202 = arith.constant 0 : i32
      %dma_start3A_203 = tpu.memref_slice %arg12[%dma_start3A_201, %dma_start3A_202] : memref<10000x64xf32, #tpu.memory_space<vmem_shared>> -> memref<10000x64xf32, #tpu.memory_space<vmem_shared>>
      tpu.enqueue_indirect_dma source(%dma_start3A_199 : memref<128x64xf32, #tpu.memory_space<vmem>>) target(%dma_start3A_203 : memref<10000x64xf32, #tpu.memory_space<vmem_shared>>) offsets(%dma_start3A_200 : memref<128xi32, #tpu.memory_space<vmem>>) semaphore(%arg18 : memref<!tpu.dma_semaphore, #tpu.memory_space<semaphore_mem>>) {add = true}
      %dma_wait3A_204 = arith.constant 0 : i32
      %dma_wait3A_205 = arith.constant 0 : i32
      %dma_wait3A_206 = tpu.memref_slice %arg9[%dma_wait3A_204, %dma_wait3A_205] : memref<128x64xf32, #tpu.memory_space<vmem>> -> memref<128x64xf32, #tpu.memory_space<vmem>>
      %dma_wait3A_207 = tpu.memref_slice %arg7[%mul3A_196] : memref<10000xi32, #tpu.memory_space<vmem>> -> memref<128xi32, #tpu.memory_space<vmem>>
      %dma_wait3A_208 = arith.constant 0 : i32
      %dma_wait3A_209 = arith.constant 0 : i32
      %dma_wait3A_210 = tpu.memref_slice %arg12[%dma_wait3A_208, %dma_wait3A_209] : memref<10000x64xf32, #tpu.memory_space<vmem_shared>> -> memref<10000x64xf32, #tpu.memory_space<vmem_shared>>
      tpu.wait_indirect_dma semaphore(%arg18 : memref<!tpu.dma_semaphore, #tpu.memory_space<semaphore_mem>>) src(%dma_wait3A_206 : memref<128x64xf32, #tpu.memory_space<vmem>>) dst(%dma_wait3A_210 : memref<10000x64xf32, #tpu.memory_space<vmem_shared>>)
      %add3A_211 = arith.constant 4 : i32
      %add3A_212 = arith.addi %add3A_186, %add3A_211 : i32
      %lt3A_213 = arith.constant 78 : i32
      %lt3A_214 = arith.cmpi slt, %add3A_212, %lt3A_213 : i32
      %convert_element_type3A_215 = arith.extui %lt3A_214 : i1 to i32
      %cond3A_216 = arith.constant 0 : i32
      %cond3A_217 = arith.cmpi ne, %convert_element_type3A_215, %cond3A_216 : i32
      scf.if %cond3A_217 {
        %add3A_284 = arith.constant 4 : i32
        %add3A_285 = arith.addi %add3A_186, %add3A_284 : i32
        %mul3A_286 = arith.constant 128 : i32
        %mul3A_287 = arith.muli %add3A_285, %mul3A_286 : i32
        %dma_start3A_288 = arith.constant 0 : i32
        %dma_start3A_289 = arith.constant 0 : i32
        %dma_start3A_290 = tpu.memref_slice %arg9[%dma_start3A_288, %dma_start3A_289] : memref<128x64xf32, #tpu.memory_space<vmem>> -> memref<128x64xf32, #tpu.memory_space<vmem>>
        %dma_start3A_291 = tpu.memref_slice %arg6[%mul3A_287] : memref<10000xi32, #tpu.memory_space<vmem>> -> memref<128xi32, #tpu.memory_space<vmem>>
        %dma_start3A_292 = arith.constant 0 : i32
        %dma_start3A_293 = arith.constant 0 : i32
        %dma_start3A_294 = tpu.memref_slice %arg2[%dma_start3A_292, %dma_start3A_293] : memref<10000x64xf32, #tpu.memory_space<hbm>> -> memref<10000x64xf32, #tpu.memory_space<hbm>>
        tpu.enqueue_indirect_dma source(%dma_start3A_294 : memref<10000x64xf32, #tpu.memory_space<hbm>>) target(%dma_start3A_290 : memref<128x64xf32, #tpu.memory_space<vmem>>) offsets(%dma_start3A_291 : memref<128xi32, #tpu.memory_space<vmem>>) semaphore(%arg14 : memref<!tpu.dma_semaphore, #tpu.memory_space<semaphore_mem>>)
      } else {
      }
      %add3A_218 = arith.constant 2 : i32
      %add3A_219 = arith.addi %add3A_154, %add3A_218 : i32
      %dma_wait3A_220 = arith.constant 0 : i32
      %dma_wait3A_221 = arith.constant 0 : i32
      %dma_wait3A_222 = tpu.memref_slice %arg10[%dma_wait3A_220, %dma_wait3A_221] : memref<128x64xf32, #tpu.memory_space<vmem>> -> memref<128x64xf32, #tpu.memory_space<vmem>>
      %dma_wait3A_223 = arith.constant 0 : i32
      %dma_wait3A_224 = tpu.memref_slice %arg6[%dma_wait3A_223] : memref<10000xi32, #tpu.memory_space<vmem>> -> memref<128xi32, #tpu.memory_space<vmem>>
      %dma_wait3A_225 = arith.constant 0 : i32
      %dma_wait3A_226 = arith.constant 0 : i32
      %dma_wait3A_227 = tpu.memref_slice %arg2[%dma_wait3A_225, %dma_wait3A_226] : memref<10000x64xf32, #tpu.memory_space<hbm>> -> memref<10000x64xf32, #tpu.memory_space<hbm>>
      tpu.wait_indirect_dma semaphore(%arg15 : memref<!tpu.dma_semaphore, #tpu.memory_space<semaphore_mem>>) src(%dma_wait3A_227 : memref<10000x64xf32, #tpu.memory_space<hbm>>) dst(%dma_wait3A_222 : memref<128x64xf32, #tpu.memory_space<vmem>>)
      %mul3A_228 = arith.constant 128 : i32
      %mul3A_229 = arith.muli %add3A_219, %mul3A_228 : i32
      %dma_start3A_230 = arith.constant 0 : i32
      %dma_start3A_231 = arith.constant 0 : i32
      %dma_start3A_232 = tpu.memref_slice %arg10[%dma_start3A_230, %dma_start3A_231] : memref<128x64xf32, #tpu.memory_space<vmem>> -> memref<128x64xf32, #tpu.memory_space<vmem>>
      %dma_start3A_233 = tpu.memref_slice %arg7[%mul3A_229] : memref<10000xi32, #tpu.memory_space<vmem>> -> memref<128xi32, #tpu.memory_space<vmem>>
      %dma_start3A_234 = arith.constant 0 : i32
      %dma_start3A_235 = arith.constant 0 : i32
      %dma_start3A_236 = tpu.memref_slice %arg12[%dma_start3A_234, %dma_start3A_235] : memref<10000x64xf32, #tpu.memory_space<vmem_shared>> -> memref<10000x64xf32, #tpu.memory_space<vmem_shared>>
      tpu.enqueue_indirect_dma source(%dma_start3A_232 : memref<128x64xf32, #tpu.memory_space<vmem>>) target(%dma_start3A_236 : memref<10000x64xf32, #tpu.memory_space<vmem_shared>>) offsets(%dma_start3A_233 : memref<128xi32, #tpu.memory_space<vmem>>) semaphore(%arg19 : memref<!tpu.dma_semaphore, #tpu.memory_space<semaphore_mem>>) {add = true}
      %dma_wait3A_237 = arith.constant 0 : i32
      %dma_wait3A_238 = arith.constant 0 : i32
      %dma_wait3A_239 = tpu.memref_slice %arg10[%dma_wait3A_237, %dma_wait3A_238] : memref<128x64xf32, #tpu.memory_space<vmem>> -> memref<128x64xf32, #tpu.memory_space<vmem>>
      %dma_wait3A_240 = tpu.memref_slice %arg7[%mul3A_229] : memref<10000xi32, #tpu.memory_space<vmem>> -> memref<128xi32, #tpu.memory_space<vmem>>
      %dma_wait3A_241 = arith.constant 0 : i32
      %dma_wait3A_242 = arith.constant 0 : i32
      %dma_wait3A_243 = tpu.memref_slice %arg12[%dma_wait3A_241, %dma_wait3A_242] : memref<10000x64xf32, #tpu.memory_space<vmem_shared>> -> memref<10000x64xf32, #tpu.memory_space<vmem_shared>>
      tpu.wait_indirect_dma semaphore(%arg19 : memref<!tpu.dma_semaphore, #tpu.memory_space<semaphore_mem>>) src(%dma_wait3A_239 : memref<128x64xf32, #tpu.memory_space<vmem>>) dst(%dma_wait3A_243 : memref<10000x64xf32, #tpu.memory_space<vmem_shared>>)
      %add3A_244 = arith.constant 4 : i32
      %add3A_245 = arith.addi %add3A_219, %add3A_244 : i32
      %lt3A_246 = arith.constant 78 : i32
      %lt3A_247 = arith.cmpi slt, %add3A_245, %lt3A_246 : i32
      %convert_element_type3A_248 = arith.extui %lt3A_247 : i1 to i32
      %cond3A_249 = arith.constant 0 : i32
      %cond3A_250 = arith.cmpi ne, %convert_element_type3A_248, %cond3A_249 : i32
      scf.if %cond3A_250 {
        %add3A_284 = arith.constant 4 : i32
        %add3A_285 = arith.addi %add3A_219, %add3A_284 : i32
        %mul3A_286 = arith.constant 128 : i32
        %mul3A_287 = arith.muli %add3A_285, %mul3A_286 : i32
        %dma_start3A_288 = arith.constant 0 : i32
        %dma_start3A_289 = arith.constant 0 : i32
        %dma_start3A_290 = tpu.memref_slice %arg10[%dma_start3A_288, %dma_start3A_289] : memref<128x64xf32, #tpu.memory_space<vmem>> -> memref<128x64xf32, #tpu.memory_space<vmem>>
        %dma_start3A_291 = tpu.memref_slice %arg6[%mul3A_287] : memref<10000xi32, #tpu.memory_space<vmem>> -> memref<128xi32, #tpu.memory_space<vmem>>
        %dma_start3A_292 = arith.constant 0 : i32
        %dma_start3A_293 = arith.constant 0 : i32
        %dma_start3A_294 = tpu.memref_slice %arg2[%dma_start3A_292, %dma_start3A_293] : memref<10000x64xf32, #tpu.memory_space<hbm>> -> memref<10000x64xf32, #tpu.memory_space<hbm>>
        tpu.enqueue_indirect_dma source(%dma_start3A_294 : memref<10000x64xf32, #tpu.memory_space<hbm>>) target(%dma_start3A_290 : memref<128x64xf32, #tpu.memory_space<vmem>>) offsets(%dma_start3A_291 : memref<128xi32, #tpu.memory_space<vmem>>) semaphore(%arg15 : memref<!tpu.dma_semaphore, #tpu.memory_space<semaphore_mem>>)
      } else {
      }
      %add3A_251 = arith.constant 3 : i32
      %add3A_252 = arith.addi %add3A_154, %add3A_251 : i32
      %dma_wait3A_253 = arith.constant 0 : i32
      %dma_wait3A_254 = arith.constant 0 : i32
      %dma_wait3A_255 = tpu.memref_slice %arg11[%dma_wait3A_253, %dma_wait3A_254] : memref<128x64xf32, #tpu.memory_space<vmem>> -> memref<128x64xf32, #tpu.memory_space<vmem>>
      %dma_wait3A_256 = arith.constant 0 : i32
      %dma_wait3A_257 = tpu.memref_slice %arg6[%dma_wait3A_256] : memref<10000xi32, #tpu.memory_space<vmem>> -> memref<128xi32, #tpu.memory_space<vmem>>
      %dma_wait3A_258 = arith.constant 0 : i32
      %dma_wait3A_259 = arith.constant 0 : i32
      %dma_wait3A_260 = tpu.memref_slice %arg2[%dma_wait3A_258, %dma_wait3A_259] : memref<10000x64xf32, #tpu.memory_space<hbm>> -> memref<10000x64xf32, #tpu.memory_space<hbm>>
      tpu.wait_indirect_dma semaphore(%arg16 : memref<!tpu.dma_semaphore, #tpu.memory_space<semaphore_mem>>) src(%dma_wait3A_260 : memref<10000x64xf32, #tpu.memory_space<hbm>>) dst(%dma_wait3A_255 : memref<128x64xf32, #tpu.memory_space<vmem>>)
      %mul3A_261 = arith.constant 128 : i32
      %mul3A_262 = arith.muli %add3A_252, %mul3A_261 : i32
      %dma_start3A_263 = arith.constant 0 : i32
      %dma_start3A_264 = arith.constant 0 : i32
      %dma_start3A_265 = tpu.memref_slice %arg11[%dma_start3A_263, %dma_start3A_264] : memref<128x64xf32, #tpu.memory_space<vmem>> -> memref<128x64xf32, #tpu.memory_space<vmem>>
      %dma_start3A_266 = tpu.memref_slice %arg7[%mul3A_262] : memref<10000xi32, #tpu.memory_space<vmem>> -> memref<128xi32, #tpu.memory_space<vmem>>
      %dma_start3A_267 = arith.constant 0 : i32
      %dma_start3A_268 = arith.constant 0 : i32
      %dma_start3A_269 = tpu.memref_slice %arg12[%dma_start3A_267, %dma_start3A_268] : memref<10000x64xf32, #tpu.memory_space<vmem_shared>> -> memref<10000x64xf32, #tpu.memory_space<vmem_shared>>
      tpu.enqueue_indirect_dma source(%dma_start3A_265 : memref<128x64xf32, #tpu.memory_space<vmem>>) target(%dma_start3A_269 : memref<10000x64xf32, #tpu.memory_space<vmem_shared>>) offsets(%dma_start3A_266 : memref<128xi32, #tpu.memory_space<vmem>>) semaphore(%arg20 : memref<!tpu.dma_semaphore, #tpu.memory_space<semaphore_mem>>) {add = true}
      %dma_wait3A_270 = arith.constant 0 : i32
      %dma_wait3A_271 = arith.constant 0 : i32
      %dma_wait3A_272 = tpu.memref_slice %arg11[%dma_wait3A_270, %dma_wait3A_271] : memref<128x64xf32, #tpu.memory_space<vmem>> -> memref<128x64xf32, #tpu.memory_space<vmem>>
      %dma_wait3A_273 = tpu.memref_slice %arg7[%mul3A_262] : memref<10000xi32, #tpu.memory_space<vmem>> -> memref<128xi32, #tpu.memory_space<vmem>>
      %dma_wait3A_274 = arith.constant 0 : i32
      %dma_wait3A_275 = arith.constant 0 : i32
      %dma_wait3A_276 = tpu.memref_slice %arg12[%dma_wait3A_274, %dma_wait3A_275] : memref<10000x64xf32, #tpu.memory_space<vmem_shared>> -> memref<10000x64xf32, #tpu.memory_space<vmem_shared>>
      tpu.wait_indirect_dma semaphore(%arg20 : memref<!tpu.dma_semaphore, #tpu.memory_space<semaphore_mem>>) src(%dma_wait3A_272 : memref<128x64xf32, #tpu.memory_space<vmem>>) dst(%dma_wait3A_276 : memref<10000x64xf32, #tpu.memory_space<vmem_shared>>)
      %add3A_277 = arith.constant 4 : i32
      %add3A_278 = arith.addi %add3A_252, %add3A_277 : i32
      %lt3A_279 = arith.constant 78 : i32
      %lt3A_280 = arith.cmpi slt, %add3A_278, %lt3A_279 : i32
      %convert_element_type3A_281 = arith.extui %lt3A_280 : i1 to i32
      %cond3A_282 = arith.constant 0 : i32
      %cond3A_283 = arith.cmpi ne, %convert_element_type3A_281, %cond3A_282 : i32
      scf.if %cond3A_283 {
        %add3A_284 = arith.constant 4 : i32
        %add3A_285 = arith.addi %add3A_252, %add3A_284 : i32
        %mul3A_286 = arith.constant 128 : i32
        %mul3A_287 = arith.muli %add3A_285, %mul3A_286 : i32
        %dma_start3A_288 = arith.constant 0 : i32
        %dma_start3A_289 = arith.constant 0 : i32
        %dma_start3A_290 = tpu.memref_slice %arg11[%dma_start3A_288, %dma_start3A_289] : memref<128x64xf32, #tpu.memory_space<vmem>> -> memref<128x64xf32, #tpu.memory_space<vmem>>
        %dma_start3A_291 = tpu.memref_slice %arg6[%mul3A_287] : memref<10000xi32, #tpu.memory_space<vmem>> -> memref<128xi32, #tpu.memory_space<vmem>>
        %dma_start3A_292 = arith.constant 0 : i32
        %dma_start3A_293 = arith.constant 0 : i32
        %dma_start3A_294 = tpu.memref_slice %arg2[%dma_start3A_292, %dma_start3A_293] : memref<10000x64xf32, #tpu.memory_space<hbm>> -> memref<10000x64xf32, #tpu.memory_space<hbm>>
        tpu.enqueue_indirect_dma source(%dma_start3A_294 : memref<10000x64xf32, #tpu.memory_space<hbm>>) target(%dma_start3A_290 : memref<128x64xf32, #tpu.memory_space<vmem>>) offsets(%dma_start3A_291 : memref<128xi32, #tpu.memory_space<vmem>>) semaphore(%arg16 : memref<!tpu.dma_semaphore, #tpu.memory_space<semaphore_mem>>)
      } else {
      }
    }
    %scan3A_68 = arith.constant 19 : i32
    %dma_wait3A_69 = arith.constant 0 : i32
    %dma_wait3A_70 = arith.constant 0 : i32
    %dma_wait3A_71 = tpu.memref_slice %arg8[%dma_wait3A_69, %dma_wait3A_70] : memref<128x64xf32, #tpu.memory_space<vmem>> -> memref<128x64xf32, #tpu.memory_space<vmem>>
    %dma_wait3A_72 = arith.constant 0 : i32
    %dma_wait3A_73 = tpu.memref_slice %arg6[%dma_wait3A_72] : memref<10000xi32, #tpu.memory_space<vmem>> -> memref<128xi32, #tpu.memory_space<vmem>>
    %dma_wait3A_74 = arith.constant 0 : i32
    %dma_wait3A_75 = arith.constant 0 : i32
    %dma_wait3A_76 = tpu.memref_slice %arg2[%dma_wait3A_74, %dma_wait3A_75] : memref<10000x64xf32, #tpu.memory_space<hbm>> -> memref<10000x64xf32, #tpu.memory_space<hbm>>
    tpu.wait_indirect_dma semaphore(%arg13 : memref<!tpu.dma_semaphore, #tpu.memory_space<semaphore_mem>>) src(%dma_wait3A_76 : memref<10000x64xf32, #tpu.memory_space<hbm>>) dst(%dma_wait3A_71 : memref<128x64xf32, #tpu.memory_space<vmem>>)
    %dma_start3A_77 = arith.constant 0 : i32
    %dma_start3A_78 = arith.constant 0 : i32
    %dma_start3A_79 = tpu.memref_slice %arg8[%dma_start3A_77, %dma_start3A_78] : memref<128x64xf32, #tpu.memory_space<vmem>> -> memref<128x64xf32, #tpu.memory_space<vmem>>
    %dma_start3A_80 = arith.constant 9728 : i32
    %dma_start3A_81 = tpu.memref_slice %arg7[%dma_start3A_80] : memref<10000xi32, #tpu.memory_space<vmem>> -> memref<128xi32, #tpu.memory_space<vmem>>
    %dma_start3A_82 = arith.constant 0 : i32
    %dma_start3A_83 = arith.constant 0 : i32
    %dma_start3A_84 = tpu.memref_slice %arg12[%dma_start3A_82, %dma_start3A_83] : memref<10000x64xf32, #tpu.memory_space<vmem_shared>> -> memref<10000x64xf32, #tpu.memory_space<vmem_shared>>
    tpu.enqueue_indirect_dma source(%dma_start3A_79 : memref<128x64xf32, #tpu.memory_space<vmem>>) target(%dma_start3A_84 : memref<10000x64xf32, #tpu.memory_space<vmem_shared>>) offsets(%dma_start3A_81 : memref<128xi32, #tpu.memory_space<vmem>>) semaphore(%arg17 : memref<!tpu.dma_semaphore, #tpu.memory_space<semaphore_mem>>) {add = true}
    %dma_wait3A_85 = arith.constant 0 : i32
    %dma_wait3A_86 = arith.constant 0 : i32
    %dma_wait3A_87 = tpu.memref_slice %arg8[%dma_wait3A_85, %dma_wait3A_86] : memref<128x64xf32, #tpu.memory_space<vmem>> -> memref<128x64xf32, #tpu.memory_space<vmem>>
    %dma_wait3A_88 = arith.constant 9728 : i32
    %dma_wait3A_89 = tpu.memref_slice %arg7[%dma_wait3A_88] : memref<10000xi32, #tpu.memory_space<vmem>> -> memref<128xi32, #tpu.memory_space<vmem>>
    %dma_wait3A_90 = arith.constant 0 : i32
    %dma_wait3A_91 = arith.constant 0 : i32
    %dma_wait3A_92 = tpu.memref_slice %arg12[%dma_wait3A_90, %dma_wait3A_91] : memref<10000x64xf32, #tpu.memory_space<vmem_shared>> -> memref<10000x64xf32, #tpu.memory_space<vmem_shared>>
    tpu.wait_indirect_dma semaphore(%arg17 : memref<!tpu.dma_semaphore, #tpu.memory_space<semaphore_mem>>) src(%dma_wait3A_87 : memref<128x64xf32, #tpu.memory_space<vmem>>) dst(%dma_wait3A_92 : memref<10000x64xf32, #tpu.memory_space<vmem_shared>>)
    %dma_wait3A_93 = arith.constant 0 : i32
    %dma_wait3A_94 = arith.constant 0 : i32
    %dma_wait3A_95 = tpu.memref_slice %arg9[%dma_wait3A_93, %dma_wait3A_94] : memref<128x64xf32, #tpu.memory_space<vmem>> -> memref<128x64xf32, #tpu.memory_space<vmem>>
    %dma_wait3A_96 = arith.constant 0 : i32
    %dma_wait3A_97 = tpu.memref_slice %arg6[%dma_wait3A_96] : memref<10000xi32, #tpu.memory_space<vmem>> -> memref<128xi32, #tpu.memory_space<vmem>>
    %dma_wait3A_98 = arith.constant 0 : i32
    %dma_wait3A_99 = arith.constant 0 : i32
    %dma_wait3A_100 = tpu.memref_slice %arg2[%dma_wait3A_98, %dma_wait3A_99] : memref<10000x64xf32, #tpu.memory_space<hbm>> -> memref<10000x64xf32, #tpu.memory_space<hbm>>
    tpu.wait_indirect_dma semaphore(%arg14 : memref<!tpu.dma_semaphore, #tpu.memory_space<semaphore_mem>>) src(%dma_wait3A_100 : memref<10000x64xf32, #tpu.memory_space<hbm>>) dst(%dma_wait3A_95 : memref<128x64xf32, #tpu.memory_space<vmem>>)
    %dma_start3A_101 = arith.constant 0 : i32
    %dma_start3A_102 = arith.constant 0 : i32
    %dma_start3A_103 = tpu.memref_slice %arg9[%dma_start3A_101, %dma_start3A_102] : memref<128x64xf32, #tpu.memory_space<vmem>> -> memref<128x64xf32, #tpu.memory_space<vmem>>
    %dma_start3A_104 = arith.constant 9856 : i32
    %dma_start3A_105 = tpu.memref_slice %arg7[%dma_start3A_104] : memref<10000xi32, #tpu.memory_space<vmem>> -> memref<128xi32, #tpu.memory_space<vmem>>
    %dma_start3A_106 = arith.constant 0 : i32
    %dma_start3A_107 = arith.constant 0 : i32
    %dma_start3A_108 = tpu.memref_slice %arg12[%dma_start3A_106, %dma_start3A_107] : memref<10000x64xf32, #tpu.memory_space<vmem_shared>> -> memref<10000x64xf32, #tpu.memory_space<vmem_shared>>
    tpu.enqueue_indirect_dma source(%dma_start3A_103 : memref<128x64xf32, #tpu.memory_space<vmem>>) target(%dma_start3A_108 : memref<10000x64xf32, #tpu.memory_space<vmem_shared>>) offsets(%dma_start3A_105 : memref<128xi32, #tpu.memory_space<vmem>>) semaphore(%arg18 : memref<!tpu.dma_semaphore, #tpu.memory_space<semaphore_mem>>) {add = true}
    %dma_wait3A_109 = arith.constant 0 : i32
    %dma_wait3A_110 = arith.constant 0 : i32
    %dma_wait3A_111 = tpu.memref_slice %arg9[%dma_wait3A_109, %dma_wait3A_110] : memref<128x64xf32, #tpu.memory_space<vmem>> -> memref<128x64xf32, #tpu.memory_space<vmem>>
    %dma_wait3A_112 = arith.constant 9856 : i32
    %dma_wait3A_113 = tpu.memref_slice %arg7[%dma_wait3A_112] : memref<10000xi32, #tpu.memory_space<vmem>> -> memref<128xi32, #tpu.memory_space<vmem>>
    %dma_wait3A_114 = arith.constant 0 : i32
    %dma_wait3A_115 = arith.constant 0 : i32
    %dma_wait3A_116 = tpu.memref_slice %arg12[%dma_wait3A_114, %dma_wait3A_115] : memref<10000x64xf32, #tpu.memory_space<vmem_shared>> -> memref<10000x64xf32, #tpu.memory_space<vmem_shared>>
    tpu.wait_indirect_dma semaphore(%arg18 : memref<!tpu.dma_semaphore, #tpu.memory_space<semaphore_mem>>) src(%dma_wait3A_111 : memref<128x64xf32, #tpu.memory_space<vmem>>) dst(%dma_wait3A_116 : memref<10000x64xf32, #tpu.memory_space<vmem_shared>>)
    %dma_start3A_117 = arith.constant 0 : i32
    %dma_start3A_118 = arith.constant 0 : i32
    %dma_start3A_119 = tpu.memref_slice %arg8[%dma_start3A_117, %dma_start3A_118] : memref<128x64xf32, #tpu.memory_space<vmem>> -> memref<16x64xf32, #tpu.memory_space<vmem>>
    %dma_start3A_120 = arith.constant 9984 : i32
    %dma_start3A_121 = tpu.memref_slice %arg6[%dma_start3A_120] : memref<10000xi32, #tpu.memory_space<vmem>> -> memref<16xi32, #tpu.memory_space<vmem>>
    %dma_start3A_122 = arith.constant 0 : i32
    %dma_start3A_123 = arith.constant 0 : i32
    %dma_start3A_124 = tpu.memref_slice %arg2[%dma_start3A_122, %dma_start3A_123] : memref<10000x64xf32, #tpu.memory_space<hbm>> -> memref<10000x64xf32, #tpu.memory_space<hbm>>
    tpu.enqueue_indirect_dma source(%dma_start3A_124 : memref<10000x64xf32, #tpu.memory_space<hbm>>) target(%dma_start3A_119 : memref<16x64xf32, #tpu.memory_space<vmem>>) offsets(%dma_start3A_121 : memref<16xi32, #tpu.memory_space<vmem>>) semaphore(%arg13 : memref<!tpu.dma_semaphore, #tpu.memory_space<semaphore_mem>>)
    %dma_wait3A_125 = arith.constant 0 : i32
    %dma_wait3A_126 = arith.constant 0 : i32
    %dma_wait3A_127 = tpu.memref_slice %arg8[%dma_wait3A_125, %dma_wait3A_126] : memref<128x64xf32, #tpu.memory_space<vmem>> -> memref<16x64xf32, #tpu.memory_space<vmem>>
    %dma_wait3A_128 = arith.constant 0 : i32
    %dma_wait3A_129 = tpu.memref_slice %arg6[%dma_wait3A_128] : memref<10000xi32, #tpu.memory_space<vmem>> -> memref<16xi32, #tpu.memory_space<vmem>>
    %dma_wait3A_130 = arith.constant 0 : i32
    %dma_wait3A_131 = arith.constant 0 : i32
    %dma_wait3A_132 = tpu.memref_slice %arg2[%dma_wait3A_130, %dma_wait3A_131] : memref<10000x64xf32, #tpu.memory_space<hbm>> -> memref<10000x64xf32, #tpu.memory_space<hbm>>
    tpu.wait_indirect_dma semaphore(%arg13 : memref<!tpu.dma_semaphore, #tpu.memory_space<semaphore_mem>>) src(%dma_wait3A_132 : memref<10000x64xf32, #tpu.memory_space<hbm>>) dst(%dma_wait3A_127 : memref<16x64xf32, #tpu.memory_space<vmem>>)
    %dma_start3A_133 = arith.constant 0 : i32
    %dma_start3A_134 = arith.constant 0 : i32
    %dma_start3A_135 = tpu.memref_slice %arg8[%dma_start3A_133, %dma_start3A_134] : memref<128x64xf32, #tpu.memory_space<vmem>> -> memref<16x64xf32, #tpu.memory_space<vmem>>
    %dma_start3A_136 = arith.constant 9984 : i32
    %dma_start3A_137 = tpu.memref_slice %arg7[%dma_start3A_136] : memref<10000xi32, #tpu.memory_space<vmem>> -> memref<16xi32, #tpu.memory_space<vmem>>
    %dma_start3A_138 = arith.constant 0 : i32
    %dma_start3A_139 = arith.constant 0 : i32
    %dma_start3A_140 = tpu.memref_slice %arg12[%dma_start3A_138, %dma_start3A_139] : memref<10000x64xf32, #tpu.memory_space<vmem_shared>> -> memref<10000x64xf32, #tpu.memory_space<vmem_shared>>
    tpu.enqueue_indirect_dma source(%dma_start3A_135 : memref<16x64xf32, #tpu.memory_space<vmem>>) target(%dma_start3A_140 : memref<10000x64xf32, #tpu.memory_space<vmem_shared>>) offsets(%dma_start3A_137 : memref<16xi32, #tpu.memory_space<vmem>>) semaphore(%arg17 : memref<!tpu.dma_semaphore, #tpu.memory_space<semaphore_mem>>) {add = true}
    %dma_wait3A_141 = arith.constant 0 : i32
    %dma_wait3A_142 = arith.constant 0 : i32
    %dma_wait3A_143 = tpu.memref_slice %arg8[%dma_wait3A_141, %dma_wait3A_142] : memref<128x64xf32, #tpu.memory_space<vmem>> -> memref<16x64xf32, #tpu.memory_space<vmem>>
    %dma_wait3A_144 = arith.constant 9984 : i32
    %dma_wait3A_145 = tpu.memref_slice %arg7[%dma_wait3A_144] : memref<10000xi32, #tpu.memory_space<vmem>> -> memref<16xi32, #tpu.memory_space<vmem>>
    %dma_wait3A_146 = arith.constant 0 : i32
    %dma_wait3A_147 = arith.constant 0 : i32
    %dma_wait3A_148 = tpu.memref_slice %arg12[%dma_wait3A_146, %dma_wait3A_147] : memref<10000x64xf32, #tpu.memory_space<vmem_shared>> -> memref<10000x64xf32, #tpu.memory_space<vmem_shared>>
    tpu.wait_indirect_dma semaphore(%arg17 : memref<!tpu.dma_semaphore, #tpu.memory_space<semaphore_mem>>) src(%dma_wait3A_143 : memref<16x64xf32, #tpu.memory_space<vmem>>) dst(%dma_wait3A_148 : memref<10000x64xf32, #tpu.memory_space<vmem_shared>>)
    %barrier3A_149 = arith.constant 0 : index
    tpu.barrier barrier_id(%barrier3A_149)
    "tpu.region"() ({
      %run_scoped3A = tpu.sem_alloc : memref<!tpu.dma_semaphore, #tpu.memory_space<semaphore_mem>>
      %dma_start3A_150 = arith.constant 0 : i32
      %dma_start3A_151 = tpu.memref_slice %arg5[%arg0, %mul3A_2, %dma_start3A_150] : memref<2x10000x64xf32, #tpu.memory_space<hbm>> -> memref<1x625x64xf32, #tpu.memory_space<hbm>>
      %dma_start3A_152 = tpu.memref_squeeze %dma_start3A_151 : memref<1x625x64xf32, #tpu.memory_space<hbm>> -> memref<625x64xf32, #tpu.memory_space<hbm>>
      %dma_start3A_153 = arith.constant 0 : i32
      %dma_start3A_154 = tpu.memref_slice %arg12[%mul3A_2, %dma_start3A_153] : memref<10000x64xf32, #tpu.memory_space<vmem_shared>> -> memref<625x64xf32, #tpu.memory_space<vmem_shared>>
      tpu.enqueue_dma source(%dma_start3A_154 : memref<625x64xf32, #tpu.memory_space<vmem_shared>>) target(%dma_start3A_152 : memref<625x64xf32, #tpu.memory_space<hbm>>) target_semaphore(%run_scoped3A : memref<!tpu.dma_semaphore, #tpu.memory_space<semaphore_mem>>)
      %dma_wait3A_155 = arith.constant 0 : i32
      %dma_wait3A_156 = tpu.memref_slice %arg5[%arg0, %mul3A_2, %dma_wait3A_155] : memref<2x10000x64xf32, #tpu.memory_space<hbm>> -> memref<1x625x64xf32, #tpu.memory_space<hbm>>
      %dma_wait3A_157 = tpu.memref_squeeze %dma_wait3A_156 : memref<1x625x64xf32, #tpu.memory_space<hbm>> -> memref<625x64xf32, #tpu.memory_space<hbm>>
      %dma_wait3A_158 = arith.constant 0 : i32
      %dma_wait3A_159 = tpu.memref_slice %arg12[%mul3A_2, %dma_wait3A_158] : memref<10000x64xf32, #tpu.memory_space<vmem_shared>> -> memref<625x64xf32, #tpu.memory_space<vmem_shared>>
      tpu.wait_dma2 semaphore(%run_scoped3A : memref<!tpu.dma_semaphore, #tpu.memory_space<semaphore_mem>>) src(%dma_wait3A_159 : memref<625x64xf32, #tpu.memory_space<vmem_shared>>) dst(%dma_wait3A_157 : memref<625x64xf32, #tpu.memory_space<hbm>>)
      tpu.yield
    }) : () -> ()
    return
  }
}

#map = affine_map<(d0, d1) -> (0, 0)>
#map1 = affine_map<(d0, d1) -> (0, 0, 0)>
module attributes {stable_mosaic.version = 14 : i64} {
  func.func @seg_kernel(%arg0: i32, %arg1: i32, %arg2: memref<10000x64xf32, #tpu.memory_space<hbm>>, %arg3: memref<2x320000xi32, #tpu.memory_space<hbm>>, %arg4: memref<10000x64xf32, #tpu.memory_space<hbm>>, %arg5: memref<2x10000x64xf32, #tpu.memory_space<hbm>>, %arg6: memref<10000xi32, #tpu.memory_space<vmem>>, %arg7: memref<10000xi32, #tpu.memory_space<vmem>>, %arg8: memref<128x64xf32, #tpu.memory_space<vmem>>, %arg9: memref<128x64xf32, #tpu.memory_space<vmem>>, %arg10: memref<128x64xf32, #tpu.memory_space<vmem>>, %arg11: memref<128x64xf32, #tpu.memory_space<vmem>>, %arg12: memref<10000x64xf32, #tpu.memory_space<vmem_shared>>, %arg13: memref<!tpu.dma_semaphore, #tpu.memory_space<semaphore_mem>>, %arg14: memref<!tpu.dma_semaphore, #tpu.memory_space<semaphore_mem>>, %arg15: memref<!tpu.dma_semaphore, #tpu.memory_space<semaphore_mem>>, %arg16: memref<!tpu.dma_semaphore, #tpu.memory_space<semaphore_mem>>, %arg17: memref<!tpu.dma_semaphore, #tpu.memory_space<semaphore_mem>>, %arg18: memref<!tpu.dma_semaphore, #tpu.memory_space<semaphore_mem>>, %arg19: memref<!tpu.dma_semaphore, #tpu.memory_space<semaphore_mem>>, %arg20: memref<!tpu.dma_semaphore, #tpu.memory_space<semaphore_mem>>) attributes {dimension_semantics = [#tpu.dimension_semantics<core_parallel>, #tpu.dimension_semantics<subcore_parallel>], iteration_bounds = array<i64: 2, 16>, scalar_prefetch = 0 : i64, scratch_operands = 15 : i64, tpu.core_type = #tpu.core_type<sc_vector_subcore>, window_params = [{transform_indices = #map}, {transform_indices = #map}, {transform_indices = #map}, {transform_indices = #map1}]} {
    %mul3A = arith.constant 2 : i32
    %mul3A_0 = arith.muli %arg1, %mul3A : i32
    %add3A = arith.addi %mul3A_0, %arg0 : i32
    %mul3A_1 = arith.constant 625 : i32
    %mul3A_2 = arith.muli %arg1, %mul3A_1 : i32
    %dma_start3A = arith.constant 0 : i32
    %dma_start3A_3 = tpu.memref_slice %arg12[%mul3A_2, %dma_start3A] : memref<10000x64xf32, #tpu.memory_space<vmem_shared>> -> memref<625x64xf32, #tpu.memory_space<vmem_shared>>
    %dma_start3A_4 = arith.constant 0 : i32
    %dma_start3A_5 = tpu.memref_slice %arg4[%mul3A_2, %dma_start3A_4] : memref<10000x64xf32, #tpu.memory_space<hbm>> -> memref<625x64xf32, #tpu.memory_space<hbm>>
    tpu.enqueue_dma source(%dma_start3A_5 : memref<625x64xf32, #tpu.memory_space<hbm>>) target(%dma_start3A_3 : memref<625x64xf32, #tpu.memory_space<vmem_shared>>) target_semaphore(%arg13 : memref<!tpu.dma_semaphore, #tpu.memory_space<semaphore_mem>>)
    %mul3A_6 = arith.constant 10000 : i32
    %mul3A_7 = arith.muli %add3A, %mul3A_6 : i32
    %dma_start3A_8 = arith.constant 0 : i32
    %dma_start3A_9 = tpu.memref_slice %arg3[%dma_start3A_8, %mul3A_7] : memref<2x320000xi32, #tpu.memory_space<hbm>> -> memref<1x10000xi32, #tpu.memory_space<hbm>>
    %dma_start3A_10 = tpu.memref_squeeze %dma_start3A_9 : memref<1x10000xi32, #tpu.memory_space<hbm>> -> memref<10000xi32, #tpu.memory_space<hbm>>
    %dma_start3A_11 = tpu.memref_slice %arg3[%dma_start3A_8, %mul3A_7] : memref<2x320000xi32, #tpu.memory_space<hbm>> -> memref<1x10000xi32, #tpu.memory_space<hbm>>
    %dma_start3A_12 = tpu.memref_squeeze %dma_start3A_11 : memref<1x10000xi32, #tpu.memory_space<hbm>> -> memref<10000xi32, #tpu.memory_space<hbm>>
    tpu.enqueue_dma source(%dma_start3A_12 : memref<10000xi32, #tpu.memory_space<hbm>>) target(%arg6 : memref<10000xi32, #tpu.memory_space<vmem>>) target_semaphore(%arg14 : memref<!tpu.dma_semaphore, #tpu.memory_space<semaphore_mem>>)
    %mul3A_13 = arith.constant 10000 : i32
    %mul3A_14 = arith.muli %add3A, %mul3A_13 : i32
    %dma_start3A_15 = arith.constant 1 : i32
    %dma_start3A_16 = tpu.memref_slice %arg3[%dma_start3A_15, %mul3A_14] : memref<2x320000xi32, #tpu.memory_space<hbm>> -> memref<1x10000xi32, #tpu.memory_space<hbm>>
    %dma_start3A_17 = tpu.memref_squeeze %dma_start3A_16 : memref<1x10000xi32, #tpu.memory_space<hbm>> -> memref<10000xi32, #tpu.memory_space<hbm>>
    %dma_start3A_18 = tpu.memref_slice %arg3[%dma_start3A_15, %mul3A_14] : memref<2x320000xi32, #tpu.memory_space<hbm>> -> memref<1x10000xi32, #tpu.memory_space<hbm>>
    %dma_start3A_19 = tpu.memref_squeeze %dma_start3A_18 : memref<1x10000xi32, #tpu.memory_space<hbm>> -> memref<10000xi32, #tpu.memory_space<hbm>>
    tpu.enqueue_dma source(%dma_start3A_19 : memref<10000xi32, #tpu.memory_space<hbm>>) target(%arg7 : memref<10000xi32, #tpu.memory_space<vmem>>) target_semaphore(%arg15 : memref<!tpu.dma_semaphore, #tpu.memory_space<semaphore_mem>>)
    %dma_wait3A = arith.constant 0 : i32
    %dma_wait3A_20 = tpu.memref_slice %arg3[%dma_wait3A, %mul3A_7] : memref<2x320000xi32, #tpu.memory_space<hbm>> -> memref<1x10000xi32, #tpu.memory_space<hbm>>
    %dma_wait3A_21 = tpu.memref_squeeze %dma_wait3A_20 : memref<1x10000xi32, #tpu.memory_space<hbm>> -> memref<10000xi32, #tpu.memory_space<hbm>>
    %dma_wait3A_22 = tpu.memref_slice %arg3[%dma_wait3A, %mul3A_7] : memref<2x320000xi32, #tpu.memory_space<hbm>> -> memref<1x10000xi32, #tpu.memory_space<hbm>>
    %dma_wait3A_23 = tpu.memref_squeeze %dma_wait3A_22 : memref<1x10000xi32, #tpu.memory_space<hbm>> -> memref<10000xi32, #tpu.memory_space<hbm>>
    tpu.wait_dma2 semaphore(%arg14 : memref<!tpu.dma_semaphore, #tpu.memory_space<semaphore_mem>>) src(%dma_wait3A_23 : memref<10000xi32, #tpu.memory_space<hbm>>) dst(%arg6 : memref<10000xi32, #tpu.memory_space<vmem>>)
    %dma_wait3A_24 = arith.constant 1 : i32
    %dma_wait3A_25 = tpu.memref_slice %arg3[%dma_wait3A_24, %mul3A_14] : memref<2x320000xi32, #tpu.memory_space<hbm>> -> memref<1x10000xi32, #tpu.memory_space<hbm>>
    %dma_wait3A_26 = tpu.memref_squeeze %dma_wait3A_25 : memref<1x10000xi32, #tpu.memory_space<hbm>> -> memref<10000xi32, #tpu.memory_space<hbm>>
    %dma_wait3A_27 = tpu.memref_slice %arg3[%dma_wait3A_24, %mul3A_14] : memref<2x320000xi32, #tpu.memory_space<hbm>> -> memref<1x10000xi32, #tpu.memory_space<hbm>>
    %dma_wait3A_28 = tpu.memref_squeeze %dma_wait3A_27 : memref<1x10000xi32, #tpu.memory_space<hbm>> -> memref<10000xi32, #tpu.memory_space<hbm>>
    tpu.wait_dma2 semaphore(%arg15 : memref<!tpu.dma_semaphore, #tpu.memory_space<semaphore_mem>>) src(%dma_wait3A_28 : memref<10000xi32, #tpu.memory_space<hbm>>) dst(%arg7 : memref<10000xi32, #tpu.memory_space<vmem>>)
    %dma_wait3A_29 = arith.constant 0 : i32
    %dma_wait3A_30 = tpu.memref_slice %arg12[%mul3A_2, %dma_wait3A_29] : memref<10000x64xf32, #tpu.memory_space<vmem_shared>> -> memref<625x64xf32, #tpu.memory_space<vmem_shared>>
    %dma_wait3A_31 = arith.constant 0 : i32
    %dma_wait3A_32 = tpu.memref_slice %arg4[%mul3A_2, %dma_wait3A_31] : memref<10000x64xf32, #tpu.memory_space<hbm>> -> memref<625x64xf32, #tpu.memory_space<hbm>>
    tpu.wait_dma2 semaphore(%arg13 : memref<!tpu.dma_semaphore, #tpu.memory_space<semaphore_mem>>) src(%dma_wait3A_32 : memref<625x64xf32, #tpu.memory_space<hbm>>) dst(%dma_wait3A_30 : memref<625x64xf32, #tpu.memory_space<vmem_shared>>)
    %barrier3A = arith.constant 0 : index
    tpu.barrier barrier_id(%barrier3A)
    %dma_start3A_33 = arith.constant 0 : i32
    %dma_start3A_34 = arith.constant 0 : i32
    %dma_start3A_35 = tpu.memref_slice %arg8[%dma_start3A_33, %dma_start3A_34] : memref<128x64xf32, #tpu.memory_space<vmem>> -> memref<128x64xf32, #tpu.memory_space<vmem>>
    %dma_start3A_36 = arith.constant 0 : i32
    %dma_start3A_37 = tpu.memref_slice %arg6[%dma_start3A_36] : memref<10000xi32, #tpu.memory_space<vmem>> -> memref<128xi32, #tpu.memory_space<vmem>>
    %dma_start3A_38 = arith.constant 0 : i32
    %dma_start3A_39 = arith.constant 0 : i32
    %dma_start3A_40 = tpu.memref_slice %arg2[%dma_start3A_38, %dma_start3A_39] : memref<10000x64xf32, #tpu.memory_space<hbm>> -> memref<10000x64xf32, #tpu.memory_space<hbm>>
    tpu.enqueue_indirect_dma source(%dma_start3A_40 : memref<10000x64xf32, #tpu.memory_space<hbm>>) target(%dma_start3A_35 : memref<128x64xf32, #tpu.memory_space<vmem>>) offsets(%dma_start3A_37 : memref<128xi32, #tpu.memory_space<vmem>>) semaphore(%arg13 : memref<!tpu.dma_semaphore, #tpu.memory_space<semaphore_mem>>)
    %dma_start3A_41 = arith.constant 0 : i32
    %dma_start3A_42 = arith.constant 0 : i32
    %dma_start3A_43 = tpu.memref_slice %arg9[%dma_start3A_41, %dma_start3A_42] : memref<128x64xf32, #tpu.memory_space<vmem>> -> memref<128x64xf32, #tpu.memory_space<vmem>>
    %dma_start3A_44 = arith.constant 128 : i32
    %dma_start3A_45 = tpu.memref_slice %arg6[%dma_start3A_44] : memref<10000xi32, #tpu.memory_space<vmem>> -> memref<128xi32, #tpu.memory_space<vmem>>
    %dma_start3A_46 = arith.constant 0 : i32
    %dma_start3A_47 = arith.constant 0 : i32
    %dma_start3A_48 = tpu.memref_slice %arg2[%dma_start3A_46, %dma_start3A_47] : memref<10000x64xf32, #tpu.memory_space<hbm>> -> memref<10000x64xf32, #tpu.memory_space<hbm>>
    tpu.enqueue_indirect_dma source(%dma_start3A_48 : memref<10000x64xf32, #tpu.memory_space<hbm>>) target(%dma_start3A_43 : memref<128x64xf32, #tpu.memory_space<vmem>>) offsets(%dma_start3A_45 : memref<128xi32, #tpu.memory_space<vmem>>) semaphore(%arg14 : memref<!tpu.dma_semaphore, #tpu.memory_space<semaphore_mem>>)
    %dma_start3A_49 = arith.constant 0 : i32
    %dma_start3A_50 = arith.constant 0 : i32
    %dma_start3A_51 = tpu.memref_slice %arg10[%dma_start3A_49, %dma_start3A_50] : memref<128x64xf32, #tpu.memory_space<vmem>> -> memref<128x64xf32, #tpu.memory_space<vmem>>
    %dma_start3A_52 = arith.constant 256 : i32
    %dma_start3A_53 = tpu.memref_slice %arg6[%dma_start3A_52] : memref<10000xi32, #tpu.memory_space<vmem>> -> memref<128xi32, #tpu.memory_space<vmem>>
    %dma_start3A_54 = arith.constant 0 : i32
    %dma_start3A_55 = arith.constant 0 : i32
    %dma_start3A_56 = tpu.memref_slice %arg2[%dma_start3A_54, %dma_start3A_55] : memref<10000x64xf32, #tpu.memory_space<hbm>> -> memref<10000x64xf32, #tpu.memory_space<hbm>>
    tpu.enqueue_indirect_dma source(%dma_start3A_56 : memref<10000x64xf32, #tpu.memory_space<hbm>>) target(%dma_start3A_51 : memref<128x64xf32, #tpu.memory_space<vmem>>) offsets(%dma_start3A_53 : memref<128xi32, #tpu.memory_space<vmem>>) semaphore(%arg15 : memref<!tpu.dma_semaphore, #tpu.memory_space<semaphore_mem>>)
    %dma_start3A_57 = arith.constant 0 : i32
    %dma_start3A_58 = arith.constant 0 : i32
    %dma_start3A_59 = tpu.memref_slice %arg11[%dma_start3A_57, %dma_start3A_58] : memref<128x64xf32, #tpu.memory_space<vmem>> -> memref<128x64xf32, #tpu.memory_space<vmem>>
    %dma_start3A_60 = arith.constant 384 : i32
    %dma_start3A_61 = tpu.memref_slice %arg6[%dma_start3A_60] : memref<10000xi32, #tpu.memory_space<vmem>> -> memref<128xi32, #tpu.memory_space<vmem>>
    %dma_start3A_62 = arith.constant 0 : i32
    %dma_start3A_63 = arith.constant 0 : i32
    %dma_start3A_64 = tpu.memref_slice %arg2[%dma_start3A_62, %dma_start3A_63] : memref<10000x64xf32, #tpu.memory_space<hbm>> -> memref<10000x64xf32, #tpu.memory_space<hbm>>
    tpu.enqueue_indirect_dma source(%dma_start3A_64 : memref<10000x64xf32, #tpu.memory_space<hbm>>) target(%dma_start3A_59 : memref<128x64xf32, #tpu.memory_space<vmem>>) offsets(%dma_start3A_61 : memref<128xi32, #tpu.memory_space<vmem>>) semaphore(%arg16 : memref<!tpu.dma_semaphore, #tpu.memory_space<semaphore_mem>>)
    %scan3A = arith.constant 0 : i32
    %scan3A_65 = arith.constant 19 : i32
    %scan3A_66 = arith.addi %scan3A, %scan3A_65 : i32
    %scan3A_67 = arith.constant 1 : i32
    scf.for %scan3A_150 = %scan3A to %scan3A_66 step %scan3A_67  : i32 {
      %mul3A_151 = arith.constant 4 : i32
      %mul3A_152 = arith.muli %scan3A_150, %mul3A_151 : i32
      %add3A_153 = arith.constant 0 : i32
      %add3A_154 = arith.addi %add3A_153, %mul3A_152 : i32
      %add3A_155 = arith.constant 0 : i32
      %add3A_156 = arith.addi %add3A_154, %add3A_155 : i32
      %dma_wait3A_157 = arith.constant 0 : i32
      %dma_wait3A_158 = arith.constant 0 : i32
      %dma_wait3A_159 = tpu.memref_slice %arg8[%dma_wait3A_157, %dma_wait3A_158] : memref<128x64xf32, #tpu.memory_space<vmem>> -> memref<128x64xf32, #tpu.memory_space<vmem>>
      %dma_wait3A_160 = arith.constant 0 : i32
      %dma_wait3A_161 = tpu.memref_slice %arg6[%dma_wait3A_160] : memref<10000xi32, #tpu.memory_space<vmem>> -> memref<128xi32, #tpu.memory_space<vmem>>
      %dma_wait3A_162 = arith.constant 0 : i32
      %dma_wait3A_163 = arith.constant 0 : i32
      %dma_wait3A_164 = tpu.memref_slice %arg2[%dma_wait3A_162, %dma_wait3A_163] : memref<10000x64xf32, #tpu.memory_space<hbm>> -> memref<10000x64xf32, #tpu.memory_space<hbm>>
      tpu.wait_indirect_dma semaphore(%arg13 : memref<!tpu.dma_semaphore, #tpu.memory_space<semaphore_mem>>) src(%dma_wait3A_164 : memref<10000x64xf32, #tpu.memory_space<hbm>>) dst(%dma_wait3A_159 : memref<128x64xf32, #tpu.memory_space<vmem>>)
      %mul3A_165 = arith.constant 128 : i32
      %mul3A_166 = arith.muli %add3A_156, %mul3A_165 : i32
      %dma_start3A_167 = arith.constant 0 : i32
      %dma_start3A_168 = arith.constant 0 : i32
      %dma_start3A_169 = tpu.memref_slice %arg8[%dma_start3A_167, %dma_start3A_168] : memref<128x64xf32, #tpu.memory_space<vmem>> -> memref<128x64xf32, #tpu.memory_space<vmem>>
      %dma_start3A_170 = tpu.memref_slice %arg7[%mul3A_166] : memref<10000xi32, #tpu.memory_space<vmem>> -> memref<128xi32, #tpu.memory_space<vmem>>
      %dma_start3A_171 = arith.constant 0 : i32
      %dma_start3A_172 = arith.constant 0 : i32
      %dma_start3A_173 = tpu.memref_slice %arg12[%dma_start3A_171, %dma_start3A_172] : memref<10000x64xf32, #tpu.memory_space<vmem_shared>> -> memref<10000x64xf32, #tpu.memory_space<vmem_shared>>
      tpu.enqueue_indirect_dma source(%dma_start3A_169 : memref<128x64xf32, #tpu.memory_space<vmem>>) target(%dma_start3A_173 : memref<10000x64xf32, #tpu.memory_space<vmem_shared>>) offsets(%dma_start3A_170 : memref<128xi32, #tpu.memory_space<vmem>>) semaphore(%arg17 : memref<!tpu.dma_semaphore, #tpu.memory_space<semaphore_mem>>) {add = true}
      %dma_wait3A_174 = arith.constant 0 : i32
      %dma_wait3A_175 = arith.constant 0 : i32
      %dma_wait3A_176 = tpu.memref_slice %arg8[%dma_wait3A_174, %dma_wait3A_175] : memref<128x64xf32, #tpu.memory_space<vmem>> -> memref<128x64xf32, #tpu.memory_space<vmem>>
      %dma_wait3A_177 = tpu.memref_slice %arg7[%mul3A_166] : memref<10000xi32, #tpu.memory_space<vmem>> -> memref<128xi32, #tpu.memory_space<vmem>>
      %dma_wait3A_178 = arith.constant 0 : i32
      %dma_wait3A_179 = arith.constant 0 : i32
      %dma_wait3A_180 = tpu.memref_slice %arg12[%dma_wait3A_178, %dma_wait3A_179] : memref<10000x64xf32, #tpu.memory_space<vmem_shared>> -> memref<10000x64xf32, #tpu.memory_space<vmem_shared>>
      tpu.wait_indirect_dma semaphore(%arg17 : memref<!tpu.dma_semaphore, #tpu.memory_space<semaphore_mem>>) src(%dma_wait3A_176 : memref<128x64xf32, #tpu.memory_space<vmem>>) dst(%dma_wait3A_180 : memref<10000x64xf32, #tpu.memory_space<vmem_shared>>)
      %add3A_181 = arith.constant 4 : i32
      %add3A_182 = arith.addi %add3A_156, %add3A_181 : i32
      %lt3A = arith.constant 78 : i32
      %lt3A_183 = arith.cmpi slt, %add3A_182, %lt3A : i32
      %convert_element_type3A = arith.extui %lt3A_183 : i1 to i32
      %cond3A = arith.constant 0 : i32
      %cond3A_184 = arith.cmpi ne, %convert_element_type3A, %cond3A : i32
      scf.if %cond3A_184 {
        %add3A_284 = arith.constant 4 : i32
        %add3A_285 = arith.addi %add3A_156, %add3A_284 : i32
        %mul3A_286 = arith.constant 128 : i32
        %mul3A_287 = arith.muli %add3A_285, %mul3A_286 : i32
        %dma_start3A_288 = arith.constant 0 : i32
        %dma_start3A_289 = arith.constant 0 : i32
        %dma_start3A_290 = tpu.memref_slice %arg8[%dma_start3A_288, %dma_start3A_289] : memref<128x64xf32, #tpu.memory_space<vmem>> -> memref<128x64xf32, #tpu.memory_space<vmem>>
        %dma_start3A_291 = tpu.memref_slice %arg6[%mul3A_287] : memref<10000xi32, #tpu.memory_space<vmem>> -> memref<128xi32, #tpu.memory_space<vmem>>
        %dma_start3A_292 = arith.constant 0 : i32
        %dma_start3A_293 = arith.constant 0 : i32
        %dma_start3A_294 = tpu.memref_slice %arg2[%dma_start3A_292, %dma_start3A_293] : memref<10000x64xf32, #tpu.memory_space<hbm>> -> memref<10000x64xf32, #tpu.memory_space<hbm>>
        tpu.enqueue_indirect_dma source(%dma_start3A_294 : memref<10000x64xf32, #tpu.memory_space<hbm>>) target(%dma_start3A_290 : memref<128x64xf32, #tpu.memory_space<vmem>>) offsets(%dma_start3A_291 : memref<128xi32, #tpu.memory_space<vmem>>) semaphore(%arg13 : memref<!tpu.dma_semaphore, #tpu.memory_space<semaphore_mem>>)
      } else {
      }
      %add3A_185 = arith.constant 1 : i32
      %add3A_186 = arith.addi %add3A_154, %add3A_185 : i32
      %dma_wait3A_187 = arith.constant 0 : i32
      %dma_wait3A_188 = arith.constant 0 : i32
      %dma_wait3A_189 = tpu.memref_slice %arg9[%dma_wait3A_187, %dma_wait3A_188] : memref<128x64xf32, #tpu.memory_space<vmem>> -> memref<128x64xf32, #tpu.memory_space<vmem>>
      %dma_wait3A_190 = arith.constant 0 : i32
      %dma_wait3A_191 = tpu.memref_slice %arg6[%dma_wait3A_190] : memref<10000xi32, #tpu.memory_space<vmem>> -> memref<128xi32, #tpu.memory_space<vmem>>
      %dma_wait3A_192 = arith.constant 0 : i32
      %dma_wait3A_193 = arith.constant 0 : i32
      %dma_wait3A_194 = tpu.memref_slice %arg2[%dma_wait3A_192, %dma_wait3A_193] : memref<10000x64xf32, #tpu.memory_space<hbm>> -> memref<10000x64xf32, #tpu.memory_space<hbm>>
      tpu.wait_indirect_dma semaphore(%arg14 : memref<!tpu.dma_semaphore, #tpu.memory_space<semaphore_mem>>) src(%dma_wait3A_194 : memref<10000x64xf32, #tpu.memory_space<hbm>>) dst(%dma_wait3A_189 : memref<128x64xf32, #tpu.memory_space<vmem>>)
      %mul3A_195 = arith.constant 128 : i32
      %mul3A_196 = arith.muli %add3A_186, %mul3A_195 : i32
      %dma_start3A_197 = arith.constant 0 : i32
      %dma_start3A_198 = arith.constant 0 : i32
      %dma_start3A_199 = tpu.memref_slice %arg9[%dma_start3A_197, %dma_start3A_198] : memref<128x64xf32, #tpu.memory_space<vmem>> -> memref<128x64xf32, #tpu.memory_space<vmem>>
      %dma_start3A_200 = tpu.memref_slice %arg7[%mul3A_196] : memref<10000xi32, #tpu.memory_space<vmem>> -> memref<128xi32, #tpu.memory_space<vmem>>
      %dma_start3A_201 = arith.constant 0 : i32
      %dma_start3A_202 = arith.constant 0 : i32
      %dma_start3A_203 = tpu.memref_slice %arg12[%dma_start3A_201, %dma_start3A_202] : memref<10000x64xf32, #tpu.memory_space<vmem_shared>> -> memref<10000x64xf32, #tpu.memory_space<vmem_shared>>
      tpu.enqueue_indirect_dma source(%dma_start3A_199 : memref<128x64xf32, #tpu.memory_space<vmem>>) target(%dma_start3A_203 : memref<10000x64xf32, #tpu.memory_space<vmem_shared>>) offsets(%dma_start3A_200 : memref<128xi32, #tpu.memory_space<vmem>>) semaphore(%arg18 : memref<!tpu.dma_semaphore, #tpu.memory_space<semaphore_mem>>) {add = true}
      %dma_wait3A_204 = arith.constant 0 : i32
      %dma_wait3A_205 = arith.constant 0 : i32
      %dma_wait3A_206 = tpu.memref_slice %arg9[%dma_wait3A_204, %dma_wait3A_205] : memref<128x64xf32, #tpu.memory_space<vmem>> -> memref<128x64xf32, #tpu.memory_space<vmem>>
      %dma_wait3A_207 = tpu.memref_slice %arg7[%mul3A_196] : memref<10000xi32, #tpu.memory_space<vmem>> -> memref<128xi32, #tpu.memory_space<vmem>>
      %dma_wait3A_208 = arith.constant 0 : i32
      %dma_wait3A_209 = arith.constant 0 : i32
      %dma_wait3A_210 = tpu.memref_slice %arg12[%dma_wait3A_208, %dma_wait3A_209] : memref<10000x64xf32, #tpu.memory_space<vmem_shared>> -> memref<10000x64xf32, #tpu.memory_space<vmem_shared>>
      tpu.wait_indirect_dma semaphore(%arg18 : memref<!tpu.dma_semaphore, #tpu.memory_space<semaphore_mem>>) src(%dma_wait3A_206 : memref<128x64xf32, #tpu.memory_space<vmem>>) dst(%dma_wait3A_210 : memref<10000x64xf32, #tpu.memory_space<vmem_shared>>)
      %add3A_211 = arith.constant 4 : i32
      %add3A_212 = arith.addi %add3A_186, %add3A_211 : i32
      %lt3A_213 = arith.constant 78 : i32
      %lt3A_214 = arith.cmpi slt, %add3A_212, %lt3A_213 : i32
      %convert_element_type3A_215 = arith.extui %lt3A_214 : i1 to i32
      %cond3A_216 = arith.constant 0 : i32
      %cond3A_217 = arith.cmpi ne, %convert_element_type3A_215, %cond3A_216 : i32
      scf.if %cond3A_217 {
        %add3A_284 = arith.constant 4 : i32
        %add3A_285 = arith.addi %add3A_186, %add3A_284 : i32
        %mul3A_286 = arith.constant 128 : i32
        %mul3A_287 = arith.muli %add3A_285, %mul3A_286 : i32
        %dma_start3A_288 = arith.constant 0 : i32
        %dma_start3A_289 = arith.constant 0 : i32
        %dma_start3A_290 = tpu.memref_slice %arg9[%dma_start3A_288, %dma_start3A_289] : memref<128x64xf32, #tpu.memory_space<vmem>> -> memref<128x64xf32, #tpu.memory_space<vmem>>
        %dma_start3A_291 = tpu.memref_slice %arg6[%mul3A_287] : memref<10000xi32, #tpu.memory_space<vmem>> -> memref<128xi32, #tpu.memory_space<vmem>>
        %dma_start3A_292 = arith.constant 0 : i32
        %dma_start3A_293 = arith.constant 0 : i32
        %dma_start3A_294 = tpu.memref_slice %arg2[%dma_start3A_292, %dma_start3A_293] : memref<10000x64xf32, #tpu.memory_space<hbm>> -> memref<10000x64xf32, #tpu.memory_space<hbm>>
        tpu.enqueue_indirect_dma source(%dma_start3A_294 : memref<10000x64xf32, #tpu.memory_space<hbm>>) target(%dma_start3A_290 : memref<128x64xf32, #tpu.memory_space<vmem>>) offsets(%dma_start3A_291 : memref<128xi32, #tpu.memory_space<vmem>>) semaphore(%arg14 : memref<!tpu.dma_semaphore, #tpu.memory_space<semaphore_mem>>)
      } else {
      }
      %add3A_218 = arith.constant 2 : i32
      %add3A_219 = arith.addi %add3A_154, %add3A_218 : i32
      %dma_wait3A_220 = arith.constant 0 : i32
      %dma_wait3A_221 = arith.constant 0 : i32
      %dma_wait3A_222 = tpu.memref_slice %arg10[%dma_wait3A_220, %dma_wait3A_221] : memref<128x64xf32, #tpu.memory_space<vmem>> -> memref<128x64xf32, #tpu.memory_space<vmem>>
      %dma_wait3A_223 = arith.constant 0 : i32
      %dma_wait3A_224 = tpu.memref_slice %arg6[%dma_wait3A_223] : memref<10000xi32, #tpu.memory_space<vmem>> -> memref<128xi32, #tpu.memory_space<vmem>>
      %dma_wait3A_225 = arith.constant 0 : i32
      %dma_wait3A_226 = arith.constant 0 : i32
      %dma_wait3A_227 = tpu.memref_slice %arg2[%dma_wait3A_225, %dma_wait3A_226] : memref<10000x64xf32, #tpu.memory_space<hbm>> -> memref<10000x64xf32, #tpu.memory_space<hbm>>
      tpu.wait_indirect_dma semaphore(%arg15 : memref<!tpu.dma_semaphore, #tpu.memory_space<semaphore_mem>>) src(%dma_wait3A_227 : memref<10000x64xf32, #tpu.memory_space<hbm>>) dst(%dma_wait3A_222 : memref<128x64xf32, #tpu.memory_space<vmem>>)
      %mul3A_228 = arith.constant 128 : i32
      %mul3A_229 = arith.muli %add3A_219, %mul3A_228 : i32
      %dma_start3A_230 = arith.constant 0 : i32
      %dma_start3A_231 = arith.constant 0 : i32
      %dma_start3A_232 = tpu.memref_slice %arg10[%dma_start3A_230, %dma_start3A_231] : memref<128x64xf32, #tpu.memory_space<vmem>> -> memref<128x64xf32, #tpu.memory_space<vmem>>
      %dma_start3A_233 = tpu.memref_slice %arg7[%mul3A_229] : memref<10000xi32, #tpu.memory_space<vmem>> -> memref<128xi32, #tpu.memory_space<vmem>>
      %dma_start3A_234 = arith.constant 0 : i32
      %dma_start3A_235 = arith.constant 0 : i32
      %dma_start3A_236 = tpu.memref_slice %arg12[%dma_start3A_234, %dma_start3A_235] : memref<10000x64xf32, #tpu.memory_space<vmem_shared>> -> memref<10000x64xf32, #tpu.memory_space<vmem_shared>>
      tpu.enqueue_indirect_dma source(%dma_start3A_232 : memref<128x64xf32, #tpu.memory_space<vmem>>) target(%dma_start3A_236 : memref<10000x64xf32, #tpu.memory_space<vmem_shared>>) offsets(%dma_start3A_233 : memref<128xi32, #tpu.memory_space<vmem>>) semaphore(%arg19 : memref<!tpu.dma_semaphore, #tpu.memory_space<semaphore_mem>>) {add = true}
      %dma_wait3A_237 = arith.constant 0 : i32
      %dma_wait3A_238 = arith.constant 0 : i32
      %dma_wait3A_239 = tpu.memref_slice %arg10[%dma_wait3A_237, %dma_wait3A_238] : memref<128x64xf32, #tpu.memory_space<vmem>> -> memref<128x64xf32, #tpu.memory_space<vmem>>
      %dma_wait3A_240 = tpu.memref_slice %arg7[%mul3A_229] : memref<10000xi32, #tpu.memory_space<vmem>> -> memref<128xi32, #tpu.memory_space<vmem>>
      %dma_wait3A_241 = arith.constant 0 : i32
      %dma_wait3A_242 = arith.constant 0 : i32
      %dma_wait3A_243 = tpu.memref_slice %arg12[%dma_wait3A_241, %dma_wait3A_242] : memref<10000x64xf32, #tpu.memory_space<vmem_shared>> -> memref<10000x64xf32, #tpu.memory_space<vmem_shared>>
      tpu.wait_indirect_dma semaphore(%arg19 : memref<!tpu.dma_semaphore, #tpu.memory_space<semaphore_mem>>) src(%dma_wait3A_239 : memref<128x64xf32, #tpu.memory_space<vmem>>) dst(%dma_wait3A_243 : memref<10000x64xf32, #tpu.memory_space<vmem_shared>>)
      %add3A_244 = arith.constant 4 : i32
      %add3A_245 = arith.addi %add3A_219, %add3A_244 : i32
      %lt3A_246 = arith.constant 78 : i32
      %lt3A_247 = arith.cmpi slt, %add3A_245, %lt3A_246 : i32
      %convert_element_type3A_248 = arith.extui %lt3A_247 : i1 to i32
      %cond3A_249 = arith.constant 0 : i32
      %cond3A_250 = arith.cmpi ne, %convert_element_type3A_248, %cond3A_249 : i32
      scf.if %cond3A_250 {
        %add3A_284 = arith.constant 4 : i32
        %add3A_285 = arith.addi %add3A_219, %add3A_284 : i32
        %mul3A_286 = arith.constant 128 : i32
        %mul3A_287 = arith.muli %add3A_285, %mul3A_286 : i32
        %dma_start3A_288 = arith.constant 0 : i32
        %dma_start3A_289 = arith.constant 0 : i32
        %dma_start3A_290 = tpu.memref_slice %arg10[%dma_start3A_288, %dma_start3A_289] : memref<128x64xf32, #tpu.memory_space<vmem>> -> memref<128x64xf32, #tpu.memory_space<vmem>>
        %dma_start3A_291 = tpu.memref_slice %arg6[%mul3A_287] : memref<10000xi32, #tpu.memory_space<vmem>> -> memref<128xi32, #tpu.memory_space<vmem>>
        %dma_start3A_292 = arith.constant 0 : i32
        %dma_start3A_293 = arith.constant 0 : i32
        %dma_start3A_294 = tpu.memref_slice %arg2[%dma_start3A_292, %dma_start3A_293] : memref<10000x64xf32, #tpu.memory_space<hbm>> -> memref<10000x64xf32, #tpu.memory_space<hbm>>
        tpu.enqueue_indirect_dma source(%dma_start3A_294 : memref<10000x64xf32, #tpu.memory_space<hbm>>) target(%dma_start3A_290 : memref<128x64xf32, #tpu.memory_space<vmem>>) offsets(%dma_start3A_291 : memref<128xi32, #tpu.memory_space<vmem>>) semaphore(%arg15 : memref<!tpu.dma_semaphore, #tpu.memory_space<semaphore_mem>>)
      } else {
      }
      %add3A_251 = arith.constant 3 : i32
      %add3A_252 = arith.addi %add3A_154, %add3A_251 : i32
      %dma_wait3A_253 = arith.constant 0 : i32
      %dma_wait3A_254 = arith.constant 0 : i32
      %dma_wait3A_255 = tpu.memref_slice %arg11[%dma_wait3A_253, %dma_wait3A_254] : memref<128x64xf32, #tpu.memory_space<vmem>> -> memref<128x64xf32, #tpu.memory_space<vmem>>
      %dma_wait3A_256 = arith.constant 0 : i32
      %dma_wait3A_257 = tpu.memref_slice %arg6[%dma_wait3A_256] : memref<10000xi32, #tpu.memory_space<vmem>> -> memref<128xi32, #tpu.memory_space<vmem>>
      %dma_wait3A_258 = arith.constant 0 : i32
      %dma_wait3A_259 = arith.constant 0 : i32
      %dma_wait3A_260 = tpu.memref_slice %arg2[%dma_wait3A_258, %dma_wait3A_259] : memref<10000x64xf32, #tpu.memory_space<hbm>> -> memref<10000x64xf32, #tpu.memory_space<hbm>>
      tpu.wait_indirect_dma semaphore(%arg16 : memref<!tpu.dma_semaphore, #tpu.memory_space<semaphore_mem>>) src(%dma_wait3A_260 : memref<10000x64xf32, #tpu.memory_space<hbm>>) dst(%dma_wait3A_255 : memref<128x64xf32, #tpu.memory_space<vmem>>)
      %mul3A_261 = arith.constant 128 : i32
      %mul3A_262 = arith.muli %add3A_252, %mul3A_261 : i32
      %dma_start3A_263 = arith.constant 0 : i32
      %dma_start3A_264 = arith.constant 0 : i32
      %dma_start3A_265 = tpu.memref_slice %arg11[%dma_start3A_263, %dma_start3A_264] : memref<128x64xf32, #tpu.memory_space<vmem>> -> memref<128x64xf32, #tpu.memory_space<vmem>>
      %dma_start3A_266 = tpu.memref_slice %arg7[%mul3A_262] : memref<10000xi32, #tpu.memory_space<vmem>> -> memref<128xi32, #tpu.memory_space<vmem>>
      %dma_start3A_267 = arith.constant 0 : i32
      %dma_start3A_268 = arith.constant 0 : i32
      %dma_start3A_269 = tpu.memref_slice %arg12[%dma_start3A_267, %dma_start3A_268] : memref<10000x64xf32, #tpu.memory_space<vmem_shared>> -> memref<10000x64xf32, #tpu.memory_space<vmem_shared>>
      tpu.enqueue_indirect_dma source(%dma_start3A_265 : memref<128x64xf32, #tpu.memory_space<vmem>>) target(%dma_start3A_269 : memref<10000x64xf32, #tpu.memory_space<vmem_shared>>) offsets(%dma_start3A_266 : memref<128xi32, #tpu.memory_space<vmem>>) semaphore(%arg20 : memref<!tpu.dma_semaphore, #tpu.memory_space<semaphore_mem>>) {add = true}
      %dma_wait3A_270 = arith.constant 0 : i32
      %dma_wait3A_271 = arith.constant 0 : i32
      %dma_wait3A_272 = tpu.memref_slice %arg11[%dma_wait3A_270, %dma_wait3A_271] : memref<128x64xf32, #tpu.memory_space<vmem>> -> memref<128x64xf32, #tpu.memory_space<vmem>>
      %dma_wait3A_273 = tpu.memref_slice %arg7[%mul3A_262] : memref<10000xi32, #tpu.memory_space<vmem>> -> memref<128xi32, #tpu.memory_space<vmem>>
      %dma_wait3A_274 = arith.constant 0 : i32
      %dma_wait3A_275 = arith.constant 0 : i32
      %dma_wait3A_276 = tpu.memref_slice %arg12[%dma_wait3A_274, %dma_wait3A_275] : memref<10000x64xf32, #tpu.memory_space<vmem_shared>> -> memref<10000x64xf32, #tpu.memory_space<vmem_shared>>
      tpu.wait_indirect_dma semaphore(%arg20 : memref<!tpu.dma_semaphore, #tpu.memory_space<semaphore_mem>>) src(%dma_wait3A_272 : memref<128x64xf32, #tpu.memory_space<vmem>>) dst(%dma_wait3A_276 : memref<10000x64xf32, #tpu.memory_space<vmem_shared>>)
      %add3A_277 = arith.constant 4 : i32
      %add3A_278 = arith.addi %add3A_252, %add3A_277 : i32
      %lt3A_279 = arith.constant 78 : i32
      %lt3A_280 = arith.cmpi slt, %add3A_278, %lt3A_279 : i32
      %convert_element_type3A_281 = arith.extui %lt3A_280 : i1 to i32
      %cond3A_282 = arith.constant 0 : i32
      %cond3A_283 = arith.cmpi ne, %convert_element_type3A_281, %cond3A_282 : i32
      scf.if %cond3A_283 {
        %add3A_284 = arith.constant 4 : i32
        %add3A_285 = arith.addi %add3A_252, %add3A_284 : i32
        %mul3A_286 = arith.constant 128 : i32
        %mul3A_287 = arith.muli %add3A_285, %mul3A_286 : i32
        %dma_start3A_288 = arith.constant 0 : i32
        %dma_start3A_289 = arith.constant 0 : i32
        %dma_start3A_290 = tpu.memref_slice %arg11[%dma_start3A_288, %dma_start3A_289] : memref<128x64xf32, #tpu.memory_space<vmem>> -> memref<128x64xf32, #tpu.memory_space<vmem>>
        %dma_start3A_291 = tpu.memref_slice %arg6[%mul3A_287] : memref<10000xi32, #tpu.memory_space<vmem>> -> memref<128xi32, #tpu.memory_space<vmem>>
        %dma_start3A_292 = arith.constant 0 : i32
        %dma_start3A_293 = arith.constant 0 : i32
        %dma_start3A_294 = tpu.memref_slice %arg2[%dma_start3A_292, %dma_start3A_293] : memref<10000x64xf32, #tpu.memory_space<hbm>> -> memref<10000x64xf32, #tpu.memory_space<hbm>>
        tpu.enqueue_indirect_dma source(%dma_start3A_294 : memref<10000x64xf32, #tpu.memory_space<hbm>>) target(%dma_start3A_290 : memref<128x64xf32, #tpu.memory_space<vmem>>) offsets(%dma_start3A_291 : memref<128xi32, #tpu.memory_space<vmem>>) semaphore(%arg16 : memref<!tpu.dma_semaphore, #tpu.memory_space<semaphore_mem>>)
      } else {
      }
    }
    %scan3A_68 = arith.constant 19 : i32
    %dma_wait3A_69 = arith.constant 0 : i32
    %dma_wait3A_70 = arith.constant 0 : i32
    %dma_wait3A_71 = tpu.memref_slice %arg8[%dma_wait3A_69, %dma_wait3A_70] : memref<128x64xf32, #tpu.memory_space<vmem>> -> memref<128x64xf32, #tpu.memory_space<vmem>>
    %dma_wait3A_72 = arith.constant 0 : i32
    %dma_wait3A_73 = tpu.memref_slice %arg6[%dma_wait3A_72] : memref<10000xi32, #tpu.memory_space<vmem>> -> memref<128xi32, #tpu.memory_space<vmem>>
    %dma_wait3A_74 = arith.constant 0 : i32
    %dma_wait3A_75 = arith.constant 0 : i32
    %dma_wait3A_76 = tpu.memref_slice %arg2[%dma_wait3A_74, %dma_wait3A_75] : memref<10000x64xf32, #tpu.memory_space<hbm>> -> memref<10000x64xf32, #tpu.memory_space<hbm>>
    tpu.wait_indirect_dma semaphore(%arg13 : memref<!tpu.dma_semaphore, #tpu.memory_space<semaphore_mem>>) src(%dma_wait3A_76 : memref<10000x64xf32, #tpu.memory_space<hbm>>) dst(%dma_wait3A_71 : memref<128x64xf32, #tpu.memory_space<vmem>>)
    %dma_start3A_77 = arith.constant 0 : i32
    %dma_start3A_78 = arith.constant 0 : i32
    %dma_start3A_79 = tpu.memref_slice %arg8[%dma_start3A_77, %dma_start3A_78] : memref<128x64xf32, #tpu.memory_space<vmem>> -> memref<128x64xf32, #tpu.memory_space<vmem>>
    %dma_start3A_80 = arith.constant 9728 : i32
    %dma_start3A_81 = tpu.memref_slice %arg7[%dma_start3A_80] : memref<10000xi32, #tpu.memory_space<vmem>> -> memref<128xi32, #tpu.memory_space<vmem>>
    %dma_start3A_82 = arith.constant 0 : i32
    %dma_start3A_83 = arith.constant 0 : i32
    %dma_start3A_84 = tpu.memref_slice %arg12[%dma_start3A_82, %dma_start3A_83] : memref<10000x64xf32, #tpu.memory_space<vmem_shared>> -> memref<10000x64xf32, #tpu.memory_space<vmem_shared>>
    tpu.enqueue_indirect_dma source(%dma_start3A_79 : memref<128x64xf32, #tpu.memory_space<vmem>>) target(%dma_start3A_84 : memref<10000x64xf32, #tpu.memory_space<vmem_shared>>) offsets(%dma_start3A_81 : memref<128xi32, #tpu.memory_space<vmem>>) semaphore(%arg17 : memref<!tpu.dma_semaphore, #tpu.memory_space<semaphore_mem>>) {add = true}
    %dma_wait3A_85 = arith.constant 0 : i32
    %dma_wait3A_86 = arith.constant 0 : i32
    %dma_wait3A_87 = tpu.memref_slice %arg8[%dma_wait3A_85, %dma_wait3A_86] : memref<128x64xf32, #tpu.memory_space<vmem>> -> memref<128x64xf32, #tpu.memory_space<vmem>>
    %dma_wait3A_88 = arith.constant 9728 : i32
    %dma_wait3A_89 = tpu.memref_slice %arg7[%dma_wait3A_88] : memref<10000xi32, #tpu.memory_space<vmem>> -> memref<128xi32, #tpu.memory_space<vmem>>
    %dma_wait3A_90 = arith.constant 0 : i32
    %dma_wait3A_91 = arith.constant 0 : i32
    %dma_wait3A_92 = tpu.memref_slice %arg12[%dma_wait3A_90, %dma_wait3A_91] : memref<10000x64xf32, #tpu.memory_space<vmem_shared>> -> memref<10000x64xf32, #tpu.memory_space<vmem_shared>>
    tpu.wait_indirect_dma semaphore(%arg17 : memref<!tpu.dma_semaphore, #tpu.memory_space<semaphore_mem>>) src(%dma_wait3A_87 : memref<128x64xf32, #tpu.memory_space<vmem>>) dst(%dma_wait3A_92 : memref<10000x64xf32, #tpu.memory_space<vmem_shared>>)
    %dma_wait3A_93 = arith.constant 0 : i32
    %dma_wait3A_94 = arith.constant 0 : i32
    %dma_wait3A_95 = tpu.memref_slice %arg9[%dma_wait3A_93, %dma_wait3A_94] : memref<128x64xf32, #tpu.memory_space<vmem>> -> memref<128x64xf32, #tpu.memory_space<vmem>>
    %dma_wait3A_96 = arith.constant 0 : i32
    %dma_wait3A_97 = tpu.memref_slice %arg6[%dma_wait3A_96] : memref<10000xi32, #tpu.memory_space<vmem>> -> memref<128xi32, #tpu.memory_space<vmem>>
    %dma_wait3A_98 = arith.constant 0 : i32
    %dma_wait3A_99 = arith.constant 0 : i32
    %dma_wait3A_100 = tpu.memref_slice %arg2[%dma_wait3A_98, %dma_wait3A_99] : memref<10000x64xf32, #tpu.memory_space<hbm>> -> memref<10000x64xf32, #tpu.memory_space<hbm>>
    tpu.wait_indirect_dma semaphore(%arg14 : memref<!tpu.dma_semaphore, #tpu.memory_space<semaphore_mem>>) src(%dma_wait3A_100 : memref<10000x64xf32, #tpu.memory_space<hbm>>) dst(%dma_wait3A_95 : memref<128x64xf32, #tpu.memory_space<vmem>>)
    %dma_start3A_101 = arith.constant 0 : i32
    %dma_start3A_102 = arith.constant 0 : i32
    %dma_start3A_103 = tpu.memref_slice %arg9[%dma_start3A_101, %dma_start3A_102] : memref<128x64xf32, #tpu.memory_space<vmem>> -> memref<128x64xf32, #tpu.memory_space<vmem>>
    %dma_start3A_104 = arith.constant 9856 : i32
    %dma_start3A_105 = tpu.memref_slice %arg7[%dma_start3A_104] : memref<10000xi32, #tpu.memory_space<vmem>> -> memref<128xi32, #tpu.memory_space<vmem>>
    %dma_start3A_106 = arith.constant 0 : i32
    %dma_start3A_107 = arith.constant 0 : i32
    %dma_start3A_108 = tpu.memref_slice %arg12[%dma_start3A_106, %dma_start3A_107] : memref<10000x64xf32, #tpu.memory_space<vmem_shared>> -> memref<10000x64xf32, #tpu.memory_space<vmem_shared>>
    tpu.enqueue_indirect_dma source(%dma_start3A_103 : memref<128x64xf32, #tpu.memory_space<vmem>>) target(%dma_start3A_108 : memref<10000x64xf32, #tpu.memory_space<vmem_shared>>) offsets(%dma_start3A_105 : memref<128xi32, #tpu.memory_space<vmem>>) semaphore(%arg18 : memref<!tpu.dma_semaphore, #tpu.memory_space<semaphore_mem>>) {add = true}
    %dma_wait3A_109 = arith.constant 0 : i32
    %dma_wait3A_110 = arith.constant 0 : i32
    %dma_wait3A_111 = tpu.memref_slice %arg9[%dma_wait3A_109, %dma_wait3A_110] : memref<128x64xf32, #tpu.memory_space<vmem>> -> memref<128x64xf32, #tpu.memory_space<vmem>>
    %dma_wait3A_112 = arith.constant 9856 : i32
    %dma_wait3A_113 = tpu.memref_slice %arg7[%dma_wait3A_112] : memref<10000xi32, #tpu.memory_space<vmem>> -> memref<128xi32, #tpu.memory_space<vmem>>
    %dma_wait3A_114 = arith.constant 0 : i32
    %dma_wait3A_115 = arith.constant 0 : i32
    %dma_wait3A_116 = tpu.memref_slice %arg12[%dma_wait3A_114, %dma_wait3A_115] : memref<10000x64xf32, #tpu.memory_space<vmem_shared>> -> memref<10000x64xf32, #tpu.memory_space<vmem_shared>>
    tpu.wait_indirect_dma semaphore(%arg18 : memref<!tpu.dma_semaphore, #tpu.memory_space<semaphore_mem>>) src(%dma_wait3A_111 : memref<128x64xf32, #tpu.memory_space<vmem>>) dst(%dma_wait3A_116 : memref<10000x64xf32, #tpu.memory_space<vmem_shared>>)
    %dma_start3A_117 = arith.constant 0 : i32
    %dma_start3A_118 = arith.constant 0 : i32
    %dma_start3A_119 = tpu.memref_slice %arg8[%dma_start3A_117, %dma_start3A_118] : memref<128x64xf32, #tpu.memory_space<vmem>> -> memref<16x64xf32, #tpu.memory_space<vmem>>
    %dma_start3A_120 = arith.constant 9984 : i32
    %dma_start3A_121 = tpu.memref_slice %arg6[%dma_start3A_120] : memref<10000xi32, #tpu.memory_space<vmem>> -> memref<16xi32, #tpu.memory_space<vmem>>
    %dma_start3A_122 = arith.constant 0 : i32
    %dma_start3A_123 = arith.constant 0 : i32
    %dma_start3A_124 = tpu.memref_slice %arg2[%dma_start3A_122, %dma_start3A_123] : memref<10000x64xf32, #tpu.memory_space<hbm>> -> memref<10000x64xf32, #tpu.memory_space<hbm>>
    tpu.enqueue_indirect_dma source(%dma_start3A_124 : memref<10000x64xf32, #tpu.memory_space<hbm>>) target(%dma_start3A_119 : memref<16x64xf32, #tpu.memory_space<vmem>>) offsets(%dma_start3A_121 : memref<16xi32, #tpu.memory_space<vmem>>) semaphore(%arg13 : memref<!tpu.dma_semaphore, #tpu.memory_space<semaphore_mem>>)
    %dma_wait3A_125 = arith.constant 0 : i32
    %dma_wait3A_126 = arith.constant 0 : i32
    %dma_wait3A_127 = tpu.memref_slice %arg8[%dma_wait3A_125, %dma_wait3A_126] : memref<128x64xf32, #tpu.memory_space<vmem>> -> memref<16x64xf32, #tpu.memory_space<vmem>>
    %dma_wait3A_128 = arith.constant 0 : i32
    %dma_wait3A_129 = tpu.memref_slice %arg6[%dma_wait3A_128] : memref<10000xi32, #tpu.memory_space<vmem>> -> memref<16xi32, #tpu.memory_space<vmem>>
    %dma_wait3A_130 = arith.constant 0 : i32
    %dma_wait3A_131 = arith.constant 0 : i32
    %dma_wait3A_132 = tpu.memref_slice %arg2[%dma_wait3A_130, %dma_wait3A_131] : memref<10000x64xf32, #tpu.memory_space<hbm>> -> memref<10000x64xf32, #tpu.memory_space<hbm>>
    tpu.wait_indirect_dma semaphore(%arg13 : memref<!tpu.dma_semaphore, #tpu.memory_space<semaphore_mem>>) src(%dma_wait3A_132 : memref<10000x64xf32, #tpu.memory_space<hbm>>) dst(%dma_wait3A_127 : memref<16x64xf32, #tpu.memory_space<vmem>>)
    %dma_start3A_133 = arith.constant 0 : i32
    %dma_start3A_134 = arith.constant 0 : i32
    %dma_start3A_135 = tpu.memref_slice %arg8[%dma_start3A_133, %dma_start3A_134] : memref<128x64xf32, #tpu.memory_space<vmem>> -> memref<16x64xf32, #tpu.memory_space<vmem>>
    %dma_start3A_136 = arith.constant 9984 : i32
    %dma_start3A_137 = tpu.memref_slice %arg7[%dma_start3A_136] : memref<10000xi32, #tpu.memory_space<vmem>> -> memref<16xi32, #tpu.memory_space<vmem>>
    %dma_start3A_138 = arith.constant 0 : i32
    %dma_start3A_139 = arith.constant 0 : i32
    %dma_start3A_140 = tpu.memref_slice %arg12[%dma_start3A_138, %dma_start3A_139] : memref<10000x64xf32, #tpu.memory_space<vmem_shared>> -> memref<10000x64xf32, #tpu.memory_space<vmem_shared>>
    tpu.enqueue_indirect_dma source(%dma_start3A_135 : memref<16x64xf32, #tpu.memory_space<vmem>>) target(%dma_start3A_140 : memref<10000x64xf32, #tpu.memory_space<vmem_shared>>) offsets(%dma_start3A_137 : memref<16xi32, #tpu.memory_space<vmem>>) semaphore(%arg17 : memref<!tpu.dma_semaphore, #tpu.memory_space<semaphore_mem>>) {add = true}
    %dma_wait3A_141 = arith.constant 0 : i32
    %dma_wait3A_142 = arith.constant 0 : i32
    %dma_wait3A_143 = tpu.memref_slice %arg8[%dma_wait3A_141, %dma_wait3A_142] : memref<128x64xf32, #tpu.memory_space<vmem>> -> memref<16x64xf32, #tpu.memory_space<vmem>>
    %dma_wait3A_144 = arith.constant 9984 : i32
    %dma_wait3A_145 = tpu.memref_slice %arg7[%dma_wait3A_144] : memref<10000xi32, #tpu.memory_space<vmem>> -> memref<16xi32, #tpu.memory_space<vmem>>
    %dma_wait3A_146 = arith.constant 0 : i32
    %dma_wait3A_147 = arith.constant 0 : i32
    %dma_wait3A_148 = tpu.memref_slice %arg12[%dma_wait3A_146, %dma_wait3A_147] : memref<10000x64xf32, #tpu.memory_space<vmem_shared>> -> memref<10000x64xf32, #tpu.memory_space<vmem_shared>>
    tpu.wait_indirect_dma semaphore(%arg17 : memref<!tpu.dma_semaphore, #tpu.memory_space<semaphore_mem>>) src(%dma_wait3A_143 : memref<16x64xf32, #tpu.memory_space<vmem>>) dst(%dma_wait3A_148 : memref<10000x64xf32, #tpu.memory_space<vmem_shared>>)
    %barrier3A_149 = arith.constant 0 : index
    tpu.barrier barrier_id(%barrier3A_149)
    "tpu.region"() ({
      %run_scoped3A = tpu.sem_alloc : memref<!tpu.dma_semaphore, #tpu.memory_space<semaphore_mem>>
      %dma_start3A_150 = arith.constant 0 : i32
      %dma_start3A_151 = tpu.memref_slice %arg5[%arg0, %mul3A_2, %dma_start3A_150] : memref<2x10000x64xf32, #tpu.memory_space<hbm>> -> memref<1x625x64xf32, #tpu.memory_space<hbm>>
      %dma_start3A_152 = tpu.memref_squeeze %dma_start3A_151 : memref<1x625x64xf32, #tpu.memory_space<hbm>> -> memref<625x64xf32, #tpu.memory_space<hbm>>
      %dma_start3A_153 = arith.constant 0 : i32
      %dma_start3A_154 = tpu.memref_slice %arg12[%mul3A_2, %dma_start3A_153] : memref<10000x64xf32, #tpu.memory_space<vmem_shared>> -> memref<625x64xf32, #tpu.memory_space<vmem_shared>>
      tpu.enqueue_dma source(%dma_start3A_154 : memref<625x64xf32, #tpu.memory_space<vmem_shared>>) target(%dma_start3A_152 : memref<625x64xf32, #tpu.memory_space<hbm>>) target_semaphore(%run_scoped3A : memref<!tpu.dma_semaphore, #tpu.memory_space<semaphore_mem>>)
      %dma_wait3A_155 = arith.constant 0 : i32
      %dma_wait3A_156 = tpu.memref_slice %arg5[%arg0, %mul3A_2, %dma_wait3A_155] : memref<2x10000x64xf32, #tpu.memory_space<hbm>> -> memref<1x625x64xf32, #tpu.memory_space<hbm>>
      %dma_wait3A_157 = tpu.memref_squeeze %dma_wait3A_156 : memref<1x625x64xf32, #tpu.memory_space<hbm>> -> memref<625x64xf32, #tpu.memory_space<hbm>>
      %dma_wait3A_158 = arith.constant 0 : i32
      %dma_wait3A_159 = tpu.memref_slice %arg12[%mul3A_2, %dma_wait3A_158] : memref<10000x64xf32, #tpu.memory_space<vmem_shared>> -> memref<625x64xf32, #tpu.memory_space<vmem_shared>>
      tpu.wait_dma2 semaphore(%run_scoped3A : memref<!tpu.dma_semaphore, #tpu.memory_space<semaphore_mem>>) src(%dma_wait3A_159 : memref<625x64xf32, #tpu.memory_space<vmem_shared>>) dst(%dma_wait3A_157 : memref<625x64xf32, #tpu.memory_space<hbm>>)
      tpu.yield
    }) : () -> ()
    return
  }
}

#map = affine_map<(d0, d1) -> (0, 0)>
#map1 = affine_map<(d0, d1) -> (0, 0, 0)>
module attributes {stable_mosaic.version = 14 : i64} {
  func.func @seg_kernel(%arg0: i32, %arg1: i32, %arg2: memref<10000x64xf32, #tpu.memory_space<hbm>>, %arg3: memref<2x320000xi32, #tpu.memory_space<hbm>>, %arg4: memref<10000x64xf32, #tpu.memory_space<hbm>>, %arg5: memref<2x10000x64xf32, #tpu.memory_space<hbm>>, %arg6: memref<10000xi32, #tpu.memory_space<vmem>>, %arg7: memref<10000xi32, #tpu.memory_space<vmem>>, %arg8: memref<128x64xf32, #tpu.memory_space<vmem>>, %arg9: memref<128x64xf32, #tpu.memory_space<vmem>>, %arg10: memref<128x64xf32, #tpu.memory_space<vmem>>, %arg11: memref<128x64xf32, #tpu.memory_space<vmem>>, %arg12: memref<10000x64xf32, #tpu.memory_space<vmem_shared>>, %arg13: memref<!tpu.dma_semaphore, #tpu.memory_space<semaphore_mem>>, %arg14: memref<!tpu.dma_semaphore, #tpu.memory_space<semaphore_mem>>, %arg15: memref<!tpu.dma_semaphore, #tpu.memory_space<semaphore_mem>>, %arg16: memref<!tpu.dma_semaphore, #tpu.memory_space<semaphore_mem>>, %arg17: memref<!tpu.dma_semaphore, #tpu.memory_space<semaphore_mem>>, %arg18: memref<!tpu.dma_semaphore, #tpu.memory_space<semaphore_mem>>, %arg19: memref<!tpu.dma_semaphore, #tpu.memory_space<semaphore_mem>>, %arg20: memref<!tpu.dma_semaphore, #tpu.memory_space<semaphore_mem>>) attributes {dimension_semantics = [#tpu.dimension_semantics<core_parallel>, #tpu.dimension_semantics<subcore_parallel>], iteration_bounds = array<i64: 2, 16>, scalar_prefetch = 0 : i64, scratch_operands = 15 : i64, tpu.core_type = #tpu.core_type<sc_vector_subcore>, window_params = [{transform_indices = #map}, {transform_indices = #map}, {transform_indices = #map}, {transform_indices = #map1}]} {
    %mul3A = arith.constant 2 : i32
    %mul3A_0 = arith.muli %arg1, %mul3A : i32
    %add3A = arith.addi %mul3A_0, %arg0 : i32
    %mul3A_1 = arith.constant 625 : i32
    %mul3A_2 = arith.muli %arg1, %mul3A_1 : i32
    %dma_start3A = arith.constant 0 : i32
    %dma_start3A_3 = tpu.memref_slice %arg12[%mul3A_2, %dma_start3A] : memref<10000x64xf32, #tpu.memory_space<vmem_shared>> -> memref<625x64xf32, #tpu.memory_space<vmem_shared>>
    %dma_start3A_4 = arith.constant 0 : i32
    %dma_start3A_5 = tpu.memref_slice %arg4[%mul3A_2, %dma_start3A_4] : memref<10000x64xf32, #tpu.memory_space<hbm>> -> memref<625x64xf32, #tpu.memory_space<hbm>>
    tpu.enqueue_dma source(%dma_start3A_5 : memref<625x64xf32, #tpu.memory_space<hbm>>) target(%dma_start3A_3 : memref<625x64xf32, #tpu.memory_space<vmem_shared>>) target_semaphore(%arg13 : memref<!tpu.dma_semaphore, #tpu.memory_space<semaphore_mem>>)
    %mul3A_6 = arith.constant 10000 : i32
    %mul3A_7 = arith.muli %add3A, %mul3A_6 : i32
    %dma_start3A_8 = arith.constant 0 : i32
    %dma_start3A_9 = tpu.memref_slice %arg3[%dma_start3A_8, %mul3A_7] : memref<2x320000xi32, #tpu.memory_space<hbm>> -> memref<1x10000xi32, #tpu.memory_space<hbm>>
    %dma_start3A_10 = tpu.memref_squeeze %dma_start3A_9 : memref<1x10000xi32, #tpu.memory_space<hbm>> -> memref<10000xi32, #tpu.memory_space<hbm>>
    %dma_start3A_11 = tpu.memref_slice %arg3[%dma_start3A_8, %mul3A_7] : memref<2x320000xi32, #tpu.memory_space<hbm>> -> memref<1x10000xi32, #tpu.memory_space<hbm>>
    %dma_start3A_12 = tpu.memref_squeeze %dma_start3A_11 : memref<1x10000xi32, #tpu.memory_space<hbm>> -> memref<10000xi32, #tpu.memory_space<hbm>>
    tpu.enqueue_dma source(%dma_start3A_12 : memref<10000xi32, #tpu.memory_space<hbm>>) target(%arg6 : memref<10000xi32, #tpu.memory_space<vmem>>) target_semaphore(%arg14 : memref<!tpu.dma_semaphore, #tpu.memory_space<semaphore_mem>>)
    %mul3A_13 = arith.constant 10000 : i32
    %mul3A_14 = arith.muli %add3A, %mul3A_13 : i32
    %dma_start3A_15 = arith.constant 1 : i32
    %dma_start3A_16 = tpu.memref_slice %arg3[%dma_start3A_15, %mul3A_14] : memref<2x320000xi32, #tpu.memory_space<hbm>> -> memref<1x10000xi32, #tpu.memory_space<hbm>>
    %dma_start3A_17 = tpu.memref_squeeze %dma_start3A_16 : memref<1x10000xi32, #tpu.memory_space<hbm>> -> memref<10000xi32, #tpu.memory_space<hbm>>
    %dma_start3A_18 = tpu.memref_slice %arg3[%dma_start3A_15, %mul3A_14] : memref<2x320000xi32, #tpu.memory_space<hbm>> -> memref<1x10000xi32, #tpu.memory_space<hbm>>
    %dma_start3A_19 = tpu.memref_squeeze %dma_start3A_18 : memref<1x10000xi32, #tpu.memory_space<hbm>> -> memref<10000xi32, #tpu.memory_space<hbm>>
    tpu.enqueue_dma source(%dma_start3A_19 : memref<10000xi32, #tpu.memory_space<hbm>>) target(%arg7 : memref<10000xi32, #tpu.memory_space<vmem>>) target_semaphore(%arg15 : memref<!tpu.dma_semaphore, #tpu.memory_space<semaphore_mem>>)
    %dma_wait3A = arith.constant 0 : i32
    %dma_wait3A_20 = tpu.memref_slice %arg3[%dma_wait3A, %mul3A_7] : memref<2x320000xi32, #tpu.memory_space<hbm>> -> memref<1x10000xi32, #tpu.memory_space<hbm>>
    %dma_wait3A_21 = tpu.memref_squeeze %dma_wait3A_20 : memref<1x10000xi32, #tpu.memory_space<hbm>> -> memref<10000xi32, #tpu.memory_space<hbm>>
    %dma_wait3A_22 = tpu.memref_slice %arg3[%dma_wait3A, %mul3A_7] : memref<2x320000xi32, #tpu.memory_space<hbm>> -> memref<1x10000xi32, #tpu.memory_space<hbm>>
    %dma_wait3A_23 = tpu.memref_squeeze %dma_wait3A_22 : memref<1x10000xi32, #tpu.memory_space<hbm>> -> memref<10000xi32, #tpu.memory_space<hbm>>
    tpu.wait_dma2 semaphore(%arg14 : memref<!tpu.dma_semaphore, #tpu.memory_space<semaphore_mem>>) src(%dma_wait3A_23 : memref<10000xi32, #tpu.memory_space<hbm>>) dst(%arg6 : memref<10000xi32, #tpu.memory_space<vmem>>)
    %dma_wait3A_24 = arith.constant 1 : i32
    %dma_wait3A_25 = tpu.memref_slice %arg3[%dma_wait3A_24, %mul3A_14] : memref<2x320000xi32, #tpu.memory_space<hbm>> -> memref<1x10000xi32, #tpu.memory_space<hbm>>
    %dma_wait3A_26 = tpu.memref_squeeze %dma_wait3A_25 : memref<1x10000xi32, #tpu.memory_space<hbm>> -> memref<10000xi32, #tpu.memory_space<hbm>>
    %dma_wait3A_27 = tpu.memref_slice %arg3[%dma_wait3A_24, %mul3A_14] : memref<2x320000xi32, #tpu.memory_space<hbm>> -> memref<1x10000xi32, #tpu.memory_space<hbm>>
    %dma_wait3A_28 = tpu.memref_squeeze %dma_wait3A_27 : memref<1x10000xi32, #tpu.memory_space<hbm>> -> memref<10000xi32, #tpu.memory_space<hbm>>
    tpu.wait_dma2 semaphore(%arg15 : memref<!tpu.dma_semaphore, #tpu.memory_space<semaphore_mem>>) src(%dma_wait3A_28 : memref<10000xi32, #tpu.memory_space<hbm>>) dst(%arg7 : memref<10000xi32, #tpu.memory_space<vmem>>)
    %dma_wait3A_29 = arith.constant 0 : i32
    %dma_wait3A_30 = tpu.memref_slice %arg12[%mul3A_2, %dma_wait3A_29] : memref<10000x64xf32, #tpu.memory_space<vmem_shared>> -> memref<625x64xf32, #tpu.memory_space<vmem_shared>>
    %dma_wait3A_31 = arith.constant 0 : i32
    %dma_wait3A_32 = tpu.memref_slice %arg4[%mul3A_2, %dma_wait3A_31] : memref<10000x64xf32, #tpu.memory_space<hbm>> -> memref<625x64xf32, #tpu.memory_space<hbm>>
    tpu.wait_dma2 semaphore(%arg13 : memref<!tpu.dma_semaphore, #tpu.memory_space<semaphore_mem>>) src(%dma_wait3A_32 : memref<625x64xf32, #tpu.memory_space<hbm>>) dst(%dma_wait3A_30 : memref<625x64xf32, #tpu.memory_space<vmem_shared>>)
    %barrier3A = arith.constant 0 : index
    tpu.barrier barrier_id(%barrier3A)
    %dma_start3A_33 = arith.constant 0 : i32
    %dma_start3A_34 = arith.constant 0 : i32
    %dma_start3A_35 = tpu.memref_slice %arg8[%dma_start3A_33, %dma_start3A_34] : memref<128x64xf32, #tpu.memory_space<vmem>> -> memref<128x64xf32, #tpu.memory_space<vmem>>
    %dma_start3A_36 = arith.constant 0 : i32
    %dma_start3A_37 = tpu.memref_slice %arg6[%dma_start3A_36] : memref<10000xi32, #tpu.memory_space<vmem>> -> memref<128xi32, #tpu.memory_space<vmem>>
    %dma_start3A_38 = arith.constant 0 : i32
    %dma_start3A_39 = arith.constant 0 : i32
    %dma_start3A_40 = tpu.memref_slice %arg2[%dma_start3A_38, %dma_start3A_39] : memref<10000x64xf32, #tpu.memory_space<hbm>> -> memref<10000x64xf32, #tpu.memory_space<hbm>>
    tpu.enqueue_indirect_dma source(%dma_start3A_40 : memref<10000x64xf32, #tpu.memory_space<hbm>>) target(%dma_start3A_35 : memref<128x64xf32, #tpu.memory_space<vmem>>) offsets(%dma_start3A_37 : memref<128xi32, #tpu.memory_space<vmem>>) semaphore(%arg13 : memref<!tpu.dma_semaphore, #tpu.memory_space<semaphore_mem>>)
    %dma_start3A_41 = arith.constant 0 : i32
    %dma_start3A_42 = arith.constant 0 : i32
    %dma_start3A_43 = tpu.memref_slice %arg9[%dma_start3A_41, %dma_start3A_42] : memref<128x64xf32, #tpu.memory_space<vmem>> -> memref<128x64xf32, #tpu.memory_space<vmem>>
    %dma_start3A_44 = arith.constant 128 : i32
    %dma_start3A_45 = tpu.memref_slice %arg6[%dma_start3A_44] : memref<10000xi32, #tpu.memory_space<vmem>> -> memref<128xi32, #tpu.memory_space<vmem>>
    %dma_start3A_46 = arith.constant 0 : i32
    %dma_start3A_47 = arith.constant 0 : i32
    %dma_start3A_48 = tpu.memref_slice %arg2[%dma_start3A_46, %dma_start3A_47] : memref<10000x64xf32, #tpu.memory_space<hbm>> -> memref<10000x64xf32, #tpu.memory_space<hbm>>
    tpu.enqueue_indirect_dma source(%dma_start3A_48 : memref<10000x64xf32, #tpu.memory_space<hbm>>) target(%dma_start3A_43 : memref<128x64xf32, #tpu.memory_space<vmem>>) offsets(%dma_start3A_45 : memref<128xi32, #tpu.memory_space<vmem>>) semaphore(%arg14 : memref<!tpu.dma_semaphore, #tpu.memory_space<semaphore_mem>>)
    %dma_start3A_49 = arith.constant 0 : i32
    %dma_start3A_50 = arith.constant 0 : i32
    %dma_start3A_51 = tpu.memref_slice %arg10[%dma_start3A_49, %dma_start3A_50] : memref<128x64xf32, #tpu.memory_space<vmem>> -> memref<128x64xf32, #tpu.memory_space<vmem>>
    %dma_start3A_52 = arith.constant 256 : i32
    %dma_start3A_53 = tpu.memref_slice %arg6[%dma_start3A_52] : memref<10000xi32, #tpu.memory_space<vmem>> -> memref<128xi32, #tpu.memory_space<vmem>>
    %dma_start3A_54 = arith.constant 0 : i32
    %dma_start3A_55 = arith.constant 0 : i32
    %dma_start3A_56 = tpu.memref_slice %arg2[%dma_start3A_54, %dma_start3A_55] : memref<10000x64xf32, #tpu.memory_space<hbm>> -> memref<10000x64xf32, #tpu.memory_space<hbm>>
    tpu.enqueue_indirect_dma source(%dma_start3A_56 : memref<10000x64xf32, #tpu.memory_space<hbm>>) target(%dma_start3A_51 : memref<128x64xf32, #tpu.memory_space<vmem>>) offsets(%dma_start3A_53 : memref<128xi32, #tpu.memory_space<vmem>>) semaphore(%arg15 : memref<!tpu.dma_semaphore, #tpu.memory_space<semaphore_mem>>)
    %dma_start3A_57 = arith.constant 0 : i32
    %dma_start3A_58 = arith.constant 0 : i32
    %dma_start3A_59 = tpu.memref_slice %arg11[%dma_start3A_57, %dma_start3A_58] : memref<128x64xf32, #tpu.memory_space<vmem>> -> memref<128x64xf32, #tpu.memory_space<vmem>>
    %dma_start3A_60 = arith.constant 384 : i32
    %dma_start3A_61 = tpu.memref_slice %arg6[%dma_start3A_60] : memref<10000xi32, #tpu.memory_space<vmem>> -> memref<128xi32, #tpu.memory_space<vmem>>
    %dma_start3A_62 = arith.constant 0 : i32
    %dma_start3A_63 = arith.constant 0 : i32
    %dma_start3A_64 = tpu.memref_slice %arg2[%dma_start3A_62, %dma_start3A_63] : memref<10000x64xf32, #tpu.memory_space<hbm>> -> memref<10000x64xf32, #tpu.memory_space<hbm>>
    tpu.enqueue_indirect_dma source(%dma_start3A_64 : memref<10000x64xf32, #tpu.memory_space<hbm>>) target(%dma_start3A_59 : memref<128x64xf32, #tpu.memory_space<vmem>>) offsets(%dma_start3A_61 : memref<128xi32, #tpu.memory_space<vmem>>) semaphore(%arg16 : memref<!tpu.dma_semaphore, #tpu.memory_space<semaphore_mem>>)
    %scan3A = arith.constant 0 : i32
    %scan3A_65 = arith.constant 19 : i32
    %scan3A_66 = arith.addi %scan3A, %scan3A_65 : i32
    %scan3A_67 = arith.constant 1 : i32
    scf.for %scan3A_150 = %scan3A to %scan3A_66 step %scan3A_67  : i32 {
      %mul3A_151 = arith.constant 4 : i32
      %mul3A_152 = arith.muli %scan3A_150, %mul3A_151 : i32
      %add3A_153 = arith.constant 0 : i32
      %add3A_154 = arith.addi %add3A_153, %mul3A_152 : i32
      %add3A_155 = arith.constant 0 : i32
      %add3A_156 = arith.addi %add3A_154, %add3A_155 : i32
      %dma_wait3A_157 = arith.constant 0 : i32
      %dma_wait3A_158 = arith.constant 0 : i32
      %dma_wait3A_159 = tpu.memref_slice %arg8[%dma_wait3A_157, %dma_wait3A_158] : memref<128x64xf32, #tpu.memory_space<vmem>> -> memref<128x64xf32, #tpu.memory_space<vmem>>
      %dma_wait3A_160 = arith.constant 0 : i32
      %dma_wait3A_161 = tpu.memref_slice %arg6[%dma_wait3A_160] : memref<10000xi32, #tpu.memory_space<vmem>> -> memref<128xi32, #tpu.memory_space<vmem>>
      %dma_wait3A_162 = arith.constant 0 : i32
      %dma_wait3A_163 = arith.constant 0 : i32
      %dma_wait3A_164 = tpu.memref_slice %arg2[%dma_wait3A_162, %dma_wait3A_163] : memref<10000x64xf32, #tpu.memory_space<hbm>> -> memref<10000x64xf32, #tpu.memory_space<hbm>>
      tpu.wait_indirect_dma semaphore(%arg13 : memref<!tpu.dma_semaphore, #tpu.memory_space<semaphore_mem>>) src(%dma_wait3A_164 : memref<10000x64xf32, #tpu.memory_space<hbm>>) dst(%dma_wait3A_159 : memref<128x64xf32, #tpu.memory_space<vmem>>)
      %mul3A_165 = arith.constant 128 : i32
      %mul3A_166 = arith.muli %add3A_156, %mul3A_165 : i32
      %dma_start3A_167 = arith.constant 0 : i32
      %dma_start3A_168 = arith.constant 0 : i32
      %dma_start3A_169 = tpu.memref_slice %arg8[%dma_start3A_167, %dma_start3A_168] : memref<128x64xf32, #tpu.memory_space<vmem>> -> memref<128x64xf32, #tpu.memory_space<vmem>>
      %dma_start3A_170 = tpu.memref_slice %arg7[%mul3A_166] : memref<10000xi32, #tpu.memory_space<vmem>> -> memref<128xi32, #tpu.memory_space<vmem>>
      %dma_start3A_171 = arith.constant 0 : i32
      %dma_start3A_172 = arith.constant 0 : i32
      %dma_start3A_173 = tpu.memref_slice %arg12[%dma_start3A_171, %dma_start3A_172] : memref<10000x64xf32, #tpu.memory_space<vmem_shared>> -> memref<10000x64xf32, #tpu.memory_space<vmem_shared>>
      tpu.enqueue_indirect_dma source(%dma_start3A_169 : memref<128x64xf32, #tpu.memory_space<vmem>>) target(%dma_start3A_173 : memref<10000x64xf32, #tpu.memory_space<vmem_shared>>) offsets(%dma_start3A_170 : memref<128xi32, #tpu.memory_space<vmem>>) semaphore(%arg17 : memref<!tpu.dma_semaphore, #tpu.memory_space<semaphore_mem>>) {add = true}
      %dma_wait3A_174 = arith.constant 0 : i32
      %dma_wait3A_175 = arith.constant 0 : i32
      %dma_wait3A_176 = tpu.memref_slice %arg8[%dma_wait3A_174, %dma_wait3A_175] : memref<128x64xf32, #tpu.memory_space<vmem>> -> memref<128x64xf32, #tpu.memory_space<vmem>>
      %dma_wait3A_177 = tpu.memref_slice %arg7[%mul3A_166] : memref<10000xi32, #tpu.memory_space<vmem>> -> memref<128xi32, #tpu.memory_space<vmem>>
      %dma_wait3A_178 = arith.constant 0 : i32
      %dma_wait3A_179 = arith.constant 0 : i32
      %dma_wait3A_180 = tpu.memref_slice %arg12[%dma_wait3A_178, %dma_wait3A_179] : memref<10000x64xf32, #tpu.memory_space<vmem_shared>> -> memref<10000x64xf32, #tpu.memory_space<vmem_shared>>
      tpu.wait_indirect_dma semaphore(%arg17 : memref<!tpu.dma_semaphore, #tpu.memory_space<semaphore_mem>>) src(%dma_wait3A_176 : memref<128x64xf32, #tpu.memory_space<vmem>>) dst(%dma_wait3A_180 : memref<10000x64xf32, #tpu.memory_space<vmem_shared>>)
      %add3A_181 = arith.constant 4 : i32
      %add3A_182 = arith.addi %add3A_156, %add3A_181 : i32
      %lt3A = arith.constant 78 : i32
      %lt3A_183 = arith.cmpi slt, %add3A_182, %lt3A : i32
      %convert_element_type3A = arith.extui %lt3A_183 : i1 to i32
      %cond3A = arith.constant 0 : i32
      %cond3A_184 = arith.cmpi ne, %convert_element_type3A, %cond3A : i32
      scf.if %cond3A_184 {
        %add3A_284 = arith.constant 4 : i32
        %add3A_285 = arith.addi %add3A_156, %add3A_284 : i32
        %mul3A_286 = arith.constant 128 : i32
        %mul3A_287 = arith.muli %add3A_285, %mul3A_286 : i32
        %dma_start3A_288 = arith.constant 0 : i32
        %dma_start3A_289 = arith.constant 0 : i32
        %dma_start3A_290 = tpu.memref_slice %arg8[%dma_start3A_288, %dma_start3A_289] : memref<128x64xf32, #tpu.memory_space<vmem>> -> memref<128x64xf32, #tpu.memory_space<vmem>>
        %dma_start3A_291 = tpu.memref_slice %arg6[%mul3A_287] : memref<10000xi32, #tpu.memory_space<vmem>> -> memref<128xi32, #tpu.memory_space<vmem>>
        %dma_start3A_292 = arith.constant 0 : i32
        %dma_start3A_293 = arith.constant 0 : i32
        %dma_start3A_294 = tpu.memref_slice %arg2[%dma_start3A_292, %dma_start3A_293] : memref<10000x64xf32, #tpu.memory_space<hbm>> -> memref<10000x64xf32, #tpu.memory_space<hbm>>
        tpu.enqueue_indirect_dma source(%dma_start3A_294 : memref<10000x64xf32, #tpu.memory_space<hbm>>) target(%dma_start3A_290 : memref<128x64xf32, #tpu.memory_space<vmem>>) offsets(%dma_start3A_291 : memref<128xi32, #tpu.memory_space<vmem>>) semaphore(%arg13 : memref<!tpu.dma_semaphore, #tpu.memory_space<semaphore_mem>>)
      } else {
      }
      %add3A_185 = arith.constant 1 : i32
      %add3A_186 = arith.addi %add3A_154, %add3A_185 : i32
      %dma_wait3A_187 = arith.constant 0 : i32
      %dma_wait3A_188 = arith.constant 0 : i32
      %dma_wait3A_189 = tpu.memref_slice %arg9[%dma_wait3A_187, %dma_wait3A_188] : memref<128x64xf32, #tpu.memory_space<vmem>> -> memref<128x64xf32, #tpu.memory_space<vmem>>
      %dma_wait3A_190 = arith.constant 0 : i32
      %dma_wait3A_191 = tpu.memref_slice %arg6[%dma_wait3A_190] : memref<10000xi32, #tpu.memory_space<vmem>> -> memref<128xi32, #tpu.memory_space<vmem>>
      %dma_wait3A_192 = arith.constant 0 : i32
      %dma_wait3A_193 = arith.constant 0 : i32
      %dma_wait3A_194 = tpu.memref_slice %arg2[%dma_wait3A_192, %dma_wait3A_193] : memref<10000x64xf32, #tpu.memory_space<hbm>> -> memref<10000x64xf32, #tpu.memory_space<hbm>>
      tpu.wait_indirect_dma semaphore(%arg14 : memref<!tpu.dma_semaphore, #tpu.memory_space<semaphore_mem>>) src(%dma_wait3A_194 : memref<10000x64xf32, #tpu.memory_space<hbm>>) dst(%dma_wait3A_189 : memref<128x64xf32, #tpu.memory_space<vmem>>)
      %mul3A_195 = arith.constant 128 : i32
      %mul3A_196 = arith.muli %add3A_186, %mul3A_195 : i32
      %dma_start3A_197 = arith.constant 0 : i32
      %dma_start3A_198 = arith.constant 0 : i32
      %dma_start3A_199 = tpu.memref_slice %arg9[%dma_start3A_197, %dma_start3A_198] : memref<128x64xf32, #tpu.memory_space<vmem>> -> memref<128x64xf32, #tpu.memory_space<vmem>>
      %dma_start3A_200 = tpu.memref_slice %arg7[%mul3A_196] : memref<10000xi32, #tpu.memory_space<vmem>> -> memref<128xi32, #tpu.memory_space<vmem>>
      %dma_start3A_201 = arith.constant 0 : i32
      %dma_start3A_202 = arith.constant 0 : i32
      %dma_start3A_203 = tpu.memref_slice %arg12[%dma_start3A_201, %dma_start3A_202] : memref<10000x64xf32, #tpu.memory_space<vmem_shared>> -> memref<10000x64xf32, #tpu.memory_space<vmem_shared>>
      tpu.enqueue_indirect_dma source(%dma_start3A_199 : memref<128x64xf32, #tpu.memory_space<vmem>>) target(%dma_start3A_203 : memref<10000x64xf32, #tpu.memory_space<vmem_shared>>) offsets(%dma_start3A_200 : memref<128xi32, #tpu.memory_space<vmem>>) semaphore(%arg18 : memref<!tpu.dma_semaphore, #tpu.memory_space<semaphore_mem>>) {add = true}
      %dma_wait3A_204 = arith.constant 0 : i32
      %dma_wait3A_205 = arith.constant 0 : i32
      %dma_wait3A_206 = tpu.memref_slice %arg9[%dma_wait3A_204, %dma_wait3A_205] : memref<128x64xf32, #tpu.memory_space<vmem>> -> memref<128x64xf32, #tpu.memory_space<vmem>>
      %dma_wait3A_207 = tpu.memref_slice %arg7[%mul3A_196] : memref<10000xi32, #tpu.memory_space<vmem>> -> memref<128xi32, #tpu.memory_space<vmem>>
      %dma_wait3A_208 = arith.constant 0 : i32
      %dma_wait3A_209 = arith.constant 0 : i32
      %dma_wait3A_210 = tpu.memref_slice %arg12[%dma_wait3A_208, %dma_wait3A_209] : memref<10000x64xf32, #tpu.memory_space<vmem_shared>> -> memref<10000x64xf32, #tpu.memory_space<vmem_shared>>
      tpu.wait_indirect_dma semaphore(%arg18 : memref<!tpu.dma_semaphore, #tpu.memory_space<semaphore_mem>>) src(%dma_wait3A_206 : memref<128x64xf32, #tpu.memory_space<vmem>>) dst(%dma_wait3A_210 : memref<10000x64xf32, #tpu.memory_space<vmem_shared>>)
      %add3A_211 = arith.constant 4 : i32
      %add3A_212 = arith.addi %add3A_186, %add3A_211 : i32
      %lt3A_213 = arith.constant 78 : i32
      %lt3A_214 = arith.cmpi slt, %add3A_212, %lt3A_213 : i32
      %convert_element_type3A_215 = arith.extui %lt3A_214 : i1 to i32
      %cond3A_216 = arith.constant 0 : i32
      %cond3A_217 = arith.cmpi ne, %convert_element_type3A_215, %cond3A_216 : i32
      scf.if %cond3A_217 {
        %add3A_284 = arith.constant 4 : i32
        %add3A_285 = arith.addi %add3A_186, %add3A_284 : i32
        %mul3A_286 = arith.constant 128 : i32
        %mul3A_287 = arith.muli %add3A_285, %mul3A_286 : i32
        %dma_start3A_288 = arith.constant 0 : i32
        %dma_start3A_289 = arith.constant 0 : i32
        %dma_start3A_290 = tpu.memref_slice %arg9[%dma_start3A_288, %dma_start3A_289] : memref<128x64xf32, #tpu.memory_space<vmem>> -> memref<128x64xf32, #tpu.memory_space<vmem>>
        %dma_start3A_291 = tpu.memref_slice %arg6[%mul3A_287] : memref<10000xi32, #tpu.memory_space<vmem>> -> memref<128xi32, #tpu.memory_space<vmem>>
        %dma_start3A_292 = arith.constant 0 : i32
        %dma_start3A_293 = arith.constant 0 : i32
        %dma_start3A_294 = tpu.memref_slice %arg2[%dma_start3A_292, %dma_start3A_293] : memref<10000x64xf32, #tpu.memory_space<hbm>> -> memref<10000x64xf32, #tpu.memory_space<hbm>>
        tpu.enqueue_indirect_dma source(%dma_start3A_294 : memref<10000x64xf32, #tpu.memory_space<hbm>>) target(%dma_start3A_290 : memref<128x64xf32, #tpu.memory_space<vmem>>) offsets(%dma_start3A_291 : memref<128xi32, #tpu.memory_space<vmem>>) semaphore(%arg14 : memref<!tpu.dma_semaphore, #tpu.memory_space<semaphore_mem>>)
      } else {
      }
      %add3A_218 = arith.constant 2 : i32
      %add3A_219 = arith.addi %add3A_154, %add3A_218 : i32
      %dma_wait3A_220 = arith.constant 0 : i32
      %dma_wait3A_221 = arith.constant 0 : i32
      %dma_wait3A_222 = tpu.memref_slice %arg10[%dma_wait3A_220, %dma_wait3A_221] : memref<128x64xf32, #tpu.memory_space<vmem>> -> memref<128x64xf32, #tpu.memory_space<vmem>>
      %dma_wait3A_223 = arith.constant 0 : i32
      %dma_wait3A_224 = tpu.memref_slice %arg6[%dma_wait3A_223] : memref<10000xi32, #tpu.memory_space<vmem>> -> memref<128xi32, #tpu.memory_space<vmem>>
      %dma_wait3A_225 = arith.constant 0 : i32
      %dma_wait3A_226 = arith.constant 0 : i32
      %dma_wait3A_227 = tpu.memref_slice %arg2[%dma_wait3A_225, %dma_wait3A_226] : memref<10000x64xf32, #tpu.memory_space<hbm>> -> memref<10000x64xf32, #tpu.memory_space<hbm>>
      tpu.wait_indirect_dma semaphore(%arg15 : memref<!tpu.dma_semaphore, #tpu.memory_space<semaphore_mem>>) src(%dma_wait3A_227 : memref<10000x64xf32, #tpu.memory_space<hbm>>) dst(%dma_wait3A_222 : memref<128x64xf32, #tpu.memory_space<vmem>>)
      %mul3A_228 = arith.constant 128 : i32
      %mul3A_229 = arith.muli %add3A_219, %mul3A_228 : i32
      %dma_start3A_230 = arith.constant 0 : i32
      %dma_start3A_231 = arith.constant 0 : i32
      %dma_start3A_232 = tpu.memref_slice %arg10[%dma_start3A_230, %dma_start3A_231] : memref<128x64xf32, #tpu.memory_space<vmem>> -> memref<128x64xf32, #tpu.memory_space<vmem>>
      %dma_start3A_233 = tpu.memref_slice %arg7[%mul3A_229] : memref<10000xi32, #tpu.memory_space<vmem>> -> memref<128xi32, #tpu.memory_space<vmem>>
      %dma_start3A_234 = arith.constant 0 : i32
      %dma_start3A_235 = arith.constant 0 : i32
      %dma_start3A_236 = tpu.memref_slice %arg12[%dma_start3A_234, %dma_start3A_235] : memref<10000x64xf32, #tpu.memory_space<vmem_shared>> -> memref<10000x64xf32, #tpu.memory_space<vmem_shared>>
      tpu.enqueue_indirect_dma source(%dma_start3A_232 : memref<128x64xf32, #tpu.memory_space<vmem>>) target(%dma_start3A_236 : memref<10000x64xf32, #tpu.memory_space<vmem_shared>>) offsets(%dma_start3A_233 : memref<128xi32, #tpu.memory_space<vmem>>) semaphore(%arg19 : memref<!tpu.dma_semaphore, #tpu.memory_space<semaphore_mem>>) {add = true}
      %dma_wait3A_237 = arith.constant 0 : i32
      %dma_wait3A_238 = arith.constant 0 : i32
      %dma_wait3A_239 = tpu.memref_slice %arg10[%dma_wait3A_237, %dma_wait3A_238] : memref<128x64xf32, #tpu.memory_space<vmem>> -> memref<128x64xf32, #tpu.memory_space<vmem>>
      %dma_wait3A_240 = tpu.memref_slice %arg7[%mul3A_229] : memref<10000xi32, #tpu.memory_space<vmem>> -> memref<128xi32, #tpu.memory_space<vmem>>
      %dma_wait3A_241 = arith.constant 0 : i32
      %dma_wait3A_242 = arith.constant 0 : i32
      %dma_wait3A_243 = tpu.memref_slice %arg12[%dma_wait3A_241, %dma_wait3A_242] : memref<10000x64xf32, #tpu.memory_space<vmem_shared>> -> memref<10000x64xf32, #tpu.memory_space<vmem_shared>>
      tpu.wait_indirect_dma semaphore(%arg19 : memref<!tpu.dma_semaphore, #tpu.memory_space<semaphore_mem>>) src(%dma_wait3A_239 : memref<128x64xf32, #tpu.memory_space<vmem>>) dst(%dma_wait3A_243 : memref<10000x64xf32, #tpu.memory_space<vmem_shared>>)
      %add3A_244 = arith.constant 4 : i32
      %add3A_245 = arith.addi %add3A_219, %add3A_244 : i32
      %lt3A_246 = arith.constant 78 : i32
      %lt3A_247 = arith.cmpi slt, %add3A_245, %lt3A_246 : i32
      %convert_element_type3A_248 = arith.extui %lt3A_247 : i1 to i32
      %cond3A_249 = arith.constant 0 : i32
      %cond3A_250 = arith.cmpi ne, %convert_element_type3A_248, %cond3A_249 : i32
      scf.if %cond3A_250 {
        %add3A_284 = arith.constant 4 : i32
        %add3A_285 = arith.addi %add3A_219, %add3A_284 : i32
        %mul3A_286 = arith.constant 128 : i32
        %mul3A_287 = arith.muli %add3A_285, %mul3A_286 : i32
        %dma_start3A_288 = arith.constant 0 : i32
        %dma_start3A_289 = arith.constant 0 : i32
        %dma_start3A_290 = tpu.memref_slice %arg10[%dma_start3A_288, %dma_start3A_289] : memref<128x64xf32, #tpu.memory_space<vmem>> -> memref<128x64xf32, #tpu.memory_space<vmem>>
        %dma_start3A_291 = tpu.memref_slice %arg6[%mul3A_287] : memref<10000xi32, #tpu.memory_space<vmem>> -> memref<128xi32, #tpu.memory_space<vmem>>
        %dma_start3A_292 = arith.constant 0 : i32
        %dma_start3A_293 = arith.constant 0 : i32
        %dma_start3A_294 = tpu.memref_slice %arg2[%dma_start3A_292, %dma_start3A_293] : memref<10000x64xf32, #tpu.memory_space<hbm>> -> memref<10000x64xf32, #tpu.memory_space<hbm>>
        tpu.enqueue_indirect_dma source(%dma_start3A_294 : memref<10000x64xf32, #tpu.memory_space<hbm>>) target(%dma_start3A_290 : memref<128x64xf32, #tpu.memory_space<vmem>>) offsets(%dma_start3A_291 : memref<128xi32, #tpu.memory_space<vmem>>) semaphore(%arg15 : memref<!tpu.dma_semaphore, #tpu.memory_space<semaphore_mem>>)
      } else {
      }
      %add3A_251 = arith.constant 3 : i32
      %add3A_252 = arith.addi %add3A_154, %add3A_251 : i32
      %dma_wait3A_253 = arith.constant 0 : i32
      %dma_wait3A_254 = arith.constant 0 : i32
      %dma_wait3A_255 = tpu.memref_slice %arg11[%dma_wait3A_253, %dma_wait3A_254] : memref<128x64xf32, #tpu.memory_space<vmem>> -> memref<128x64xf32, #tpu.memory_space<vmem>>
      %dma_wait3A_256 = arith.constant 0 : i32
      %dma_wait3A_257 = tpu.memref_slice %arg6[%dma_wait3A_256] : memref<10000xi32, #tpu.memory_space<vmem>> -> memref<128xi32, #tpu.memory_space<vmem>>
      %dma_wait3A_258 = arith.constant 0 : i32
      %dma_wait3A_259 = arith.constant 0 : i32
      %dma_wait3A_260 = tpu.memref_slice %arg2[%dma_wait3A_258, %dma_wait3A_259] : memref<10000x64xf32, #tpu.memory_space<hbm>> -> memref<10000x64xf32, #tpu.memory_space<hbm>>
      tpu.wait_indirect_dma semaphore(%arg16 : memref<!tpu.dma_semaphore, #tpu.memory_space<semaphore_mem>>) src(%dma_wait3A_260 : memref<10000x64xf32, #tpu.memory_space<hbm>>) dst(%dma_wait3A_255 : memref<128x64xf32, #tpu.memory_space<vmem>>)
      %mul3A_261 = arith.constant 128 : i32
      %mul3A_262 = arith.muli %add3A_252, %mul3A_261 : i32
      %dma_start3A_263 = arith.constant 0 : i32
      %dma_start3A_264 = arith.constant 0 : i32
      %dma_start3A_265 = tpu.memref_slice %arg11[%dma_start3A_263, %dma_start3A_264] : memref<128x64xf32, #tpu.memory_space<vmem>> -> memref<128x64xf32, #tpu.memory_space<vmem>>
      %dma_start3A_266 = tpu.memref_slice %arg7[%mul3A_262] : memref<10000xi32, #tpu.memory_space<vmem>> -> memref<128xi32, #tpu.memory_space<vmem>>
      %dma_start3A_267 = arith.constant 0 : i32
      %dma_start3A_268 = arith.constant 0 : i32
      %dma_start3A_269 = tpu.memref_slice %arg12[%dma_start3A_267, %dma_start3A_268] : memref<10000x64xf32, #tpu.memory_space<vmem_shared>> -> memref<10000x64xf32, #tpu.memory_space<vmem_shared>>
      tpu.enqueue_indirect_dma source(%dma_start3A_265 : memref<128x64xf32, #tpu.memory_space<vmem>>) target(%dma_start3A_269 : memref<10000x64xf32, #tpu.memory_space<vmem_shared>>) offsets(%dma_start3A_266 : memref<128xi32, #tpu.memory_space<vmem>>) semaphore(%arg20 : memref<!tpu.dma_semaphore, #tpu.memory_space<semaphore_mem>>) {add = true}
      %dma_wait3A_270 = arith.constant 0 : i32
      %dma_wait3A_271 = arith.constant 0 : i32
      %dma_wait3A_272 = tpu.memref_slice %arg11[%dma_wait3A_270, %dma_wait3A_271] : memref<128x64xf32, #tpu.memory_space<vmem>> -> memref<128x64xf32, #tpu.memory_space<vmem>>
      %dma_wait3A_273 = tpu.memref_slice %arg7[%mul3A_262] : memref<10000xi32, #tpu.memory_space<vmem>> -> memref<128xi32, #tpu.memory_space<vmem>>
      %dma_wait3A_274 = arith.constant 0 : i32
      %dma_wait3A_275 = arith.constant 0 : i32
      %dma_wait3A_276 = tpu.memref_slice %arg12[%dma_wait3A_274, %dma_wait3A_275] : memref<10000x64xf32, #tpu.memory_space<vmem_shared>> -> memref<10000x64xf32, #tpu.memory_space<vmem_shared>>
      tpu.wait_indirect_dma semaphore(%arg20 : memref<!tpu.dma_semaphore, #tpu.memory_space<semaphore_mem>>) src(%dma_wait3A_272 : memref<128x64xf32, #tpu.memory_space<vmem>>) dst(%dma_wait3A_276 : memref<10000x64xf32, #tpu.memory_space<vmem_shared>>)
      %add3A_277 = arith.constant 4 : i32
      %add3A_278 = arith.addi %add3A_252, %add3A_277 : i32
      %lt3A_279 = arith.constant 78 : i32
      %lt3A_280 = arith.cmpi slt, %add3A_278, %lt3A_279 : i32
      %convert_element_type3A_281 = arith.extui %lt3A_280 : i1 to i32
      %cond3A_282 = arith.constant 0 : i32
      %cond3A_283 = arith.cmpi ne, %convert_element_type3A_281, %cond3A_282 : i32
      scf.if %cond3A_283 {
        %add3A_284 = arith.constant 4 : i32
        %add3A_285 = arith.addi %add3A_252, %add3A_284 : i32
        %mul3A_286 = arith.constant 128 : i32
        %mul3A_287 = arith.muli %add3A_285, %mul3A_286 : i32
        %dma_start3A_288 = arith.constant 0 : i32
        %dma_start3A_289 = arith.constant 0 : i32
        %dma_start3A_290 = tpu.memref_slice %arg11[%dma_start3A_288, %dma_start3A_289] : memref<128x64xf32, #tpu.memory_space<vmem>> -> memref<128x64xf32, #tpu.memory_space<vmem>>
        %dma_start3A_291 = tpu.memref_slice %arg6[%mul3A_287] : memref<10000xi32, #tpu.memory_space<vmem>> -> memref<128xi32, #tpu.memory_space<vmem>>
        %dma_start3A_292 = arith.constant 0 : i32
        %dma_start3A_293 = arith.constant 0 : i32
        %dma_start3A_294 = tpu.memref_slice %arg2[%dma_start3A_292, %dma_start3A_293] : memref<10000x64xf32, #tpu.memory_space<hbm>> -> memref<10000x64xf32, #tpu.memory_space<hbm>>
        tpu.enqueue_indirect_dma source(%dma_start3A_294 : memref<10000x64xf32, #tpu.memory_space<hbm>>) target(%dma_start3A_290 : memref<128x64xf32, #tpu.memory_space<vmem>>) offsets(%dma_start3A_291 : memref<128xi32, #tpu.memory_space<vmem>>) semaphore(%arg16 : memref<!tpu.dma_semaphore, #tpu.memory_space<semaphore_mem>>)
      } else {
      }
    }
    %scan3A_68 = arith.constant 19 : i32
    %dma_wait3A_69 = arith.constant 0 : i32
    %dma_wait3A_70 = arith.constant 0 : i32
    %dma_wait3A_71 = tpu.memref_slice %arg8[%dma_wait3A_69, %dma_wait3A_70] : memref<128x64xf32, #tpu.memory_space<vmem>> -> memref<128x64xf32, #tpu.memory_space<vmem>>
    %dma_wait3A_72 = arith.constant 0 : i32
    %dma_wait3A_73 = tpu.memref_slice %arg6[%dma_wait3A_72] : memref<10000xi32, #tpu.memory_space<vmem>> -> memref<128xi32, #tpu.memory_space<vmem>>
    %dma_wait3A_74 = arith.constant 0 : i32
    %dma_wait3A_75 = arith.constant 0 : i32
    %dma_wait3A_76 = tpu.memref_slice %arg2[%dma_wait3A_74, %dma_wait3A_75] : memref<10000x64xf32, #tpu.memory_space<hbm>> -> memref<10000x64xf32, #tpu.memory_space<hbm>>
    tpu.wait_indirect_dma semaphore(%arg13 : memref<!tpu.dma_semaphore, #tpu.memory_space<semaphore_mem>>) src(%dma_wait3A_76 : memref<10000x64xf32, #tpu.memory_space<hbm>>) dst(%dma_wait3A_71 : memref<128x64xf32, #tpu.memory_space<vmem>>)
    %dma_start3A_77 = arith.constant 0 : i32
    %dma_start3A_78 = arith.constant 0 : i32
    %dma_start3A_79 = tpu.memref_slice %arg8[%dma_start3A_77, %dma_start3A_78] : memref<128x64xf32, #tpu.memory_space<vmem>> -> memref<128x64xf32, #tpu.memory_space<vmem>>
    %dma_start3A_80 = arith.constant 9728 : i32
    %dma_start3A_81 = tpu.memref_slice %arg7[%dma_start3A_80] : memref<10000xi32, #tpu.memory_space<vmem>> -> memref<128xi32, #tpu.memory_space<vmem>>
    %dma_start3A_82 = arith.constant 0 : i32
    %dma_start3A_83 = arith.constant 0 : i32
    %dma_start3A_84 = tpu.memref_slice %arg12[%dma_start3A_82, %dma_start3A_83] : memref<10000x64xf32, #tpu.memory_space<vmem_shared>> -> memref<10000x64xf32, #tpu.memory_space<vmem_shared>>
    tpu.enqueue_indirect_dma source(%dma_start3A_79 : memref<128x64xf32, #tpu.memory_space<vmem>>) target(%dma_start3A_84 : memref<10000x64xf32, #tpu.memory_space<vmem_shared>>) offsets(%dma_start3A_81 : memref<128xi32, #tpu.memory_space<vmem>>) semaphore(%arg17 : memref<!tpu.dma_semaphore, #tpu.memory_space<semaphore_mem>>) {add = true}
    %dma_wait3A_85 = arith.constant 0 : i32
    %dma_wait3A_86 = arith.constant 0 : i32
    %dma_wait3A_87 = tpu.memref_slice %arg8[%dma_wait3A_85, %dma_wait3A_86] : memref<128x64xf32, #tpu.memory_space<vmem>> -> memref<128x64xf32, #tpu.memory_space<vmem>>
    %dma_wait3A_88 = arith.constant 9728 : i32
    %dma_wait3A_89 = tpu.memref_slice %arg7[%dma_wait3A_88] : memref<10000xi32, #tpu.memory_space<vmem>> -> memref<128xi32, #tpu.memory_space<vmem>>
    %dma_wait3A_90 = arith.constant 0 : i32
    %dma_wait3A_91 = arith.constant 0 : i32
    %dma_wait3A_92 = tpu.memref_slice %arg12[%dma_wait3A_90, %dma_wait3A_91] : memref<10000x64xf32, #tpu.memory_space<vmem_shared>> -> memref<10000x64xf32, #tpu.memory_space<vmem_shared>>
    tpu.wait_indirect_dma semaphore(%arg17 : memref<!tpu.dma_semaphore, #tpu.memory_space<semaphore_mem>>) src(%dma_wait3A_87 : memref<128x64xf32, #tpu.memory_space<vmem>>) dst(%dma_wait3A_92 : memref<10000x64xf32, #tpu.memory_space<vmem_shared>>)
    %dma_wait3A_93 = arith.constant 0 : i32
    %dma_wait3A_94 = arith.constant 0 : i32
    %dma_wait3A_95 = tpu.memref_slice %arg9[%dma_wait3A_93, %dma_wait3A_94] : memref<128x64xf32, #tpu.memory_space<vmem>> -> memref<128x64xf32, #tpu.memory_space<vmem>>
    %dma_wait3A_96 = arith.constant 0 : i32
    %dma_wait3A_97 = tpu.memref_slice %arg6[%dma_wait3A_96] : memref<10000xi32, #tpu.memory_space<vmem>> -> memref<128xi32, #tpu.memory_space<vmem>>
    %dma_wait3A_98 = arith.constant 0 : i32
    %dma_wait3A_99 = arith.constant 0 : i32
    %dma_wait3A_100 = tpu.memref_slice %arg2[%dma_wait3A_98, %dma_wait3A_99] : memref<10000x64xf32, #tpu.memory_space<hbm>> -> memref<10000x64xf32, #tpu.memory_space<hbm>>
    tpu.wait_indirect_dma semaphore(%arg14 : memref<!tpu.dma_semaphore, #tpu.memory_space<semaphore_mem>>) src(%dma_wait3A_100 : memref<10000x64xf32, #tpu.memory_space<hbm>>) dst(%dma_wait3A_95 : memref<128x64xf32, #tpu.memory_space<vmem>>)
    %dma_start3A_101 = arith.constant 0 : i32
    %dma_start3A_102 = arith.constant 0 : i32
    %dma_start3A_103 = tpu.memref_slice %arg9[%dma_start3A_101, %dma_start3A_102] : memref<128x64xf32, #tpu.memory_space<vmem>> -> memref<128x64xf32, #tpu.memory_space<vmem>>
    %dma_start3A_104 = arith.constant 9856 : i32
    %dma_start3A_105 = tpu.memref_slice %arg7[%dma_start3A_104] : memref<10000xi32, #tpu.memory_space<vmem>> -> memref<128xi32, #tpu.memory_space<vmem>>
    %dma_start3A_106 = arith.constant 0 : i32
    %dma_start3A_107 = arith.constant 0 : i32
    %dma_start3A_108 = tpu.memref_slice %arg12[%dma_start3A_106, %dma_start3A_107] : memref<10000x64xf32, #tpu.memory_space<vmem_shared>> -> memref<10000x64xf32, #tpu.memory_space<vmem_shared>>
    tpu.enqueue_indirect_dma source(%dma_start3A_103 : memref<128x64xf32, #tpu.memory_space<vmem>>) target(%dma_start3A_108 : memref<10000x64xf32, #tpu.memory_space<vmem_shared>>) offsets(%dma_start3A_105 : memref<128xi32, #tpu.memory_space<vmem>>) semaphore(%arg18 : memref<!tpu.dma_semaphore, #tpu.memory_space<semaphore_mem>>) {add = true}
    %dma_wait3A_109 = arith.constant 0 : i32
    %dma_wait3A_110 = arith.constant 0 : i32
    %dma_wait3A_111 = tpu.memref_slice %arg9[%dma_wait3A_109, %dma_wait3A_110] : memref<128x64xf32, #tpu.memory_space<vmem>> -> memref<128x64xf32, #tpu.memory_space<vmem>>
    %dma_wait3A_112 = arith.constant 9856 : i32
    %dma_wait3A_113 = tpu.memref_slice %arg7[%dma_wait3A_112] : memref<10000xi32, #tpu.memory_space<vmem>> -> memref<128xi32, #tpu.memory_space<vmem>>
    %dma_wait3A_114 = arith.constant 0 : i32
    %dma_wait3A_115 = arith.constant 0 : i32
    %dma_wait3A_116 = tpu.memref_slice %arg12[%dma_wait3A_114, %dma_wait3A_115] : memref<10000x64xf32, #tpu.memory_space<vmem_shared>> -> memref<10000x64xf32, #tpu.memory_space<vmem_shared>>
    tpu.wait_indirect_dma semaphore(%arg18 : memref<!tpu.dma_semaphore, #tpu.memory_space<semaphore_mem>>) src(%dma_wait3A_111 : memref<128x64xf32, #tpu.memory_space<vmem>>) dst(%dma_wait3A_116 : memref<10000x64xf32, #tpu.memory_space<vmem_shared>>)
    %dma_start3A_117 = arith.constant 0 : i32
    %dma_start3A_118 = arith.constant 0 : i32
    %dma_start3A_119 = tpu.memref_slice %arg8[%dma_start3A_117, %dma_start3A_118] : memref<128x64xf32, #tpu.memory_space<vmem>> -> memref<16x64xf32, #tpu.memory_space<vmem>>
    %dma_start3A_120 = arith.constant 9984 : i32
    %dma_start3A_121 = tpu.memref_slice %arg6[%dma_start3A_120] : memref<10000xi32, #tpu.memory_space<vmem>> -> memref<16xi32, #tpu.memory_space<vmem>>
    %dma_start3A_122 = arith.constant 0 : i32
    %dma_start3A_123 = arith.constant 0 : i32
    %dma_start3A_124 = tpu.memref_slice %arg2[%dma_start3A_122, %dma_start3A_123] : memref<10000x64xf32, #tpu.memory_space<hbm>> -> memref<10000x64xf32, #tpu.memory_space<hbm>>
    tpu.enqueue_indirect_dma source(%dma_start3A_124 : memref<10000x64xf32, #tpu.memory_space<hbm>>) target(%dma_start3A_119 : memref<16x64xf32, #tpu.memory_space<vmem>>) offsets(%dma_start3A_121 : memref<16xi32, #tpu.memory_space<vmem>>) semaphore(%arg13 : memref<!tpu.dma_semaphore, #tpu.memory_space<semaphore_mem>>)
    %dma_wait3A_125 = arith.constant 0 : i32
    %dma_wait3A_126 = arith.constant 0 : i32
    %dma_wait3A_127 = tpu.memref_slice %arg8[%dma_wait3A_125, %dma_wait3A_126] : memref<128x64xf32, #tpu.memory_space<vmem>> -> memref<16x64xf32, #tpu.memory_space<vmem>>
    %dma_wait3A_128 = arith.constant 0 : i32
    %dma_wait3A_129 = tpu.memref_slice %arg6[%dma_wait3A_128] : memref<10000xi32, #tpu.memory_space<vmem>> -> memref<16xi32, #tpu.memory_space<vmem>>
    %dma_wait3A_130 = arith.constant 0 : i32
    %dma_wait3A_131 = arith.constant 0 : i32
    %dma_wait3A_132 = tpu.memref_slice %arg2[%dma_wait3A_130, %dma_wait3A_131] : memref<10000x64xf32, #tpu.memory_space<hbm>> -> memref<10000x64xf32, #tpu.memory_space<hbm>>
    tpu.wait_indirect_dma semaphore(%arg13 : memref<!tpu.dma_semaphore, #tpu.memory_space<semaphore_mem>>) src(%dma_wait3A_132 : memref<10000x64xf32, #tpu.memory_space<hbm>>) dst(%dma_wait3A_127 : memref<16x64xf32, #tpu.memory_space<vmem>>)
    %dma_start3A_133 = arith.constant 0 : i32
    %dma_start3A_134 = arith.constant 0 : i32
    %dma_start3A_135 = tpu.memref_slice %arg8[%dma_start3A_133, %dma_start3A_134] : memref<128x64xf32, #tpu.memory_space<vmem>> -> memref<16x64xf32, #tpu.memory_space<vmem>>
    %dma_start3A_136 = arith.constant 9984 : i32
    %dma_start3A_137 = tpu.memref_slice %arg7[%dma_start3A_136] : memref<10000xi32, #tpu.memory_space<vmem>> -> memref<16xi32, #tpu.memory_space<vmem>>
    %dma_start3A_138 = arith.constant 0 : i32
    %dma_start3A_139 = arith.constant 0 : i32
    %dma_start3A_140 = tpu.memref_slice %arg12[%dma_start3A_138, %dma_start3A_139] : memref<10000x64xf32, #tpu.memory_space<vmem_shared>> -> memref<10000x64xf32, #tpu.memory_space<vmem_shared>>
    tpu.enqueue_indirect_dma source(%dma_start3A_135 : memref<16x64xf32, #tpu.memory_space<vmem>>) target(%dma_start3A_140 : memref<10000x64xf32, #tpu.memory_space<vmem_shared>>) offsets(%dma_start3A_137 : memref<16xi32, #tpu.memory_space<vmem>>) semaphore(%arg17 : memref<!tpu.dma_semaphore, #tpu.memory_space<semaphore_mem>>) {add = true}
    %dma_wait3A_141 = arith.constant 0 : i32
    %dma_wait3A_142 = arith.constant 0 : i32
    %dma_wait3A_143 = tpu.memref_slice %arg8[%dma_wait3A_141, %dma_wait3A_142] : memref<128x64xf32, #tpu.memory_space<vmem>> -> memref<16x64xf32, #tpu.memory_space<vmem>>
    %dma_wait3A_144 = arith.constant 9984 : i32
    %dma_wait3A_145 = tpu.memref_slice %arg7[%dma_wait3A_144] : memref<10000xi32, #tpu.memory_space<vmem>> -> memref<16xi32, #tpu.memory_space<vmem>>
    %dma_wait3A_146 = arith.constant 0 : i32
    %dma_wait3A_147 = arith.constant 0 : i32
    %dma_wait3A_148 = tpu.memref_slice %arg12[%dma_wait3A_146, %dma_wait3A_147] : memref<10000x64xf32, #tpu.memory_space<vmem_shared>> -> memref<10000x64xf32, #tpu.memory_space<vmem_shared>>
    tpu.wait_indirect_dma semaphore(%arg17 : memref<!tpu.dma_semaphore, #tpu.memory_space<semaphore_mem>>) src(%dma_wait3A_143 : memref<16x64xf32, #tpu.memory_space<vmem>>) dst(%dma_wait3A_148 : memref<10000x64xf32, #tpu.memory_space<vmem_shared>>)
    %barrier3A_149 = arith.constant 0 : index
    tpu.barrier barrier_id(%barrier3A_149)
    "tpu.region"() ({
      %run_scoped3A = tpu.sem_alloc : memref<!tpu.dma_semaphore, #tpu.memory_space<semaphore_mem>>
      %dma_start3A_150 = arith.constant 0 : i32
      %dma_start3A_151 = tpu.memref_slice %arg5[%arg0, %mul3A_2, %dma_start3A_150] : memref<2x10000x64xf32, #tpu.memory_space<hbm>> -> memref<1x625x64xf32, #tpu.memory_space<hbm>>
      %dma_start3A_152 = tpu.memref_squeeze %dma_start3A_151 : memref<1x625x64xf32, #tpu.memory_space<hbm>> -> memref<625x64xf32, #tpu.memory_space<hbm>>
      %dma_start3A_153 = arith.constant 0 : i32
      %dma_start3A_154 = tpu.memref_slice %arg12[%mul3A_2, %dma_start3A_153] : memref<10000x64xf32, #tpu.memory_space<vmem_shared>> -> memref<625x64xf32, #tpu.memory_space<vmem_shared>>
      tpu.enqueue_dma source(%dma_start3A_154 : memref<625x64xf32, #tpu.memory_space<vmem_shared>>) target(%dma_start3A_152 : memref<625x64xf32, #tpu.memory_space<hbm>>) target_semaphore(%run_scoped3A : memref<!tpu.dma_semaphore, #tpu.memory_space<semaphore_mem>>)
      %dma_wait3A_155 = arith.constant 0 : i32
      %dma_wait3A_156 = tpu.memref_slice %arg5[%arg0, %mul3A_2, %dma_wait3A_155] : memref<2x10000x64xf32, #tpu.memory_space<hbm>> -> memref<1x625x64xf32, #tpu.memory_space<hbm>>
      %dma_wait3A_157 = tpu.memref_squeeze %dma_wait3A_156 : memref<1x625x64xf32, #tpu.memory_space<hbm>> -> memref<625x64xf32, #tpu.memory_space<hbm>>
      %dma_wait3A_158 = arith.constant 0 : i32
      %dma_wait3A_159 = tpu.memref_slice %arg12[%mul3A_2, %dma_wait3A_158] : memref<10000x64xf32, #tpu.memory_space<vmem_shared>> -> memref<625x64xf32, #tpu.memory_space<vmem_shared>>
      tpu.wait_dma2 semaphore(%run_scoped3A : memref<!tpu.dma_semaphore, #tpu.memory_space<semaphore_mem>>) src(%dma_wait3A_159 : memref<625x64xf32, #tpu.memory_space<vmem_shared>>) dst(%dma_wait3A_157 : memref<625x64xf32, #tpu.memory_space<hbm>>)
      tpu.yield
    }) : () -> ()
    return
  }
}

#map = affine_map<(d0, d1) -> (0, 0)>
#map1 = affine_map<(d0, d1) -> (0, 0, 0)>
module attributes {stable_mosaic.version = 14 : i64} {
  func.func @seg_kernel(%arg0: i32, %arg1: i32, %arg2: memref<10000x64xf32, #tpu.memory_space<hbm>>, %arg3: memref<2x320000xi32, #tpu.memory_space<hbm>>, %arg4: memref<10000x64xf32, #tpu.memory_space<hbm>>, %arg5: memref<2x10000x64xf32, #tpu.memory_space<hbm>>, %arg6: memref<10000xi32, #tpu.memory_space<vmem>>, %arg7: memref<10000xi32, #tpu.memory_space<vmem>>, %arg8: memref<128x64xf32, #tpu.memory_space<vmem>>, %arg9: memref<128x64xf32, #tpu.memory_space<vmem>>, %arg10: memref<128x64xf32, #tpu.memory_space<vmem>>, %arg11: memref<128x64xf32, #tpu.memory_space<vmem>>, %arg12: memref<10000x64xf32, #tpu.memory_space<vmem_shared>>, %arg13: memref<!tpu.dma_semaphore, #tpu.memory_space<semaphore_mem>>, %arg14: memref<!tpu.dma_semaphore, #tpu.memory_space<semaphore_mem>>, %arg15: memref<!tpu.dma_semaphore, #tpu.memory_space<semaphore_mem>>, %arg16: memref<!tpu.dma_semaphore, #tpu.memory_space<semaphore_mem>>, %arg17: memref<!tpu.dma_semaphore, #tpu.memory_space<semaphore_mem>>, %arg18: memref<!tpu.dma_semaphore, #tpu.memory_space<semaphore_mem>>, %arg19: memref<!tpu.dma_semaphore, #tpu.memory_space<semaphore_mem>>, %arg20: memref<!tpu.dma_semaphore, #tpu.memory_space<semaphore_mem>>) attributes {dimension_semantics = [#tpu.dimension_semantics<core_parallel>, #tpu.dimension_semantics<subcore_parallel>], iteration_bounds = array<i64: 2, 16>, scalar_prefetch = 0 : i64, scratch_operands = 15 : i64, tpu.core_type = #tpu.core_type<sc_vector_subcore>, window_params = [{transform_indices = #map}, {transform_indices = #map}, {transform_indices = #map}, {transform_indices = #map1}]} {
    %mul3A = arith.constant 2 : i32
    %mul3A_0 = arith.muli %arg1, %mul3A : i32
    %add3A = arith.addi %mul3A_0, %arg0 : i32
    %mul3A_1 = arith.constant 625 : i32
    %mul3A_2 = arith.muli %arg1, %mul3A_1 : i32
    %dma_start3A = arith.constant 0 : i32
    %dma_start3A_3 = tpu.memref_slice %arg12[%mul3A_2, %dma_start3A] : memref<10000x64xf32, #tpu.memory_space<vmem_shared>> -> memref<625x64xf32, #tpu.memory_space<vmem_shared>>
    %dma_start3A_4 = arith.constant 0 : i32
    %dma_start3A_5 = tpu.memref_slice %arg4[%mul3A_2, %dma_start3A_4] : memref<10000x64xf32, #tpu.memory_space<hbm>> -> memref<625x64xf32, #tpu.memory_space<hbm>>
    tpu.enqueue_dma source(%dma_start3A_5 : memref<625x64xf32, #tpu.memory_space<hbm>>) target(%dma_start3A_3 : memref<625x64xf32, #tpu.memory_space<vmem_shared>>) target_semaphore(%arg13 : memref<!tpu.dma_semaphore, #tpu.memory_space<semaphore_mem>>)
    %mul3A_6 = arith.constant 10000 : i32
    %mul3A_7 = arith.muli %add3A, %mul3A_6 : i32
    %dma_start3A_8 = arith.constant 0 : i32
    %dma_start3A_9 = tpu.memref_slice %arg3[%dma_start3A_8, %mul3A_7] : memref<2x320000xi32, #tpu.memory_space<hbm>> -> memref<1x10000xi32, #tpu.memory_space<hbm>>
    %dma_start3A_10 = tpu.memref_squeeze %dma_start3A_9 : memref<1x10000xi32, #tpu.memory_space<hbm>> -> memref<10000xi32, #tpu.memory_space<hbm>>
    %dma_start3A_11 = tpu.memref_slice %arg3[%dma_start3A_8, %mul3A_7] : memref<2x320000xi32, #tpu.memory_space<hbm>> -> memref<1x10000xi32, #tpu.memory_space<hbm>>
    %dma_start3A_12 = tpu.memref_squeeze %dma_start3A_11 : memref<1x10000xi32, #tpu.memory_space<hbm>> -> memref<10000xi32, #tpu.memory_space<hbm>>
    tpu.enqueue_dma source(%dma_start3A_12 : memref<10000xi32, #tpu.memory_space<hbm>>) target(%arg6 : memref<10000xi32, #tpu.memory_space<vmem>>) target_semaphore(%arg14 : memref<!tpu.dma_semaphore, #tpu.memory_space<semaphore_mem>>)
    %mul3A_13 = arith.constant 10000 : i32
    %mul3A_14 = arith.muli %add3A, %mul3A_13 : i32
    %dma_start3A_15 = arith.constant 1 : i32
    %dma_start3A_16 = tpu.memref_slice %arg3[%dma_start3A_15, %mul3A_14] : memref<2x320000xi32, #tpu.memory_space<hbm>> -> memref<1x10000xi32, #tpu.memory_space<hbm>>
    %dma_start3A_17 = tpu.memref_squeeze %dma_start3A_16 : memref<1x10000xi32, #tpu.memory_space<hbm>> -> memref<10000xi32, #tpu.memory_space<hbm>>
    %dma_start3A_18 = tpu.memref_slice %arg3[%dma_start3A_15, %mul3A_14] : memref<2x320000xi32, #tpu.memory_space<hbm>> -> memref<1x10000xi32, #tpu.memory_space<hbm>>
    %dma_start3A_19 = tpu.memref_squeeze %dma_start3A_18 : memref<1x10000xi32, #tpu.memory_space<hbm>> -> memref<10000xi32, #tpu.memory_space<hbm>>
    tpu.enqueue_dma source(%dma_start3A_19 : memref<10000xi32, #tpu.memory_space<hbm>>) target(%arg7 : memref<10000xi32, #tpu.memory_space<vmem>>) target_semaphore(%arg15 : memref<!tpu.dma_semaphore, #tpu.memory_space<semaphore_mem>>)
    %dma_wait3A = arith.constant 0 : i32
    %dma_wait3A_20 = tpu.memref_slice %arg3[%dma_wait3A, %mul3A_7] : memref<2x320000xi32, #tpu.memory_space<hbm>> -> memref<1x10000xi32, #tpu.memory_space<hbm>>
    %dma_wait3A_21 = tpu.memref_squeeze %dma_wait3A_20 : memref<1x10000xi32, #tpu.memory_space<hbm>> -> memref<10000xi32, #tpu.memory_space<hbm>>
    %dma_wait3A_22 = tpu.memref_slice %arg3[%dma_wait3A, %mul3A_7] : memref<2x320000xi32, #tpu.memory_space<hbm>> -> memref<1x10000xi32, #tpu.memory_space<hbm>>
    %dma_wait3A_23 = tpu.memref_squeeze %dma_wait3A_22 : memref<1x10000xi32, #tpu.memory_space<hbm>> -> memref<10000xi32, #tpu.memory_space<hbm>>
    tpu.wait_dma2 semaphore(%arg14 : memref<!tpu.dma_semaphore, #tpu.memory_space<semaphore_mem>>) src(%dma_wait3A_23 : memref<10000xi32, #tpu.memory_space<hbm>>) dst(%arg6 : memref<10000xi32, #tpu.memory_space<vmem>>)
    %dma_wait3A_24 = arith.constant 1 : i32
    %dma_wait3A_25 = tpu.memref_slice %arg3[%dma_wait3A_24, %mul3A_14] : memref<2x320000xi32, #tpu.memory_space<hbm>> -> memref<1x10000xi32, #tpu.memory_space<hbm>>
    %dma_wait3A_26 = tpu.memref_squeeze %dma_wait3A_25 : memref<1x10000xi32, #tpu.memory_space<hbm>> -> memref<10000xi32, #tpu.memory_space<hbm>>
    %dma_wait3A_27 = tpu.memref_slice %arg3[%dma_wait3A_24, %mul3A_14] : memref<2x320000xi32, #tpu.memory_space<hbm>> -> memref<1x10000xi32, #tpu.memory_space<hbm>>
    %dma_wait3A_28 = tpu.memref_squeeze %dma_wait3A_27 : memref<1x10000xi32, #tpu.memory_space<hbm>> -> memref<10000xi32, #tpu.memory_space<hbm>>
    tpu.wait_dma2 semaphore(%arg15 : memref<!tpu.dma_semaphore, #tpu.memory_space<semaphore_mem>>) src(%dma_wait3A_28 : memref<10000xi32, #tpu.memory_space<hbm>>) dst(%arg7 : memref<10000xi32, #tpu.memory_space<vmem>>)
    %dma_wait3A_29 = arith.constant 0 : i32
    %dma_wait3A_30 = tpu.memref_slice %arg12[%mul3A_2, %dma_wait3A_29] : memref<10000x64xf32, #tpu.memory_space<vmem_shared>> -> memref<625x64xf32, #tpu.memory_space<vmem_shared>>
    %dma_wait3A_31 = arith.constant 0 : i32
    %dma_wait3A_32 = tpu.memref_slice %arg4[%mul3A_2, %dma_wait3A_31] : memref<10000x64xf32, #tpu.memory_space<hbm>> -> memref<625x64xf32, #tpu.memory_space<hbm>>
    tpu.wait_dma2 semaphore(%arg13 : memref<!tpu.dma_semaphore, #tpu.memory_space<semaphore_mem>>) src(%dma_wait3A_32 : memref<625x64xf32, #tpu.memory_space<hbm>>) dst(%dma_wait3A_30 : memref<625x64xf32, #tpu.memory_space<vmem_shared>>)
    %barrier3A = arith.constant 0 : index
    tpu.barrier barrier_id(%barrier3A)
    %dma_start3A_33 = arith.constant 0 : i32
    %dma_start3A_34 = arith.constant 0 : i32
    %dma_start3A_35 = tpu.memref_slice %arg8[%dma_start3A_33, %dma_start3A_34] : memref<128x64xf32, #tpu.memory_space<vmem>> -> memref<128x64xf32, #tpu.memory_space<vmem>>
    %dma_start3A_36 = arith.constant 0 : i32
    %dma_start3A_37 = tpu.memref_slice %arg6[%dma_start3A_36] : memref<10000xi32, #tpu.memory_space<vmem>> -> memref<128xi32, #tpu.memory_space<vmem>>
    %dma_start3A_38 = arith.constant 0 : i32
    %dma_start3A_39 = arith.constant 0 : i32
    %dma_start3A_40 = tpu.memref_slice %arg2[%dma_start3A_38, %dma_start3A_39] : memref<10000x64xf32, #tpu.memory_space<hbm>> -> memref<10000x64xf32, #tpu.memory_space<hbm>>
    tpu.enqueue_indirect_dma source(%dma_start3A_40 : memref<10000x64xf32, #tpu.memory_space<hbm>>) target(%dma_start3A_35 : memref<128x64xf32, #tpu.memory_space<vmem>>) offsets(%dma_start3A_37 : memref<128xi32, #tpu.memory_space<vmem>>) semaphore(%arg13 : memref<!tpu.dma_semaphore, #tpu.memory_space<semaphore_mem>>)
    %dma_start3A_41 = arith.constant 0 : i32
    %dma_start3A_42 = arith.constant 0 : i32
    %dma_start3A_43 = tpu.memref_slice %arg9[%dma_start3A_41, %dma_start3A_42] : memref<128x64xf32, #tpu.memory_space<vmem>> -> memref<128x64xf32, #tpu.memory_space<vmem>>
    %dma_start3A_44 = arith.constant 128 : i32
    %dma_start3A_45 = tpu.memref_slice %arg6[%dma_start3A_44] : memref<10000xi32, #tpu.memory_space<vmem>> -> memref<128xi32, #tpu.memory_space<vmem>>
    %dma_start3A_46 = arith.constant 0 : i32
    %dma_start3A_47 = arith.constant 0 : i32
    %dma_start3A_48 = tpu.memref_slice %arg2[%dma_start3A_46, %dma_start3A_47] : memref<10000x64xf32, #tpu.memory_space<hbm>> -> memref<10000x64xf32, #tpu.memory_space<hbm>>
    tpu.enqueue_indirect_dma source(%dma_start3A_48 : memref<10000x64xf32, #tpu.memory_space<hbm>>) target(%dma_start3A_43 : memref<128x64xf32, #tpu.memory_space<vmem>>) offsets(%dma_start3A_45 : memref<128xi32, #tpu.memory_space<vmem>>) semaphore(%arg14 : memref<!tpu.dma_semaphore, #tpu.memory_space<semaphore_mem>>)
    %dma_start3A_49 = arith.constant 0 : i32
    %dma_start3A_50 = arith.constant 0 : i32
    %dma_start3A_51 = tpu.memref_slice %arg10[%dma_start3A_49, %dma_start3A_50] : memref<128x64xf32, #tpu.memory_space<vmem>> -> memref<128x64xf32, #tpu.memory_space<vmem>>
    %dma_start3A_52 = arith.constant 256 : i32
    %dma_start3A_53 = tpu.memref_slice %arg6[%dma_start3A_52] : memref<10000xi32, #tpu.memory_space<vmem>> -> memref<128xi32, #tpu.memory_space<vmem>>
    %dma_start3A_54 = arith.constant 0 : i32
    %dma_start3A_55 = arith.constant 0 : i32
    %dma_start3A_56 = tpu.memref_slice %arg2[%dma_start3A_54, %dma_start3A_55] : memref<10000x64xf32, #tpu.memory_space<hbm>> -> memref<10000x64xf32, #tpu.memory_space<hbm>>
    tpu.enqueue_indirect_dma source(%dma_start3A_56 : memref<10000x64xf32, #tpu.memory_space<hbm>>) target(%dma_start3A_51 : memref<128x64xf32, #tpu.memory_space<vmem>>) offsets(%dma_start3A_53 : memref<128xi32, #tpu.memory_space<vmem>>) semaphore(%arg15 : memref<!tpu.dma_semaphore, #tpu.memory_space<semaphore_mem>>)
    %dma_start3A_57 = arith.constant 0 : i32
    %dma_start3A_58 = arith.constant 0 : i32
    %dma_start3A_59 = tpu.memref_slice %arg11[%dma_start3A_57, %dma_start3A_58] : memref<128x64xf32, #tpu.memory_space<vmem>> -> memref<128x64xf32, #tpu.memory_space<vmem>>
    %dma_start3A_60 = arith.constant 384 : i32
    %dma_start3A_61 = tpu.memref_slice %arg6[%dma_start3A_60] : memref<10000xi32, #tpu.memory_space<vmem>> -> memref<128xi32, #tpu.memory_space<vmem>>
    %dma_start3A_62 = arith.constant 0 : i32
    %dma_start3A_63 = arith.constant 0 : i32
    %dma_start3A_64 = tpu.memref_slice %arg2[%dma_start3A_62, %dma_start3A_63] : memref<10000x64xf32, #tpu.memory_space<hbm>> -> memref<10000x64xf32, #tpu.memory_space<hbm>>
    tpu.enqueue_indirect_dma source(%dma_start3A_64 : memref<10000x64xf32, #tpu.memory_space<hbm>>) target(%dma_start3A_59 : memref<128x64xf32, #tpu.memory_space<vmem>>) offsets(%dma_start3A_61 : memref<128xi32, #tpu.memory_space<vmem>>) semaphore(%arg16 : memref<!tpu.dma_semaphore, #tpu.memory_space<semaphore_mem>>)
    %scan3A = arith.constant 0 : i32
    %scan3A_65 = arith.constant 19 : i32
    %scan3A_66 = arith.addi %scan3A, %scan3A_65 : i32
    %scan3A_67 = arith.constant 1 : i32
    scf.for %scan3A_150 = %scan3A to %scan3A_66 step %scan3A_67  : i32 {
      %mul3A_151 = arith.constant 4 : i32
      %mul3A_152 = arith.muli %scan3A_150, %mul3A_151 : i32
      %add3A_153 = arith.constant 0 : i32
      %add3A_154 = arith.addi %add3A_153, %mul3A_152 : i32
      %add3A_155 = arith.constant 0 : i32
      %add3A_156 = arith.addi %add3A_154, %add3A_155 : i32
      %dma_wait3A_157 = arith.constant 0 : i32
      %dma_wait3A_158 = arith.constant 0 : i32
      %dma_wait3A_159 = tpu.memref_slice %arg8[%dma_wait3A_157, %dma_wait3A_158] : memref<128x64xf32, #tpu.memory_space<vmem>> -> memref<128x64xf32, #tpu.memory_space<vmem>>
      %dma_wait3A_160 = arith.constant 0 : i32
      %dma_wait3A_161 = tpu.memref_slice %arg6[%dma_wait3A_160] : memref<10000xi32, #tpu.memory_space<vmem>> -> memref<128xi32, #tpu.memory_space<vmem>>
      %dma_wait3A_162 = arith.constant 0 : i32
      %dma_wait3A_163 = arith.constant 0 : i32
      %dma_wait3A_164 = tpu.memref_slice %arg2[%dma_wait3A_162, %dma_wait3A_163] : memref<10000x64xf32, #tpu.memory_space<hbm>> -> memref<10000x64xf32, #tpu.memory_space<hbm>>
      tpu.wait_indirect_dma semaphore(%arg13 : memref<!tpu.dma_semaphore, #tpu.memory_space<semaphore_mem>>) src(%dma_wait3A_164 : memref<10000x64xf32, #tpu.memory_space<hbm>>) dst(%dma_wait3A_159 : memref<128x64xf32, #tpu.memory_space<vmem>>)
      %mul3A_165 = arith.constant 128 : i32
      %mul3A_166 = arith.muli %add3A_156, %mul3A_165 : i32
      %dma_start3A_167 = arith.constant 0 : i32
      %dma_start3A_168 = arith.constant 0 : i32
      %dma_start3A_169 = tpu.memref_slice %arg8[%dma_start3A_167, %dma_start3A_168] : memref<128x64xf32, #tpu.memory_space<vmem>> -> memref<128x64xf32, #tpu.memory_space<vmem>>
      %dma_start3A_170 = tpu.memref_slice %arg7[%mul3A_166] : memref<10000xi32, #tpu.memory_space<vmem>> -> memref<128xi32, #tpu.memory_space<vmem>>
      %dma_start3A_171 = arith.constant 0 : i32
      %dma_start3A_172 = arith.constant 0 : i32
      %dma_start3A_173 = tpu.memref_slice %arg12[%dma_start3A_171, %dma_start3A_172] : memref<10000x64xf32, #tpu.memory_space<vmem_shared>> -> memref<10000x64xf32, #tpu.memory_space<vmem_shared>>
      tpu.enqueue_indirect_dma source(%dma_start3A_169 : memref<128x64xf32, #tpu.memory_space<vmem>>) target(%dma_start3A_173 : memref<10000x64xf32, #tpu.memory_space<vmem_shared>>) offsets(%dma_start3A_170 : memref<128xi32, #tpu.memory_space<vmem>>) semaphore(%arg17 : memref<!tpu.dma_semaphore, #tpu.memory_space<semaphore_mem>>) {add = true}
      %dma_wait3A_174 = arith.constant 0 : i32
      %dma_wait3A_175 = arith.constant 0 : i32
      %dma_wait3A_176 = tpu.memref_slice %arg8[%dma_wait3A_174, %dma_wait3A_175] : memref<128x64xf32, #tpu.memory_space<vmem>> -> memref<128x64xf32, #tpu.memory_space<vmem>>
      %dma_wait3A_177 = tpu.memref_slice %arg7[%mul3A_166] : memref<10000xi32, #tpu.memory_space<vmem>> -> memref<128xi32, #tpu.memory_space<vmem>>
      %dma_wait3A_178 = arith.constant 0 : i32
      %dma_wait3A_179 = arith.constant 0 : i32
      %dma_wait3A_180 = tpu.memref_slice %arg12[%dma_wait3A_178, %dma_wait3A_179] : memref<10000x64xf32, #tpu.memory_space<vmem_shared>> -> memref<10000x64xf32, #tpu.memory_space<vmem_shared>>
      tpu.wait_indirect_dma semaphore(%arg17 : memref<!tpu.dma_semaphore, #tpu.memory_space<semaphore_mem>>) src(%dma_wait3A_176 : memref<128x64xf32, #tpu.memory_space<vmem>>) dst(%dma_wait3A_180 : memref<10000x64xf32, #tpu.memory_space<vmem_shared>>)
      %add3A_181 = arith.constant 4 : i32
      %add3A_182 = arith.addi %add3A_156, %add3A_181 : i32
      %lt3A = arith.constant 78 : i32
      %lt3A_183 = arith.cmpi slt, %add3A_182, %lt3A : i32
      %convert_element_type3A = arith.extui %lt3A_183 : i1 to i32
      %cond3A = arith.constant 0 : i32
      %cond3A_184 = arith.cmpi ne, %convert_element_type3A, %cond3A : i32
      scf.if %cond3A_184 {
        %add3A_284 = arith.constant 4 : i32
        %add3A_285 = arith.addi %add3A_156, %add3A_284 : i32
        %mul3A_286 = arith.constant 128 : i32
        %mul3A_287 = arith.muli %add3A_285, %mul3A_286 : i32
        %dma_start3A_288 = arith.constant 0 : i32
        %dma_start3A_289 = arith.constant 0 : i32
        %dma_start3A_290 = tpu.memref_slice %arg8[%dma_start3A_288, %dma_start3A_289] : memref<128x64xf32, #tpu.memory_space<vmem>> -> memref<128x64xf32, #tpu.memory_space<vmem>>
        %dma_start3A_291 = tpu.memref_slice %arg6[%mul3A_287] : memref<10000xi32, #tpu.memory_space<vmem>> -> memref<128xi32, #tpu.memory_space<vmem>>
        %dma_start3A_292 = arith.constant 0 : i32
        %dma_start3A_293 = arith.constant 0 : i32
        %dma_start3A_294 = tpu.memref_slice %arg2[%dma_start3A_292, %dma_start3A_293] : memref<10000x64xf32, #tpu.memory_space<hbm>> -> memref<10000x64xf32, #tpu.memory_space<hbm>>
        tpu.enqueue_indirect_dma source(%dma_start3A_294 : memref<10000x64xf32, #tpu.memory_space<hbm>>) target(%dma_start3A_290 : memref<128x64xf32, #tpu.memory_space<vmem>>) offsets(%dma_start3A_291 : memref<128xi32, #tpu.memory_space<vmem>>) semaphore(%arg13 : memref<!tpu.dma_semaphore, #tpu.memory_space<semaphore_mem>>)
      } else {
      }
      %add3A_185 = arith.constant 1 : i32
      %add3A_186 = arith.addi %add3A_154, %add3A_185 : i32
      %dma_wait3A_187 = arith.constant 0 : i32
      %dma_wait3A_188 = arith.constant 0 : i32
      %dma_wait3A_189 = tpu.memref_slice %arg9[%dma_wait3A_187, %dma_wait3A_188] : memref<128x64xf32, #tpu.memory_space<vmem>> -> memref<128x64xf32, #tpu.memory_space<vmem>>
      %dma_wait3A_190 = arith.constant 0 : i32
      %dma_wait3A_191 = tpu.memref_slice %arg6[%dma_wait3A_190] : memref<10000xi32, #tpu.memory_space<vmem>> -> memref<128xi32, #tpu.memory_space<vmem>>
      %dma_wait3A_192 = arith.constant 0 : i32
      %dma_wait3A_193 = arith.constant 0 : i32
      %dma_wait3A_194 = tpu.memref_slice %arg2[%dma_wait3A_192, %dma_wait3A_193] : memref<10000x64xf32, #tpu.memory_space<hbm>> -> memref<10000x64xf32, #tpu.memory_space<hbm>>
      tpu.wait_indirect_dma semaphore(%arg14 : memref<!tpu.dma_semaphore, #tpu.memory_space<semaphore_mem>>) src(%dma_wait3A_194 : memref<10000x64xf32, #tpu.memory_space<hbm>>) dst(%dma_wait3A_189 : memref<128x64xf32, #tpu.memory_space<vmem>>)
      %mul3A_195 = arith.constant 128 : i32
      %mul3A_196 = arith.muli %add3A_186, %mul3A_195 : i32
      %dma_start3A_197 = arith.constant 0 : i32
      %dma_start3A_198 = arith.constant 0 : i32
      %dma_start3A_199 = tpu.memref_slice %arg9[%dma_start3A_197, %dma_start3A_198] : memref<128x64xf32, #tpu.memory_space<vmem>> -> memref<128x64xf32, #tpu.memory_space<vmem>>
      %dma_start3A_200 = tpu.memref_slice %arg7[%mul3A_196] : memref<10000xi32, #tpu.memory_space<vmem>> -> memref<128xi32, #tpu.memory_space<vmem>>
      %dma_start3A_201 = arith.constant 0 : i32
      %dma_start3A_202 = arith.constant 0 : i32
      %dma_start3A_203 = tpu.memref_slice %arg12[%dma_start3A_201, %dma_start3A_202] : memref<10000x64xf32, #tpu.memory_space<vmem_shared>> -> memref<10000x64xf32, #tpu.memory_space<vmem_shared>>
      tpu.enqueue_indirect_dma source(%dma_start3A_199 : memref<128x64xf32, #tpu.memory_space<vmem>>) target(%dma_start3A_203 : memref<10000x64xf32, #tpu.memory_space<vmem_shared>>) offsets(%dma_start3A_200 : memref<128xi32, #tpu.memory_space<vmem>>) semaphore(%arg18 : memref<!tpu.dma_semaphore, #tpu.memory_space<semaphore_mem>>) {add = true}
      %dma_wait3A_204 = arith.constant 0 : i32
      %dma_wait3A_205 = arith.constant 0 : i32
      %dma_wait3A_206 = tpu.memref_slice %arg9[%dma_wait3A_204, %dma_wait3A_205] : memref<128x64xf32, #tpu.memory_space<vmem>> -> memref<128x64xf32, #tpu.memory_space<vmem>>
      %dma_wait3A_207 = tpu.memref_slice %arg7[%mul3A_196] : memref<10000xi32, #tpu.memory_space<vmem>> -> memref<128xi32, #tpu.memory_space<vmem>>
      %dma_wait3A_208 = arith.constant 0 : i32
      %dma_wait3A_209 = arith.constant 0 : i32
      %dma_wait3A_210 = tpu.memref_slice %arg12[%dma_wait3A_208, %dma_wait3A_209] : memref<10000x64xf32, #tpu.memory_space<vmem_shared>> -> memref<10000x64xf32, #tpu.memory_space<vmem_shared>>
      tpu.wait_indirect_dma semaphore(%arg18 : memref<!tpu.dma_semaphore, #tpu.memory_space<semaphore_mem>>) src(%dma_wait3A_206 : memref<128x64xf32, #tpu.memory_space<vmem>>) dst(%dma_wait3A_210 : memref<10000x64xf32, #tpu.memory_space<vmem_shared>>)
      %add3A_211 = arith.constant 4 : i32
      %add3A_212 = arith.addi %add3A_186, %add3A_211 : i32
      %lt3A_213 = arith.constant 78 : i32
      %lt3A_214 = arith.cmpi slt, %add3A_212, %lt3A_213 : i32
      %convert_element_type3A_215 = arith.extui %lt3A_214 : i1 to i32
      %cond3A_216 = arith.constant 0 : i32
      %cond3A_217 = arith.cmpi ne, %convert_element_type3A_215, %cond3A_216 : i32
      scf.if %cond3A_217 {
        %add3A_284 = arith.constant 4 : i32
        %add3A_285 = arith.addi %add3A_186, %add3A_284 : i32
        %mul3A_286 = arith.constant 128 : i32
        %mul3A_287 = arith.muli %add3A_285, %mul3A_286 : i32
        %dma_start3A_288 = arith.constant 0 : i32
        %dma_start3A_289 = arith.constant 0 : i32
        %dma_start3A_290 = tpu.memref_slice %arg9[%dma_start3A_288, %dma_start3A_289] : memref<128x64xf32, #tpu.memory_space<vmem>> -> memref<128x64xf32, #tpu.memory_space<vmem>>
        %dma_start3A_291 = tpu.memref_slice %arg6[%mul3A_287] : memref<10000xi32, #tpu.memory_space<vmem>> -> memref<128xi32, #tpu.memory_space<vmem>>
        %dma_start3A_292 = arith.constant 0 : i32
        %dma_start3A_293 = arith.constant 0 : i32
        %dma_start3A_294 = tpu.memref_slice %arg2[%dma_start3A_292, %dma_start3A_293] : memref<10000x64xf32, #tpu.memory_space<hbm>> -> memref<10000x64xf32, #tpu.memory_space<hbm>>
        tpu.enqueue_indirect_dma source(%dma_start3A_294 : memref<10000x64xf32, #tpu.memory_space<hbm>>) target(%dma_start3A_290 : memref<128x64xf32, #tpu.memory_space<vmem>>) offsets(%dma_start3A_291 : memref<128xi32, #tpu.memory_space<vmem>>) semaphore(%arg14 : memref<!tpu.dma_semaphore, #tpu.memory_space<semaphore_mem>>)
      } else {
      }
      %add3A_218 = arith.constant 2 : i32
      %add3A_219 = arith.addi %add3A_154, %add3A_218 : i32
      %dma_wait3A_220 = arith.constant 0 : i32
      %dma_wait3A_221 = arith.constant 0 : i32
      %dma_wait3A_222 = tpu.memref_slice %arg10[%dma_wait3A_220, %dma_wait3A_221] : memref<128x64xf32, #tpu.memory_space<vmem>> -> memref<128x64xf32, #tpu.memory_space<vmem>>
      %dma_wait3A_223 = arith.constant 0 : i32
      %dma_wait3A_224 = tpu.memref_slice %arg6[%dma_wait3A_223] : memref<10000xi32, #tpu.memory_space<vmem>> -> memref<128xi32, #tpu.memory_space<vmem>>
      %dma_wait3A_225 = arith.constant 0 : i32
      %dma_wait3A_226 = arith.constant 0 : i32
      %dma_wait3A_227 = tpu.memref_slice %arg2[%dma_wait3A_225, %dma_wait3A_226] : memref<10000x64xf32, #tpu.memory_space<hbm>> -> memref<10000x64xf32, #tpu.memory_space<hbm>>
      tpu.wait_indirect_dma semaphore(%arg15 : memref<!tpu.dma_semaphore, #tpu.memory_space<semaphore_mem>>) src(%dma_wait3A_227 : memref<10000x64xf32, #tpu.memory_space<hbm>>) dst(%dma_wait3A_222 : memref<128x64xf32, #tpu.memory_space<vmem>>)
      %mul3A_228 = arith.constant 128 : i32
      %mul3A_229 = arith.muli %add3A_219, %mul3A_228 : i32
      %dma_start3A_230 = arith.constant 0 : i32
      %dma_start3A_231 = arith.constant 0 : i32
      %dma_start3A_232 = tpu.memref_slice %arg10[%dma_start3A_230, %dma_start3A_231] : memref<128x64xf32, #tpu.memory_space<vmem>> -> memref<128x64xf32, #tpu.memory_space<vmem>>
      %dma_start3A_233 = tpu.memref_slice %arg7[%mul3A_229] : memref<10000xi32, #tpu.memory_space<vmem>> -> memref<128xi32, #tpu.memory_space<vmem>>
      %dma_start3A_234 = arith.constant 0 : i32
      %dma_start3A_235 = arith.constant 0 : i32
      %dma_start3A_236 = tpu.memref_slice %arg12[%dma_start3A_234, %dma_start3A_235] : memref<10000x64xf32, #tpu.memory_space<vmem_shared>> -> memref<10000x64xf32, #tpu.memory_space<vmem_shared>>
      tpu.enqueue_indirect_dma source(%dma_start3A_232 : memref<128x64xf32, #tpu.memory_space<vmem>>) target(%dma_start3A_236 : memref<10000x64xf32, #tpu.memory_space<vmem_shared>>) offsets(%dma_start3A_233 : memref<128xi32, #tpu.memory_space<vmem>>) semaphore(%arg19 : memref<!tpu.dma_semaphore, #tpu.memory_space<semaphore_mem>>) {add = true}
      %dma_wait3A_237 = arith.constant 0 : i32
      %dma_wait3A_238 = arith.constant 0 : i32
      %dma_wait3A_239 = tpu.memref_slice %arg10[%dma_wait3A_237, %dma_wait3A_238] : memref<128x64xf32, #tpu.memory_space<vmem>> -> memref<128x64xf32, #tpu.memory_space<vmem>>
      %dma_wait3A_240 = tpu.memref_slice %arg7[%mul3A_229] : memref<10000xi32, #tpu.memory_space<vmem>> -> memref<128xi32, #tpu.memory_space<vmem>>
      %dma_wait3A_241 = arith.constant 0 : i32
      %dma_wait3A_242 = arith.constant 0 : i32
      %dma_wait3A_243 = tpu.memref_slice %arg12[%dma_wait3A_241, %dma_wait3A_242] : memref<10000x64xf32, #tpu.memory_space<vmem_shared>> -> memref<10000x64xf32, #tpu.memory_space<vmem_shared>>
      tpu.wait_indirect_dma semaphore(%arg19 : memref<!tpu.dma_semaphore, #tpu.memory_space<semaphore_mem>>) src(%dma_wait3A_239 : memref<128x64xf32, #tpu.memory_space<vmem>>) dst(%dma_wait3A_243 : memref<10000x64xf32, #tpu.memory_space<vmem_shared>>)
      %add3A_244 = arith.constant 4 : i32
      %add3A_245 = arith.addi %add3A_219, %add3A_244 : i32
      %lt3A_246 = arith.constant 78 : i32
      %lt3A_247 = arith.cmpi slt, %add3A_245, %lt3A_246 : i32
      %convert_element_type3A_248 = arith.extui %lt3A_247 : i1 to i32
      %cond3A_249 = arith.constant 0 : i32
      %cond3A_250 = arith.cmpi ne, %convert_element_type3A_248, %cond3A_249 : i32
      scf.if %cond3A_250 {
        %add3A_284 = arith.constant 4 : i32
        %add3A_285 = arith.addi %add3A_219, %add3A_284 : i32
        %mul3A_286 = arith.constant 128 : i32
        %mul3A_287 = arith.muli %add3A_285, %mul3A_286 : i32
        %dma_start3A_288 = arith.constant 0 : i32
        %dma_start3A_289 = arith.constant 0 : i32
        %dma_start3A_290 = tpu.memref_slice %arg10[%dma_start3A_288, %dma_start3A_289] : memref<128x64xf32, #tpu.memory_space<vmem>> -> memref<128x64xf32, #tpu.memory_space<vmem>>
        %dma_start3A_291 = tpu.memref_slice %arg6[%mul3A_287] : memref<10000xi32, #tpu.memory_space<vmem>> -> memref<128xi32, #tpu.memory_space<vmem>>
        %dma_start3A_292 = arith.constant 0 : i32
        %dma_start3A_293 = arith.constant 0 : i32
        %dma_start3A_294 = tpu.memref_slice %arg2[%dma_start3A_292, %dma_start3A_293] : memref<10000x64xf32, #tpu.memory_space<hbm>> -> memref<10000x64xf32, #tpu.memory_space<hbm>>
        tpu.enqueue_indirect_dma source(%dma_start3A_294 : memref<10000x64xf32, #tpu.memory_space<hbm>>) target(%dma_start3A_290 : memref<128x64xf32, #tpu.memory_space<vmem>>) offsets(%dma_start3A_291 : memref<128xi32, #tpu.memory_space<vmem>>) semaphore(%arg15 : memref<!tpu.dma_semaphore, #tpu.memory_space<semaphore_mem>>)
      } else {
      }
      %add3A_251 = arith.constant 3 : i32
      %add3A_252 = arith.addi %add3A_154, %add3A_251 : i32
      %dma_wait3A_253 = arith.constant 0 : i32
      %dma_wait3A_254 = arith.constant 0 : i32
      %dma_wait3A_255 = tpu.memref_slice %arg11[%dma_wait3A_253, %dma_wait3A_254] : memref<128x64xf32, #tpu.memory_space<vmem>> -> memref<128x64xf32, #tpu.memory_space<vmem>>
      %dma_wait3A_256 = arith.constant 0 : i32
      %dma_wait3A_257 = tpu.memref_slice %arg6[%dma_wait3A_256] : memref<10000xi32, #tpu.memory_space<vmem>> -> memref<128xi32, #tpu.memory_space<vmem>>
      %dma_wait3A_258 = arith.constant 0 : i32
      %dma_wait3A_259 = arith.constant 0 : i32
      %dma_wait3A_260 = tpu.memref_slice %arg2[%dma_wait3A_258, %dma_wait3A_259] : memref<10000x64xf32, #tpu.memory_space<hbm>> -> memref<10000x64xf32, #tpu.memory_space<hbm>>
      tpu.wait_indirect_dma semaphore(%arg16 : memref<!tpu.dma_semaphore, #tpu.memory_space<semaphore_mem>>) src(%dma_wait3A_260 : memref<10000x64xf32, #tpu.memory_space<hbm>>) dst(%dma_wait3A_255 : memref<128x64xf32, #tpu.memory_space<vmem>>)
      %mul3A_261 = arith.constant 128 : i32
      %mul3A_262 = arith.muli %add3A_252, %mul3A_261 : i32
      %dma_start3A_263 = arith.constant 0 : i32
      %dma_start3A_264 = arith.constant 0 : i32
      %dma_start3A_265 = tpu.memref_slice %arg11[%dma_start3A_263, %dma_start3A_264] : memref<128x64xf32, #tpu.memory_space<vmem>> -> memref<128x64xf32, #tpu.memory_space<vmem>>
      %dma_start3A_266 = tpu.memref_slice %arg7[%mul3A_262] : memref<10000xi32, #tpu.memory_space<vmem>> -> memref<128xi32, #tpu.memory_space<vmem>>
      %dma_start3A_267 = arith.constant 0 : i32
      %dma_start3A_268 = arith.constant 0 : i32
      %dma_start3A_269 = tpu.memref_slice %arg12[%dma_start3A_267, %dma_start3A_268] : memref<10000x64xf32, #tpu.memory_space<vmem_shared>> -> memref<10000x64xf32, #tpu.memory_space<vmem_shared>>
      tpu.enqueue_indirect_dma source(%dma_start3A_265 : memref<128x64xf32, #tpu.memory_space<vmem>>) target(%dma_start3A_269 : memref<10000x64xf32, #tpu.memory_space<vmem_shared>>) offsets(%dma_start3A_266 : memref<128xi32, #tpu.memory_space<vmem>>) semaphore(%arg20 : memref<!tpu.dma_semaphore, #tpu.memory_space<semaphore_mem>>) {add = true}
      %dma_wait3A_270 = arith.constant 0 : i32
      %dma_wait3A_271 = arith.constant 0 : i32
      %dma_wait3A_272 = tpu.memref_slice %arg11[%dma_wait3A_270, %dma_wait3A_271] : memref<128x64xf32, #tpu.memory_space<vmem>> -> memref<128x64xf32, #tpu.memory_space<vmem>>
      %dma_wait3A_273 = tpu.memref_slice %arg7[%mul3A_262] : memref<10000xi32, #tpu.memory_space<vmem>> -> memref<128xi32, #tpu.memory_space<vmem>>
      %dma_wait3A_274 = arith.constant 0 : i32
      %dma_wait3A_275 = arith.constant 0 : i32
      %dma_wait3A_276 = tpu.memref_slice %arg12[%dma_wait3A_274, %dma_wait3A_275] : memref<10000x64xf32, #tpu.memory_space<vmem_shared>> -> memref<10000x64xf32, #tpu.memory_space<vmem_shared>>
      tpu.wait_indirect_dma semaphore(%arg20 : memref<!tpu.dma_semaphore, #tpu.memory_space<semaphore_mem>>) src(%dma_wait3A_272 : memref<128x64xf32, #tpu.memory_space<vmem>>) dst(%dma_wait3A_276 : memref<10000x64xf32, #tpu.memory_space<vmem_shared>>)
      %add3A_277 = arith.constant 4 : i32
      %add3A_278 = arith.addi %add3A_252, %add3A_277 : i32
      %lt3A_279 = arith.constant 78 : i32
      %lt3A_280 = arith.cmpi slt, %add3A_278, %lt3A_279 : i32
      %convert_element_type3A_281 = arith.extui %lt3A_280 : i1 to i32
      %cond3A_282 = arith.constant 0 : i32
      %cond3A_283 = arith.cmpi ne, %convert_element_type3A_281, %cond3A_282 : i32
      scf.if %cond3A_283 {
        %add3A_284 = arith.constant 4 : i32
        %add3A_285 = arith.addi %add3A_252, %add3A_284 : i32
        %mul3A_286 = arith.constant 128 : i32
        %mul3A_287 = arith.muli %add3A_285, %mul3A_286 : i32
        %dma_start3A_288 = arith.constant 0 : i32
        %dma_start3A_289 = arith.constant 0 : i32
        %dma_start3A_290 = tpu.memref_slice %arg11[%dma_start3A_288, %dma_start3A_289] : memref<128x64xf32, #tpu.memory_space<vmem>> -> memref<128x64xf32, #tpu.memory_space<vmem>>
        %dma_start3A_291 = tpu.memref_slice %arg6[%mul3A_287] : memref<10000xi32, #tpu.memory_space<vmem>> -> memref<128xi32, #tpu.memory_space<vmem>>
        %dma_start3A_292 = arith.constant 0 : i32
        %dma_start3A_293 = arith.constant 0 : i32
        %dma_start3A_294 = tpu.memref_slice %arg2[%dma_start3A_292, %dma_start3A_293] : memref<10000x64xf32, #tpu.memory_space<hbm>> -> memref<10000x64xf32, #tpu.memory_space<hbm>>
        tpu.enqueue_indirect_dma source(%dma_start3A_294 : memref<10000x64xf32, #tpu.memory_space<hbm>>) target(%dma_start3A_290 : memref<128x64xf32, #tpu.memory_space<vmem>>) offsets(%dma_start3A_291 : memref<128xi32, #tpu.memory_space<vmem>>) semaphore(%arg16 : memref<!tpu.dma_semaphore, #tpu.memory_space<semaphore_mem>>)
      } else {
      }
    }
    %scan3A_68 = arith.constant 19 : i32
    %dma_wait3A_69 = arith.constant 0 : i32
    %dma_wait3A_70 = arith.constant 0 : i32
    %dma_wait3A_71 = tpu.memref_slice %arg8[%dma_wait3A_69, %dma_wait3A_70] : memref<128x64xf32, #tpu.memory_space<vmem>> -> memref<128x64xf32, #tpu.memory_space<vmem>>
    %dma_wait3A_72 = arith.constant 0 : i32
    %dma_wait3A_73 = tpu.memref_slice %arg6[%dma_wait3A_72] : memref<10000xi32, #tpu.memory_space<vmem>> -> memref<128xi32, #tpu.memory_space<vmem>>
    %dma_wait3A_74 = arith.constant 0 : i32
    %dma_wait3A_75 = arith.constant 0 : i32
    %dma_wait3A_76 = tpu.memref_slice %arg2[%dma_wait3A_74, %dma_wait3A_75] : memref<10000x64xf32, #tpu.memory_space<hbm>> -> memref<10000x64xf32, #tpu.memory_space<hbm>>
    tpu.wait_indirect_dma semaphore(%arg13 : memref<!tpu.dma_semaphore, #tpu.memory_space<semaphore_mem>>) src(%dma_wait3A_76 : memref<10000x64xf32, #tpu.memory_space<hbm>>) dst(%dma_wait3A_71 : memref<128x64xf32, #tpu.memory_space<vmem>>)
    %dma_start3A_77 = arith.constant 0 : i32
    %dma_start3A_78 = arith.constant 0 : i32
    %dma_start3A_79 = tpu.memref_slice %arg8[%dma_start3A_77, %dma_start3A_78] : memref<128x64xf32, #tpu.memory_space<vmem>> -> memref<128x64xf32, #tpu.memory_space<vmem>>
    %dma_start3A_80 = arith.constant 9728 : i32
    %dma_start3A_81 = tpu.memref_slice %arg7[%dma_start3A_80] : memref<10000xi32, #tpu.memory_space<vmem>> -> memref<128xi32, #tpu.memory_space<vmem>>
    %dma_start3A_82 = arith.constant 0 : i32
    %dma_start3A_83 = arith.constant 0 : i32
    %dma_start3A_84 = tpu.memref_slice %arg12[%dma_start3A_82, %dma_start3A_83] : memref<10000x64xf32, #tpu.memory_space<vmem_shared>> -> memref<10000x64xf32, #tpu.memory_space<vmem_shared>>
    tpu.enqueue_indirect_dma source(%dma_start3A_79 : memref<128x64xf32, #tpu.memory_space<vmem>>) target(%dma_start3A_84 : memref<10000x64xf32, #tpu.memory_space<vmem_shared>>) offsets(%dma_start3A_81 : memref<128xi32, #tpu.memory_space<vmem>>) semaphore(%arg17 : memref<!tpu.dma_semaphore, #tpu.memory_space<semaphore_mem>>) {add = true}
    %dma_wait3A_85 = arith.constant 0 : i32
    %dma_wait3A_86 = arith.constant 0 : i32
    %dma_wait3A_87 = tpu.memref_slice %arg8[%dma_wait3A_85, %dma_wait3A_86] : memref<128x64xf32, #tpu.memory_space<vmem>> -> memref<128x64xf32, #tpu.memory_space<vmem>>
    %dma_wait3A_88 = arith.constant 9728 : i32
    %dma_wait3A_89 = tpu.memref_slice %arg7[%dma_wait3A_88] : memref<10000xi32, #tpu.memory_space<vmem>> -> memref<128xi32, #tpu.memory_space<vmem>>
    %dma_wait3A_90 = arith.constant 0 : i32
    %dma_wait3A_91 = arith.constant 0 : i32
    %dma_wait3A_92 = tpu.memref_slice %arg12[%dma_wait3A_90, %dma_wait3A_91] : memref<10000x64xf32, #tpu.memory_space<vmem_shared>> -> memref<10000x64xf32, #tpu.memory_space<vmem_shared>>
    tpu.wait_indirect_dma semaphore(%arg17 : memref<!tpu.dma_semaphore, #tpu.memory_space<semaphore_mem>>) src(%dma_wait3A_87 : memref<128x64xf32, #tpu.memory_space<vmem>>) dst(%dma_wait3A_92 : memref<10000x64xf32, #tpu.memory_space<vmem_shared>>)
    %dma_wait3A_93 = arith.constant 0 : i32
    %dma_wait3A_94 = arith.constant 0 : i32
    %dma_wait3A_95 = tpu.memref_slice %arg9[%dma_wait3A_93, %dma_wait3A_94] : memref<128x64xf32, #tpu.memory_space<vmem>> -> memref<128x64xf32, #tpu.memory_space<vmem>>
    %dma_wait3A_96 = arith.constant 0 : i32
    %dma_wait3A_97 = tpu.memref_slice %arg6[%dma_wait3A_96] : memref<10000xi32, #tpu.memory_space<vmem>> -> memref<128xi32, #tpu.memory_space<vmem>>
    %dma_wait3A_98 = arith.constant 0 : i32
    %dma_wait3A_99 = arith.constant 0 : i32
    %dma_wait3A_100 = tpu.memref_slice %arg2[%dma_wait3A_98, %dma_wait3A_99] : memref<10000x64xf32, #tpu.memory_space<hbm>> -> memref<10000x64xf32, #tpu.memory_space<hbm>>
    tpu.wait_indirect_dma semaphore(%arg14 : memref<!tpu.dma_semaphore, #tpu.memory_space<semaphore_mem>>) src(%dma_wait3A_100 : memref<10000x64xf32, #tpu.memory_space<hbm>>) dst(%dma_wait3A_95 : memref<128x64xf32, #tpu.memory_space<vmem>>)
    %dma_start3A_101 = arith.constant 0 : i32
    %dma_start3A_102 = arith.constant 0 : i32
    %dma_start3A_103 = tpu.memref_slice %arg9[%dma_start3A_101, %dma_start3A_102] : memref<128x64xf32, #tpu.memory_space<vmem>> -> memref<128x64xf32, #tpu.memory_space<vmem>>
    %dma_start3A_104 = arith.constant 9856 : i32
    %dma_start3A_105 = tpu.memref_slice %arg7[%dma_start3A_104] : memref<10000xi32, #tpu.memory_space<vmem>> -> memref<128xi32, #tpu.memory_space<vmem>>
    %dma_start3A_106 = arith.constant 0 : i32
    %dma_start3A_107 = arith.constant 0 : i32
    %dma_start3A_108 = tpu.memref_slice %arg12[%dma_start3A_106, %dma_start3A_107] : memref<10000x64xf32, #tpu.memory_space<vmem_shared>> -> memref<10000x64xf32, #tpu.memory_space<vmem_shared>>
    tpu.enqueue_indirect_dma source(%dma_start3A_103 : memref<128x64xf32, #tpu.memory_space<vmem>>) target(%dma_start3A_108 : memref<10000x64xf32, #tpu.memory_space<vmem_shared>>) offsets(%dma_start3A_105 : memref<128xi32, #tpu.memory_space<vmem>>) semaphore(%arg18 : memref<!tpu.dma_semaphore, #tpu.memory_space<semaphore_mem>>) {add = true}
    %dma_wait3A_109 = arith.constant 0 : i32
    %dma_wait3A_110 = arith.constant 0 : i32
    %dma_wait3A_111 = tpu.memref_slice %arg9[%dma_wait3A_109, %dma_wait3A_110] : memref<128x64xf32, #tpu.memory_space<vmem>> -> memref<128x64xf32, #tpu.memory_space<vmem>>
    %dma_wait3A_112 = arith.constant 9856 : i32
    %dma_wait3A_113 = tpu.memref_slice %arg7[%dma_wait3A_112] : memref<10000xi32, #tpu.memory_space<vmem>> -> memref<128xi32, #tpu.memory_space<vmem>>
    %dma_wait3A_114 = arith.constant 0 : i32
    %dma_wait3A_115 = arith.constant 0 : i32
    %dma_wait3A_116 = tpu.memref_slice %arg12[%dma_wait3A_114, %dma_wait3A_115] : memref<10000x64xf32, #tpu.memory_space<vmem_shared>> -> memref<10000x64xf32, #tpu.memory_space<vmem_shared>>
    tpu.wait_indirect_dma semaphore(%arg18 : memref<!tpu.dma_semaphore, #tpu.memory_space<semaphore_mem>>) src(%dma_wait3A_111 : memref<128x64xf32, #tpu.memory_space<vmem>>) dst(%dma_wait3A_116 : memref<10000x64xf32, #tpu.memory_space<vmem_shared>>)
    %dma_start3A_117 = arith.constant 0 : i32
    %dma_start3A_118 = arith.constant 0 : i32
    %dma_start3A_119 = tpu.memref_slice %arg8[%dma_start3A_117, %dma_start3A_118] : memref<128x64xf32, #tpu.memory_space<vmem>> -> memref<16x64xf32, #tpu.memory_space<vmem>>
    %dma_start3A_120 = arith.constant 9984 : i32
    %dma_start3A_121 = tpu.memref_slice %arg6[%dma_start3A_120] : memref<10000xi32, #tpu.memory_space<vmem>> -> memref<16xi32, #tpu.memory_space<vmem>>
    %dma_start3A_122 = arith.constant 0 : i32
    %dma_start3A_123 = arith.constant 0 : i32
    %dma_start3A_124 = tpu.memref_slice %arg2[%dma_start3A_122, %dma_start3A_123] : memref<10000x64xf32, #tpu.memory_space<hbm>> -> memref<10000x64xf32, #tpu.memory_space<hbm>>
    tpu.enqueue_indirect_dma source(%dma_start3A_124 : memref<10000x64xf32, #tpu.memory_space<hbm>>) target(%dma_start3A_119 : memref<16x64xf32, #tpu.memory_space<vmem>>) offsets(%dma_start3A_121 : memref<16xi32, #tpu.memory_space<vmem>>) semaphore(%arg13 : memref<!tpu.dma_semaphore, #tpu.memory_space<semaphore_mem>>)
    %dma_wait3A_125 = arith.constant 0 : i32
    %dma_wait3A_126 = arith.constant 0 : i32
    %dma_wait3A_127 = tpu.memref_slice %arg8[%dma_wait3A_125, %dma_wait3A_126] : memref<128x64xf32, #tpu.memory_space<vmem>> -> memref<16x64xf32, #tpu.memory_space<vmem>>
    %dma_wait3A_128 = arith.constant 0 : i32
    %dma_wait3A_129 = tpu.memref_slice %arg6[%dma_wait3A_128] : memref<10000xi32, #tpu.memory_space<vmem>> -> memref<16xi32, #tpu.memory_space<vmem>>
    %dma_wait3A_130 = arith.constant 0 : i32
    %dma_wait3A_131 = arith.constant 0 : i32
    %dma_wait3A_132 = tpu.memref_slice %arg2[%dma_wait3A_130, %dma_wait3A_131] : memref<10000x64xf32, #tpu.memory_space<hbm>> -> memref<10000x64xf32, #tpu.memory_space<hbm>>
    tpu.wait_indirect_dma semaphore(%arg13 : memref<!tpu.dma_semaphore, #tpu.memory_space<semaphore_mem>>) src(%dma_wait3A_132 : memref<10000x64xf32, #tpu.memory_space<hbm>>) dst(%dma_wait3A_127 : memref<16x64xf32, #tpu.memory_space<vmem>>)
    %dma_start3A_133 = arith.constant 0 : i32
    %dma_start3A_134 = arith.constant 0 : i32
    %dma_start3A_135 = tpu.memref_slice %arg8[%dma_start3A_133, %dma_start3A_134] : memref<128x64xf32, #tpu.memory_space<vmem>> -> memref<16x64xf32, #tpu.memory_space<vmem>>
    %dma_start3A_136 = arith.constant 9984 : i32
    %dma_start3A_137 = tpu.memref_slice %arg7[%dma_start3A_136] : memref<10000xi32, #tpu.memory_space<vmem>> -> memref<16xi32, #tpu.memory_space<vmem>>
    %dma_start3A_138 = arith.constant 0 : i32
    %dma_start3A_139 = arith.constant 0 : i32
    %dma_start3A_140 = tpu.memref_slice %arg12[%dma_start3A_138, %dma_start3A_139] : memref<10000x64xf32, #tpu.memory_space<vmem_shared>> -> memref<10000x64xf32, #tpu.memory_space<vmem_shared>>
    tpu.enqueue_indirect_dma source(%dma_start3A_135 : memref<16x64xf32, #tpu.memory_space<vmem>>) target(%dma_start3A_140 : memref<10000x64xf32, #tpu.memory_space<vmem_shared>>) offsets(%dma_start3A_137 : memref<16xi32, #tpu.memory_space<vmem>>) semaphore(%arg17 : memref<!tpu.dma_semaphore, #tpu.memory_space<semaphore_mem>>) {add = true}
    %dma_wait3A_141 = arith.constant 0 : i32
    %dma_wait3A_142 = arith.constant 0 : i32
    %dma_wait3A_143 = tpu.memref_slice %arg8[%dma_wait3A_141, %dma_wait3A_142] : memref<128x64xf32, #tpu.memory_space<vmem>> -> memref<16x64xf32, #tpu.memory_space<vmem>>
    %dma_wait3A_144 = arith.constant 9984 : i32
    %dma_wait3A_145 = tpu.memref_slice %arg7[%dma_wait3A_144] : memref<10000xi32, #tpu.memory_space<vmem>> -> memref<16xi32, #tpu.memory_space<vmem>>
    %dma_wait3A_146 = arith.constant 0 : i32
    %dma_wait3A_147 = arith.constant 0 : i32
    %dma_wait3A_148 = tpu.memref_slice %arg12[%dma_wait3A_146, %dma_wait3A_147] : memref<10000x64xf32, #tpu.memory_space<vmem_shared>> -> memref<10000x64xf32, #tpu.memory_space<vmem_shared>>
    tpu.wait_indirect_dma semaphore(%arg17 : memref<!tpu.dma_semaphore, #tpu.memory_space<semaphore_mem>>) src(%dma_wait3A_143 : memref<16x64xf32, #tpu.memory_space<vmem>>) dst(%dma_wait3A_148 : memref<10000x64xf32, #tpu.memory_space<vmem_shared>>)
    %barrier3A_149 = arith.constant 0 : index
    tpu.barrier barrier_id(%barrier3A_149)
    "tpu.region"() ({
      %run_scoped3A = tpu.sem_alloc : memref<!tpu.dma_semaphore, #tpu.memory_space<semaphore_mem>>
      %dma_start3A_150 = arith.constant 0 : i32
      %dma_start3A_151 = tpu.memref_slice %arg5[%arg0, %mul3A_2, %dma_start3A_150] : memref<2x10000x64xf32, #tpu.memory_space<hbm>> -> memref<1x625x64xf32, #tpu.memory_space<hbm>>
      %dma_start3A_152 = tpu.memref_squeeze %dma_start3A_151 : memref<1x625x64xf32, #tpu.memory_space<hbm>> -> memref<625x64xf32, #tpu.memory_space<hbm>>
      %dma_start3A_153 = arith.constant 0 : i32
      %dma_start3A_154 = tpu.memref_slice %arg12[%mul3A_2, %dma_start3A_153] : memref<10000x64xf32, #tpu.memory_space<vmem_shared>> -> memref<625x64xf32, #tpu.memory_space<vmem_shared>>
      tpu.enqueue_dma source(%dma_start3A_154 : memref<625x64xf32, #tpu.memory_space<vmem_shared>>) target(%dma_start3A_152 : memref<625x64xf32, #tpu.memory_space<hbm>>) target_semaphore(%run_scoped3A : memref<!tpu.dma_semaphore, #tpu.memory_space<semaphore_mem>>)
      %dma_wait3A_155 = arith.constant 0 : i32
      %dma_wait3A_156 = tpu.memref_slice %arg5[%arg0, %mul3A_2, %dma_wait3A_155] : memref<2x10000x64xf32, #tpu.memory_space<hbm>> -> memref<1x625x64xf32, #tpu.memory_space<hbm>>
      %dma_wait3A_157 = tpu.memref_squeeze %dma_wait3A_156 : memref<1x625x64xf32, #tpu.memory_space<hbm>> -> memref<625x64xf32, #tpu.memory_space<hbm>>
      %dma_wait3A_158 = arith.constant 0 : i32
      %dma_wait3A_159 = tpu.memref_slice %arg12[%mul3A_2, %dma_wait3A_158] : memref<10000x64xf32, #tpu.memory_space<vmem_shared>> -> memref<625x64xf32, #tpu.memory_space<vmem_shared>>
      tpu.wait_dma2 semaphore(%run_scoped3A : memref<!tpu.dma_semaphore, #tpu.memory_space<semaphore_mem>>) src(%dma_wait3A_159 : memref<625x64xf32, #tpu.memory_space<vmem_shared>>) dst(%dma_wait3A_157 : memref<625x64xf32, #tpu.memory_space<hbm>>)
      tpu.yield
    }) : () -> ()
    return
  }
}

module attributes {stable_mosaic.version = 14 : i64} {
  func.func @body(%arg0: i32, %arg1: memref<2x1000x128xf32, #tpu.memory_space<vmem>>, %arg2: memref<2x1000x128xf32, #tpu.memory_space<vmem>>, %arg3: memref<1000x256xf32, #tpu.memory_space<vmem>>, %arg4: memref<128x128xf32, #tpu.memory_space<vmem>>, %arg5: memref<128x128xf32, #tpu.memory_space<vmem>>, %arg6: memref<256x128xf32, #tpu.memory_space<vmem>>, %arg7: memref<1x128xf32, #tpu.memory_space<vmem>>, %arg8: memref<1000x128xf32, #tpu.memory_space<vmem>>) attributes {dimension_semantics = [#tpu.dimension_semantics<arbitrary>], iteration_bounds = array<i64: 5>, scalar_prefetch = 0 : i64, scratch_operands = 0 : i64, tpu.core_type = #tpu.core_type<tc>, window_params = [{transform_indices = @transform_0, window_bounds = array<i64: 2, 1000, 128>}, {transform_indices = @transform_1, window_bounds = array<i64: 2, 1000, 128>}, {transform_indices = @transform_2, window_bounds = array<i64: 1000, 256>}, {pipeline_mode = #tpu.pipeline_mode<synchronous>, transform_indices = @transform_3, window_bounds = array<i64: 128, 128>}, {pipeline_mode = #tpu.pipeline_mode<synchronous>, transform_indices = @transform_4, window_bounds = array<i64: 128, 128>}, {pipeline_mode = #tpu.pipeline_mode<synchronous>, transform_indices = @transform_5, window_bounds = array<i64: 256, 128>}, {pipeline_mode = #tpu.pipeline_mode<synchronous>, transform_indices = @transform_6, window_bounds = array<i64: 1, 128>}, {transform_indices = @transform_7, window_bounds = array<i64: 1000, 128>}]} {
    %get3A = arith.constant 0 : index
    %get3A_0 = arith.constant 0 : index
    %get3A_1 = arith.constant 0 : index
    %get3A_2 = vector.load %arg1[%get3A, %get3A_0, %get3A_1] : memref<2x1000x128xf32, #tpu.memory_space<vmem>>, vector<1x1000x128xf32>
    %get3A_3 = vector.shape_cast %get3A_2 : vector<1x1000x128xf32> to vector<1000x128xf32>
    %get3A_4 = arith.constant 1 : index
    %get3A_5 = arith.constant 0 : index
    %get3A_6 = arith.constant 0 : index
    %get3A_7 = vector.load %arg1[%get3A_4, %get3A_5, %get3A_6] : memref<2x1000x128xf32, #tpu.memory_space<vmem>>, vector<1x1000x128xf32>
    %get3A_8 = vector.shape_cast %get3A_7 : vector<1x1000x128xf32> to vector<1000x128xf32>
    %add3A = arith.addf %get3A_3, %get3A_8 : vector<1000x128xf32>
    %convert_element_type3A = arith.truncf %add3A : vector<1000x128xf32> to vector<1000x128xbf16>
    %get3A_9 = arith.constant 0 : index
    %get3A_10 = arith.constant 0 : index
    %get3A_11 = vector.load %arg4[%get3A_9, %get3A_10] : memref<128x128xf32, #tpu.memory_space<vmem>>, vector<128x128xf32>
    %convert_element_type3A_12 = arith.truncf %get3A_11 : vector<128x128xf32> to vector<128x128xbf16>
    %dot_general3A = arith.constant dense<0.000000e+00> : vector<1000x128xf32>
    %dot_general3A_13 = tpu.matmul %convert_element_type3A, %convert_element_type3A_12, %dot_general3A {dimension_numbers = #tpu.dot_dimension_numbers<[1], [0], [0], [1], [0, 0, 1, 1], [], []>, transpose_lhs_hint = false} : vector<1000x128xbf16>, vector<128x128xbf16>, vector<1000x128xf32> -> vector<1000x128xf32>
    %get3A_14 = arith.constant 0 : index
    %get3A_15 = arith.constant 0 : index
    %get3A_16 = arith.constant 0 : index
    %get3A_17 = vector.load %arg2[%get3A_14, %get3A_15, %get3A_16] : memref<2x1000x128xf32, #tpu.memory_space<vmem>>, vector<1x1000x128xf32>
    %get3A_18 = vector.shape_cast %get3A_17 : vector<1x1000x128xf32> to vector<1000x128xf32>
    %get3A_19 = arith.constant 1 : index
    %get3A_20 = arith.constant 0 : index
    %get3A_21 = arith.constant 0 : index
    %get3A_22 = vector.load %arg2[%get3A_19, %get3A_20, %get3A_21] : memref<2x1000x128xf32, #tpu.memory_space<vmem>>, vector<1x1000x128xf32>
    %get3A_23 = vector.shape_cast %get3A_22 : vector<1x1000x128xf32> to vector<1000x128xf32>
    %add3A_24 = arith.addf %get3A_18, %get3A_23 : vector<1000x128xf32>
    %convert_element_type3A_25 = arith.truncf %add3A_24 : vector<1000x128xf32> to vector<1000x128xbf16>
    %get3A_26 = arith.constant 0 : index
    %get3A_27 = arith.constant 0 : index
    %get3A_28 = vector.load %arg5[%get3A_26, %get3A_27] : memref<128x128xf32, #tpu.memory_space<vmem>>, vector<128x128xf32>
    %convert_element_type3A_29 = arith.truncf %get3A_28 : vector<128x128xf32> to vector<128x128xbf16>
    %dot_general3A_30 = arith.constant dense<0.000000e+00> : vector<1000x128xf32>
    %dot_general3A_31 = tpu.matmul %convert_element_type3A_25, %convert_element_type3A_29, %dot_general3A_30 {dimension_numbers = #tpu.dot_dimension_numbers<[1], [0], [0], [1], [0, 0, 1, 1], [], []>, transpose_lhs_hint = false} : vector<1000x128xbf16>, vector<128x128xbf16>, vector<1000x128xf32> -> vector<1000x128xf32>
    %get3A_32 = arith.constant 0 : index
    %get3A_33 = arith.constant 0 : index
    %get3A_34 = vector.load %arg3[%get3A_32, %get3A_33] : memref<1000x256xf32, #tpu.memory_space<vmem>>, vector<1000x256xf32>
    %convert_element_type3A_35 = arith.truncf %get3A_34 : vector<1000x256xf32> to vector<1000x256xbf16>
    %get3A_36 = arith.constant 0 : index
    %get3A_37 = arith.constant 0 : index
    %get3A_38 = vector.load %arg6[%get3A_36, %get3A_37] : memref<256x128xf32, #tpu.memory_space<vmem>>, vector<256x128xf32>
    %convert_element_type3A_39 = arith.truncf %get3A_38 : vector<256x128xf32> to vector<256x128xbf16>
    %dot_general3A_40 = arith.constant dense<0.000000e+00> : vector<1000x128xf32>
    %dot_general3A_41 = tpu.matmul %convert_element_type3A_35, %convert_element_type3A_39, %dot_general3A_40 {dimension_numbers = #tpu.dot_dimension_numbers<[1], [0], [0], [1], [0, 0, 1, 1], [], []>, transpose_lhs_hint = false} : vector<1000x256xbf16>, vector<256x128xbf16>, vector<1000x128xf32> -> vector<1000x128xf32>
    %add3A_42 = arith.addf %dot_general3A_13, %dot_general3A_31 : vector<1000x128xf32>
    %get3A_43 = arith.constant 0 : index
    %get3A_44 = arith.constant 0 : index
    %get3A_45 = vector.load %arg7[%get3A_43, %get3A_44] : memref<1x128xf32, #tpu.memory_space<vmem>>, vector<1x128xf32>
    %add3A_46 = vector.broadcast %get3A_45 : vector<1x128xf32> to vector<1000x128xf32>
    %add3A_47 = arith.addf %add3A_42, %add3A_46 : vector<1000x128xf32>
    %add3A_48 = arith.addf %add3A_47, %dot_general3A_41 : vector<1000x128xf32>
    %max3A = arith.constant 0.000000e+00 : f32
    %max3A_49 = vector.broadcast %max3A : f32 to vector<1000x128xf32>
    %max3A_50 = arith.maximumf %add3A_48, %max3A_49 : vector<1000x128xf32>
    %swap3A = arith.constant 0 : index
    %swap3A_51 = arith.constant 0 : index
    %swap3A_52 = vector.load %arg8[%swap3A, %swap3A_51] : memref<1000x128xf32, #tpu.memory_space<vmem>>, vector<1000x128xf32>
    tpu.vector_store %arg8[%swap3A, %swap3A_51], %max3A_50 {strides = array<i32>} : memref<1000x128xf32, #tpu.memory_space<vmem>>, vector<1000x128xf32>,
    return
  }
  func.func @transform_0(%arg0: i32) -> (i32, i32, i32) {
    %c0_i32 = arith.constant 0 : i32
    %c0_i32_0 = arith.constant 0 : i32
    %c0_i32_1 = arith.constant 0 : i32
    return %c0_i32, %arg0, %c0_i32_0 : i32, i32, i32
  }
  func.func @transform_1(%arg0: i32) -> (i32, i32, i32) {
    %c0_i32 = arith.constant 0 : i32
    %c0_i32_0 = arith.constant 0 : i32
    %c0_i32_1 = arith.constant 0 : i32
    return %c0_i32, %arg0, %c0_i32_0 : i32, i32, i32
  }
  func.func @transform_2(%arg0: i32) -> (i32, i32) {
    %c0_i32 = arith.constant 0 : i32
    %c0_i32_0 = arith.constant 0 : i32
    return %arg0, %c0_i32 : i32, i32
  }
  func.func @transform_3(%arg0: i32) -> (i32, i32) {
    %c0_i32 = arith.constant 0 : i32
    %c0_i32_0 = arith.constant 0 : i32
    %c0_i32_1 = arith.constant 0 : i32
    return %c0_i32, %c0_i32_0 : i32, i32
  }
  func.func @transform_4(%arg0: i32) -> (i32, i32) {
    %c0_i32 = arith.constant 0 : i32
    %c0_i32_0 = arith.constant 0 : i32
    %c0_i32_1 = arith.constant 0 : i32
    return %c0_i32, %c0_i32_0 : i32, i32
  }
  func.func @transform_5(%arg0: i32) -> (i32, i32) {
    %c0_i32 = arith.constant 0 : i32
    %c0_i32_0 = arith.constant 0 : i32
    %c0_i32_1 = arith.constant 0 : i32
    return %c0_i32, %c0_i32_0 : i32, i32
  }
  func.func @transform_6(%arg0: i32) -> (i32, i32) {
    %c0_i32 = arith.constant 0 : i32
    %c0_i32_0 = arith.constant 0 : i32
    %c0_i32_1 = arith.constant 0 : i32
    return %c0_i32, %c0_i32_0 : i32, i32
  }
  func.func @transform_7(%arg0: i32) -> (i32, i32) {
    %c0_i32 = arith.constant 0 : i32
    %c0_i32_0 = arith.constant 0 : i32
    return %arg0, %c0_i32 : i32, i32
  }
}

module attributes {stable_mosaic.version = 14 : i64} {
  func.func @body(%arg0: i32, %arg1: memref<2x1000x128xf32, #tpu.memory_space<vmem>>, %arg2: memref<1000x128xf32, #tpu.memory_space<vmem>>, %arg3: memref<128x128xf32, #tpu.memory_space<vmem>>, %arg4: memref<128x128xf32, #tpu.memory_space<vmem>>, %arg5: memref<1x128xf32, #tpu.memory_space<vmem>>, %arg6: memref<1000x128xf32, #tpu.memory_space<vmem>>) attributes {dimension_semantics = [#tpu.dimension_semantics<arbitrary>], iteration_bounds = array<i64: 5>, scalar_prefetch = 0 : i64, scratch_operands = 0 : i64, tpu.core_type = #tpu.core_type<tc>, window_params = [{transform_indices = @transform_0, window_bounds = array<i64: 2, 1000, 128>}, {transform_indices = @transform_1, window_bounds = array<i64: 1000, 128>}, {pipeline_mode = #tpu.pipeline_mode<synchronous>, transform_indices = @transform_2, window_bounds = array<i64: 128, 128>}, {pipeline_mode = #tpu.pipeline_mode<synchronous>, transform_indices = @transform_3, window_bounds = array<i64: 128, 128>}, {pipeline_mode = #tpu.pipeline_mode<synchronous>, transform_indices = @transform_4, window_bounds = array<i64: 1, 128>}, {transform_indices = @transform_5, window_bounds = array<i64: 1000, 128>}]} {
    %get3A = arith.constant 0 : index
    %get3A_0 = arith.constant 0 : index
    %get3A_1 = arith.constant 0 : index
    %get3A_2 = vector.load %arg1[%get3A, %get3A_0, %get3A_1] : memref<2x1000x128xf32, #tpu.memory_space<vmem>>, vector<1x1000x128xf32>
    %get3A_3 = vector.shape_cast %get3A_2 : vector<1x1000x128xf32> to vector<1000x128xf32>
    %get3A_4 = arith.constant 1 : index
    %get3A_5 = arith.constant 0 : index
    %get3A_6 = arith.constant 0 : index
    %get3A_7 = vector.load %arg1[%get3A_4, %get3A_5, %get3A_6] : memref<2x1000x128xf32, #tpu.memory_space<vmem>>, vector<1x1000x128xf32>
    %get3A_8 = vector.shape_cast %get3A_7 : vector<1x1000x128xf32> to vector<1000x128xf32>
    %add3A = arith.addf %get3A_3, %get3A_8 : vector<1000x128xf32>
    %convert_element_type3A = arith.truncf %add3A : vector<1000x128xf32> to vector<1000x128xbf16>
    %get3A_9 = arith.constant 0 : index
    %get3A_10 = arith.constant 0 : index
    %get3A_11 = vector.load %arg3[%get3A_9, %get3A_10] : memref<128x128xf32, #tpu.memory_space<vmem>>, vector<128x128xf32>
    %convert_element_type3A_12 = arith.truncf %get3A_11 : vector<128x128xf32> to vector<128x128xbf16>
    %dot_general3A = arith.constant dense<0.000000e+00> : vector<1000x128xf32>
    %dot_general3A_13 = tpu.matmul %convert_element_type3A, %convert_element_type3A_12, %dot_general3A {dimension_numbers = #tpu.dot_dimension_numbers<[1], [0], [0], [1], [0, 0, 1, 1], [], []>, transpose_lhs_hint = false} : vector<1000x128xbf16>, vector<128x128xbf16>, vector<1000x128xf32> -> vector<1000x128xf32>
    %get3A_14 = arith.constant 0 : index
    %get3A_15 = arith.constant 0 : index
    %get3A_16 = vector.load %arg2[%get3A_14, %get3A_15] : memref<1000x128xf32, #tpu.memory_space<vmem>>, vector<1000x128xf32>
    %convert_element_type3A_17 = arith.truncf %get3A_16 : vector<1000x128xf32> to vector<1000x128xbf16>
    %get3A_18 = arith.constant 0 : index
    %get3A_19 = arith.constant 0 : index
    %get3A_20 = vector.load %arg4[%get3A_18, %get3A_19] : memref<128x128xf32, #tpu.memory_space<vmem>>, vector<128x128xf32>
    %convert_element_type3A_21 = arith.truncf %get3A_20 : vector<128x128xf32> to vector<128x128xbf16>
    %dot_general3A_22 = arith.constant dense<0.000000e+00> : vector<1000x128xf32>
    %dot_general3A_23 = tpu.matmul %convert_element_type3A_17, %convert_element_type3A_21, %dot_general3A_22 {dimension_numbers = #tpu.dot_dimension_numbers<[1], [0], [0], [1], [0, 0, 1, 1], [], []>, transpose_lhs_hint = false} : vector<1000x128xbf16>, vector<128x128xbf16>, vector<1000x128xf32> -> vector<1000x128xf32>
    %get3A_24 = arith.constant 0 : index
    %get3A_25 = arith.constant 0 : index
    %get3A_26 = vector.load %arg5[%get3A_24, %get3A_25] : memref<1x128xf32, #tpu.memory_space<vmem>>, vector<1x128xf32>
    %add3A_27 = vector.broadcast %get3A_26 : vector<1x128xf32> to vector<1000x128xf32>
    %add3A_28 = arith.addf %dot_general3A_13, %add3A_27 : vector<1000x128xf32>
    %add3A_29 = arith.addf %add3A_28, %dot_general3A_23 : vector<1000x128xf32>
    %max3A = arith.constant 0.000000e+00 : f32
    %max3A_30 = vector.broadcast %max3A : f32 to vector<1000x128xf32>
    %max3A_31 = arith.maximumf %add3A_29, %max3A_30 : vector<1000x128xf32>
    %swap3A = arith.constant 0 : index
    %swap3A_32 = arith.constant 0 : index
    %swap3A_33 = vector.load %arg6[%swap3A, %swap3A_32] : memref<1000x128xf32, #tpu.memory_space<vmem>>, vector<1000x128xf32>
    tpu.vector_store %arg6[%swap3A, %swap3A_32], %max3A_31 {strides = array<i32>} : memref<1000x128xf32, #tpu.memory_space<vmem>>, vector<1000x128xf32>,
    return
  }
  func.func @transform_0(%arg0: i32) -> (i32, i32, i32) {
    %c0_i32 = arith.constant 0 : i32
    %c0_i32_0 = arith.constant 0 : i32
    %c0_i32_1 = arith.constant 0 : i32
    return %c0_i32, %arg0, %c0_i32_0 : i32, i32, i32
  }
  func.func @transform_1(%arg0: i32) -> (i32, i32) {
    %c0_i32 = arith.constant 0 : i32
    %c0_i32_0 = arith.constant 0 : i32
    return %arg0, %c0_i32 : i32, i32
  }
  func.func @transform_2(%arg0: i32) -> (i32, i32) {
    %c0_i32 = arith.constant 0 : i32
    %c0_i32_0 = arith.constant 0 : i32
    %c0_i32_1 = arith.constant 0 : i32
    return %c0_i32, %c0_i32_0 : i32, i32
  }
  func.func @transform_3(%arg0: i32) -> (i32, i32) {
    %c0_i32 = arith.constant 0 : i32
    %c0_i32_0 = arith.constant 0 : i32
    %c0_i32_1 = arith.constant 0 : i32
    return %c0_i32, %c0_i32_0 : i32, i32
  }
  func.func @transform_4(%arg0: i32) -> (i32, i32) {
    %c0_i32 = arith.constant 0 : i32
    %c0_i32_0 = arith.constant 0 : i32
    %c0_i32_1 = arith.constant 0 : i32
    return %c0_i32, %c0_i32_0 : i32, i32
  }
  func.func @transform_5(%arg0: i32) -> (i32, i32) {
    %c0_i32 = arith.constant 0 : i32
    %c0_i32_0 = arith.constant 0 : i32
    return %arg0, %c0_i32 : i32, i32
  }
}

module attributes {stable_mosaic.version = 14 : i64} {
  func.func @body(%arg0: memref<2x5000x128xf32, #tpu.memory_space<vmem>>, %arg1: memref<5000x128xf32, #tpu.memory_space<vmem>>, %arg2: memref<128x128xf32, #tpu.memory_space<vmem>>, %arg3: memref<128x128xf32, #tpu.memory_space<vmem>>, %arg4: memref<1x128xf32, #tpu.memory_space<vmem>>, %arg5: memref<8x5000xi32, #tpu.memory_space<vmem>>, %arg6: memref<8x5000xi32, #tpu.memory_space<vmem>>, %arg7: memref<64x32xf32, #tpu.memory_space<vmem>>, %arg8: memref<1x32xf32, #tpu.memory_space<vmem>>, %arg9: memref<32x1xf32, #tpu.memory_space<vmem>>, %arg10: memref<1x1xf32, #tpu.memory_space<vmem>>, %arg11: memref<64x1xf32, #tpu.memory_space<vmem>>) attributes {dimension_semantics = [], scalar_prefetch = 0 : i64, scratch_operands = 0 : i64, tpu.core_type = #tpu.core_type<tc>} {
    %get3A = arith.constant 0 : index
    %get3A_0 = arith.constant 0 : index
    %get3A_1 = arith.constant 0 : index
    %get3A_2 = vector.load %arg0[%get3A, %get3A_0, %get3A_1] : memref<2x5000x128xf32, #tpu.memory_space<vmem>>, vector<1x5000x128xf32>
    %get3A_3 = vector.shape_cast %get3A_2 : vector<1x5000x128xf32> to vector<5000x128xf32>
    %get3A_4 = arith.constant 1 : index
    %get3A_5 = arith.constant 0 : index
    %get3A_6 = arith.constant 0 : index
    %get3A_7 = vector.load %arg0[%get3A_4, %get3A_5, %get3A_6] : memref<2x5000x128xf32, #tpu.memory_space<vmem>>, vector<1x5000x128xf32>
    %get3A_8 = vector.shape_cast %get3A_7 : vector<1x5000x128xf32> to vector<5000x128xf32>
    %add3A = arith.addf %get3A_3, %get3A_8 : vector<5000x128xf32>
    %convert_element_type3A = arith.truncf %add3A : vector<5000x128xf32> to vector<5000x128xbf16>
    %get3A_9 = arith.constant 0 : index
    %get3A_10 = arith.constant 0 : index
    %get3A_11 = vector.load %arg2[%get3A_9, %get3A_10] : memref<128x128xf32, #tpu.memory_space<vmem>>, vector<128x128xf32>
    %convert_element_type3A_12 = arith.truncf %get3A_11 : vector<128x128xf32> to vector<128x128xbf16>
    %dot_general3A = arith.constant dense<0.000000e+00> : vector<5000x128xf32>
    %dot_general3A_13 = tpu.matmul %convert_element_type3A, %convert_element_type3A_12, %dot_general3A {dimension_numbers = #tpu.dot_dimension_numbers<[1], [0], [0], [1], [0, 0, 1, 1], [], []>, transpose_lhs_hint = false} : vector<5000x128xbf16>, vector<128x128xbf16>, vector<5000x128xf32> -> vector<5000x128xf32>
    %get3A_14 = arith.constant 0 : index
    %get3A_15 = arith.constant 0 : index
    %get3A_16 = vector.load %arg1[%get3A_14, %get3A_15] : memref<5000x128xf32, #tpu.memory_space<vmem>>, vector<5000x128xf32>
    %convert_element_type3A_17 = arith.truncf %get3A_16 : vector<5000x128xf32> to vector<5000x128xbf16>
    %get3A_18 = arith.constant 0 : index
    %get3A_19 = arith.constant 0 : index
    %get3A_20 = vector.load %arg3[%get3A_18, %get3A_19] : memref<128x128xf32, #tpu.memory_space<vmem>>, vector<128x128xf32>
    %convert_element_type3A_21 = arith.truncf %get3A_20 : vector<128x128xf32> to vector<128x128xbf16>
    %dot_general3A_22 = arith.constant dense<0.000000e+00> : vector<5000x128xf32>
    %dot_general3A_23 = tpu.matmul %convert_element_type3A_17, %convert_element_type3A_21, %dot_general3A_22 {dimension_numbers = #tpu.dot_dimension_numbers<[1], [0], [0], [1], [0, 0, 1, 1], [], []>, transpose_lhs_hint = false} : vector<5000x128xbf16>, vector<128x128xbf16>, vector<5000x128xf32> -> vector<5000x128xf32>
    %get3A_24 = arith.constant 0 : index
    %get3A_25 = arith.constant 0 : index
    %get3A_26 = vector.load %arg4[%get3A_24, %get3A_25] : memref<1x128xf32, #tpu.memory_space<vmem>>, vector<1x128xf32>
    %add3A_27 = vector.broadcast %get3A_26 : vector<1x128xf32> to vector<5000x128xf32>
    %add3A_28 = arith.addf %dot_general3A_13, %add3A_27 : vector<5000x128xf32>
    %add3A_29 = arith.addf %add3A_28, %dot_general3A_23 : vector<5000x128xf32>
    %max3A = arith.constant 0.000000e+00 : f32
    %max3A_30 = vector.broadcast %max3A : f32 to vector<5000x128xf32>
    %max3A_31 = arith.maximumf %add3A_29, %max3A_30 : vector<5000x128xf32>
    %iota3A = tpu.iota {dimensions = array<i32: 0>} : vector<64x5000xi32>
    %get3A_32 = arith.constant 0 : index
    %get3A_33 = arith.constant 0 : index
    %get3A_34 = vector.load %arg5[%get3A_32, %get3A_33] : memref<8x5000xi32, #tpu.memory_space<vmem>>, vector<1x5000xi32>
    %eq3A = vector.broadcast %get3A_34 : vector<1x5000xi32> to vector<64x5000xi32>
    %eq3A_35 = arith.cmpi eq, %eq3A, %iota3A : vector<64x5000xi32>
    %jit3A = arith.constant 1.000000e+00 : f32
    %jit3A_36 = arith.constant 0.000000e+00 : f32
    %broadcast_in_dim3A = vector.broadcast %jit3A : f32 to vector<64x5000xf32>
    %broadcast_in_dim3A_37 = vector.broadcast %jit3A_36 : f32 to vector<64x5000xf32>
    %select_n3A = arith.select %eq3A_35, %broadcast_in_dim3A, %broadcast_in_dim3A_37 : vector<64x5000xi1>, vector<64x5000xf32>
    %get3A_38 = arith.constant 0 : index
    %get3A_39 = arith.constant 0 : index
    %get3A_40 = vector.load %arg6[%get3A_38, %get3A_39] : memref<8x5000xi32, #tpu.memory_space<vmem>>, vector<1x5000xi32>
    %eq3A_41 = vector.broadcast %get3A_40 : vector<1x5000xi32> to vector<64x5000xi32>
    %eq3A_42 = arith.cmpi eq, %eq3A_41, %iota3A : vector<64x5000xi32>
    %jit3A_43 = arith.constant 1.000000e+00 : f32
    %jit3A_44 = arith.constant 0.000000e+00 : f32
    %broadcast_in_dim3A_45 = vector.broadcast %jit3A_43 : f32 to vector<64x5000xf32>
    %broadcast_in_dim3A_46 = vector.broadcast %jit3A_44 : f32 to vector<64x5000xf32>
    %select_n3A_47 = arith.select %eq3A_42, %broadcast_in_dim3A_45, %broadcast_in_dim3A_46 : vector<64x5000xi1>, vector<64x5000xf32>
    %slice3A = vector.extract_strided_slice %max3A_31 {offsets = [0, 0], sizes = [5000, 64], strides = [1, 1]} : vector<5000x128xf32> to vector<5000x64xf32>
    %dot_general3A_48 = arith.constant dense<0.000000e+00> : vector<64x64xf32>
    %dot_general3A_49 = tpu.matmul %select_n3A, %slice3A, %dot_general3A_48 {dimension_numbers = #tpu.dot_dimension_numbers<[1], [0], [0], [1], [0, 0, 1, 1], [], []>, precision = #tpu.contract_precision<fp32>, transpose_lhs_hint = false} : vector<64x5000xf32>, vector<5000x64xf32>, vector<64x64xf32> -> vector<64x64xf32>
    %slice3A_50 = vector.extract_strided_slice %max3A_31 {offsets = [0, 64], sizes = [5000, 64], strides = [1, 1]} : vector<5000x128xf32> to vector<5000x64xf32>
    %dot_general3A_51 = arith.constant dense<0.000000e+00> : vector<64x64xf32>
    %dot_general3A_52 = tpu.matmul %select_n3A_47, %slice3A_50, %dot_general3A_51 {dimension_numbers = #tpu.dot_dimension_numbers<[1], [0], [0], [1], [0, 0, 1, 1], [], []>, precision = #tpu.contract_precision<fp32>, transpose_lhs_hint = false} : vector<64x5000xf32>, vector<5000x64xf32>, vector<64x64xf32> -> vector<64x64xf32>
    %add3A_53 = arith.addf %dot_general3A_49, %dot_general3A_52 : vector<64x64xf32>
    %reduce_sum3A = arith.constant dense<0.000000e+00> : vector<64xf32>
    %reduce_sum3A_54 = vector.multi_reduction <add>, %select_n3A, %reduce_sum3A [1] : vector<64x5000xf32> to vector<64xf32>
    %broadcast_in_dim3A_55 = vector.shape_cast %reduce_sum3A_54 : vector<64xf32> to vector<64x1xf32>
    %reduce_sum3A_56 = arith.constant dense<0.000000e+00> : vector<64xf32>
    %reduce_sum3A_57 = vector.multi_reduction <add>, %select_n3A_47, %reduce_sum3A_56 [1] : vector<64x5000xf32> to vector<64xf32>
    %broadcast_in_dim3A_58 = vector.shape_cast %reduce_sum3A_57 : vector<64xf32> to vector<64x1xf32>
    %add3A_59 = arith.addf %broadcast_in_dim3A_55, %broadcast_in_dim3A_58 : vector<64x1xf32>
    %max3A_60 = arith.constant 1.000000e+00 : f32
    %max3A_61 = vector.broadcast %max3A_60 : f32 to vector<64x1xf32>
    %max3A_62 = arith.maximumf %add3A_59, %max3A_61 : vector<64x1xf32>
    %div3A = vector.broadcast %max3A_62 : vector<64x1xf32> to vector<64x64xf32>
    %div3A_63 = arith.divf %add3A_53, %div3A : vector<64x64xf32>
    %convert_element_type3A_64 = arith.truncf %div3A_63 : vector<64x64xf32> to vector<64x64xbf16>
    %get3A_65 = arith.constant 0 : index
    %get3A_66 = arith.constant 0 : index
    %get3A_67 = vector.load %arg7[%get3A_65, %get3A_66] : memref<64x32xf32, #tpu.memory_space<vmem>>, vector<64x32xf32>
    %convert_element_type3A_68 = arith.truncf %get3A_67 : vector<64x32xf32> to vector<64x32xbf16>
    %dot_general3A_69 = arith.constant dense<0.000000e+00> : vector<64x32xf32>
    %dot_general3A_70 = tpu.matmul %convert_element_type3A_64, %convert_element_type3A_68, %dot_general3A_69 {dimension_numbers = #tpu.dot_dimension_numbers<[1], [0], [0], [1], [0, 0, 1, 1], [], []>, transpose_lhs_hint = false} : vector<64x64xbf16>, vector<64x32xbf16>, vector<64x32xf32> -> vector<64x32xf32>
    %get3A_71 = arith.constant 0 : index
    %get3A_72 = arith.constant 0 : index
    %get3A_73 = vector.load %arg8[%get3A_71, %get3A_72] : memref<1x32xf32, #tpu.memory_space<vmem>>, vector<1x32xf32>
    %add3A_74 = vector.broadcast %get3A_73 : vector<1x32xf32> to vector<64x32xf32>
    %add3A_75 = arith.addf %dot_general3A_70, %add3A_74 : vector<64x32xf32>
    %max3A_76 = arith.constant 0.000000e+00 : f32
    %max3A_77 = vector.broadcast %max3A_76 : f32 to vector<64x32xf32>
    %max3A_78 = arith.maximumf %add3A_75, %max3A_77 : vector<64x32xf32>
    %convert_element_type3A_79 = arith.truncf %max3A_78 : vector<64x32xf32> to vector<64x32xbf16>
    %get3A_80 = arith.constant 0 : index
    %get3A_81 = arith.constant 0 : index
    %get3A_82 = vector.load %arg9[%get3A_80, %get3A_81] : memref<32x1xf32, #tpu.memory_space<vmem>>, vector<32x1xf32>
    %convert_element_type3A_83 = arith.truncf %get3A_82 : vector<32x1xf32> to vector<32x1xbf16>
    %dot_general3A_84 = arith.constant dense<0.000000e+00> : vector<64x1xf32>
    %dot_general3A_85 = tpu.matmul %convert_element_type3A_79, %convert_element_type3A_83, %dot_general3A_84 {dimension_numbers = #tpu.dot_dimension_numbers<[1], [0], [0], [1], [0, 0, 1, 1], [], []>, transpose_lhs_hint = false} : vector<64x32xbf16>, vector<32x1xbf16>, vector<64x1xf32> -> vector<64x1xf32>
    %get3A_86 = arith.constant 0 : index
    %get3A_87 = arith.constant 0 : index
    %get3A_88 = vector.load %arg10[%get3A_86, %get3A_87] : memref<1x1xf32, #tpu.memory_space<vmem>>, vector<1x1xf32>
    %add3A_89 = vector.broadcast %get3A_88 : vector<1x1xf32> to vector<64x1xf32>
    %add3A_90 = arith.addf %dot_general3A_85, %add3A_89 : vector<64x1xf32>
    %swap3A = arith.constant 0 : index
    %swap3A_91 = arith.constant 0 : index
    %swap3A_92 = vector.load %arg11[%swap3A, %swap3A_91] : memref<64x1xf32, #tpu.memory_space<vmem>>, vector<64x1xf32>
    tpu.vector_store %arg11[%swap3A, %swap3A_91], %add3A_90 {strides = array<i32>} : memref<64x1xf32, #tpu.memory_space<vmem>>, vector<64x1xf32>,
    return
  }
}

</mosaic_0001>

<sc_bundles>
// kernel: kernel.12.cloned.1.call-start
scs
__scs_entry_jumppad:
0x0: {  	(pc) =	sbr.rel $0x88, $3  }
0x1: {  	(tag) =	ssettag $0x0;
	lr =	simm.s32 $0x1  }
0x2: {  	[smem:$0x3F91] =	sst lr;
	_ =	strace $0xD0000000  }
0x3: {  	_ = 	snop  }
0x4: {  	_ = 	snop  }
0x5: {  	_ = 	snop  }
0x6: {  	_ = 	snop  }
0x7: {  	_ = 	snop  }
__scs_overlays_trampoline_lowered:
0x8: {  	[smem:$0x3FA0] =	sst s0  }
0x9: {  	[smem:$0x3FA1] =	sst s1  }
0xa: {  	[smem:$0x3FA2] =	sst s2  }
0xb: {  	[smem:$0x3FA3] =	sst s3  }
0xc: {  	[smem:$0x3FA4] =	sst s4  }
0xd: {  	[smem:$0x3FA5] =	sst s5  }
0xe: {  	[smem:$0x3FA6] =	sst s6  }
0xf: {  	[smem:$0x3FA7] =	sst s7  }
0x10: {  	[smem:$0x3FA8] =	sst s8  }
0x11: {  	[smem:$0x3FA9] =	sst s9;
	s0 =	simm.s32 @!p0 $0x0  }
0x12: {  	s1 =	sld [smem:$0x3F8F];
	s0 =	simm.s32 @p0 $0x1  }
0x13: {  	[smem:$0x3FAA] =	sst s0;
	s0 =	simm.s32 @!p1 $0x0  }
0x14: {  	s2 =	sld [smem:$0x3F8E];
	s0 =	simm.s32 @p1 $0x1  }
0x15: {  	[smem:$0x3FAB] =	sst s0;
	s0 =	simm.s32 @!p2 $0x0  }
0x16: {  	s3 =	sld [smem:$0x3FDB];
	s0 =	simm.s32 @p2 $0x1  }
0x17: {  	s4 =	simm.s32 $0x1BF5;
	[smem:$0x3FAD] =	sst s0  }
0x18: {  	s0 =	sld [smem:$0x3F90];
	_ =	swait.ge [sflag:s4], $0x0  }
0x19: {  	s7 =	sld [smem:$0x3F91]  }
0x1a: {  	s8 =	sadd.s32 $0xFFFFE003, lr  }
0x1b: {  	s9 =	sadd.s32 $0xFFFFFEF7, lr;
	s5 =	simm.s32 $0xFFFFFFFF;
	p2 =	slt.u32 s8, $0xFFFFF086  }
0x1c: {  	p1 =	slt.u32 s9, $0xF7A;
	s5 =	simm.s32 @!p2 $0x0  }
0x1d: {  	s5 =	simm.s32 @p1 $0x1;
	p0 =	seq.s32 s7, s2  }
0x1e: {  	s7 =	smul.u32 @!p0 $0xF7A, s2;
	p2 =	seq.s32 @!p0 s5, $0x0  }
0x1f: {  	s9 =	smul.u32 $0xF7A, s1;
	s8 =	simm.s32 @!p0 $0x1BF5;
	p2 =	por !p2, p0  }
0x20: {  	[sflag:s8] =	ssyncset.s32 @!p0 $0xFFFFF086;
	s6 =	sadd.s32 @!p0 s3, s7;
	s7 =	simm.s32 @!p0 $0x108  }
0x21: {  	s3 =	sadd.s32 s3, s9;
	s6 =	sadd.s32 @!p0 $0x88, s6;
	s7 =	simm.s32 @p2 $0x1082  }
0x22: {  	[simem:s7], [sflag:s8] =	dma.local @!p0 [hbm:s6], $0xF7A  }
0x23: {  	s9 =	sor.u32 $0xD0000000, s2;
	s6 =	simm.s32 $0x108;
	_ =	swait.ge @!p0 [sflag:s8], $0x0  }
0x24: {  	s3 =	sadd.s32 $0x88, s3;
	s6 =	simm.s32 @!p1 $0x1082;
	[sflag:s4] =	ssyncset.s32 $0xFFFFF086  }
0x25: {  	[simem:s6], [sflag:s4] =	dma.local [hbm:s3], $0xF7A  }
0x26: {  	[smem:$0x3F91] =	sst s1;
	(tag) =	ssettag s2;
	_ =	strace s9  }
0x27: {  	s1 =	sld [smem:$0x3FA1]  }
0x28: {  	s2 =	sld [smem:$0x3FA2]  }
0x29: {  	s4 =	sld [smem:$0x3FA4]  }
0x2a: {  	p0 =	seq.s32 s5, $0x0;
	s5 =	sld [smem:$0x3FA5]  }
0x2b: {  	s6 =	sld [smem:$0x3FA6]  }
0x2c: {  	s7 =	sld [smem:$0x3FA7]  }
0x2d: {  	s3 =	simm.s32 $0x108;
	s8 =	sld [smem:$0x3FA8]  }
0x2e: {  	s3 =	simm.s32 @!p0 $0x1082;
	s9 =	sld [smem:$0x3FA9]  }
0x2f: {  	lr =	sadd.s32 s0, s3;
	s0 =	sld [smem:$0x3FA0]  }
0x30: {  	s3 =	sld [smem:$0x3FA3]  }
0x31: {  	[smem:$0x3FAC] =	sst s10  }
0x32: {  	s10 =	sld [smem:$0x3FAA];
	_ =	sdelay $0x3  }
0x33: {  	p0 =	seq.s32 s10, $0x1;
	s10 =	sld [smem:$0x3FAC];
	_ =	sdelay $0x3  }
0x34: {  	[smem:$0x3FAC] =	sst s10  }
0x35: {  	s10 =	sld [smem:$0x3FAB];
	_ =	sdelay $0x3  }
0x36: {  	p1 =	seq.s32 s10, $0x1;
	s10 =	sld [smem:$0x3FAC];
	_ =	sdelay $0x3  }
0x37: {  	[smem:$0x3FAC] =	sst s10  }
0x38: {  	s10 =	sld [smem:$0x3FAD]  }
0x39: {  	_ = 	snop;
	(pc) =	sbr.ind lr, $3  }
0x3a: {  	_ = 	snop  }
0x3b: {  	_ = 	snop  }
0x3c: {  	p2 =	seq.s32 s10, $0x1;
	s10 =	sld [smem:$0x3FAC]  }
0x3d: {  	_ =	shalt  }
0x3e: {  	_ =	shalt  }
0x3f: {  	_ =	shalt  }
0x40: {  	_ =	shalt  }
0x41: {  	_ =	shalt  }
0x42: {  	_ =	shalt  }
0x43: {  	_ =	shalt  }
0x44: {  	_ =	shalt  }
0x45: {  	_ =	shalt  }
0x46: {  	_ =	shalt  }
0x47: {  	_ =	shalt  }
0x48: {  	_ =	shalt  }
0x49: {  	_ =	shalt  }
0x4a: {  	_ =	shalt  }
0x4b: {  	_ =	shalt  }
0x4c: {  	_ =	shalt  }
0x4d: {  	_ =	shalt  }
0x4e: {  	_ =	shalt  }
0x4f: {  	_ =	shalt  }
0x50: {  	_ =	shalt  }
0x51: {  	_ =	shalt  }
0x52: {  	_ =	shalt  }
0x53: {  	_ =	shalt  }
0x54: {  	_ =	shalt  }
0x55: {  	_ =	shalt  }
0x56: {  	_ =	shalt  }
0x57: {  	_ =	shalt  }
0x58: {  	_ =	shalt  }
0x59: {  	_ =	shalt  }
0x5a: {  	_ =	shalt  }
0x5b: {  	_ =	shalt  }
0x5c: {  	_ =	shalt  }
0x5d: {  	_ =	shalt  }
0x5e: {  	_ =	shalt  }
0x5f: {  	_ =	shalt  }
0x60: {  	_ =	shalt  }
0x61: {  	_ =	shalt  }
0x62: {  	_ =	shalt  }
0x63: {  	_ =	shalt  }
0x64: {  	_ =	shalt  }
0x65: {  	_ =	shalt  }
0x66: {  	_ =	shalt  }
0x67: {  	_ =	shalt  }
0x68: {  	_ =	shalt  }
0x69: {  	_ =	shalt  }
0x6a: {  	_ =	shalt  }
0x6b: {  	_ =	shalt  }
0x6c: {  	_ =	shalt  }
0x6d: {  	_ =	shalt  }
0x6e: {  	_ =	shalt  }
0x6f: {  	_ =	shalt  }
0x70: {  	_ =	shalt  }
0x71: {  	_ =	shalt  }
0x72: {  	_ =	shalt  }
0x73: {  	_ =	shalt  }
0x74: {  	_ =	shalt  }
0x75: {  	_ =	shalt  }
0x76: {  	_ =	shalt  }
0x77: {  	_ =	shalt  }
0x78: {  	_ =	shalt  }
0x79: {  	_ =	shalt  }
0x7a: {  	_ =	shalt  }
0x7b: {  	_ =	shalt  }
0x7c: {  	_ =	shalt  }
0x7d: {  	_ =	shalt  }
0x7e: {  	_ =	shalt  }
0x7f: {  	_ =	shalt  }
0x80: {  	_ =	shalt  }
0x81: {  	_ =	shalt  }
0x82: {  	_ =	shalt  }
0x83: {  	_ =	shalt  }
0x84: {  	_ =	shalt  }
0x85: {  	_ =	shalt  }
0x86: {  	_ =	shalt  }
0x87: {  	_ =	shalt  }
.Lfunc_end0:
.L_simem_size_0:
called_computation.1_lowered:
.L_overlay_start_0:
0x88: {  	s2 =	sld [smem:$0x3FD9]  }
0x89: {  	s3 =	sld [smem:$0x3FFE];
	_ =	sdelay $0x1  }
0x8a: {  	s1 =	srdreg.scid  }
0x8b: {  	s0 =	sand.u32 $0x1, s1  }
0x8c: {  	s17 =	sshll.u32 s0, $0xA;
	s2 =	sadd.s32 s3, s2  }
0x8d: {  	s2 =	sadd.s32 s2, s17  }
0x8e: {  	[smem:$0x3FB8] =	sst s2  }
0x8f: {  	_ = 	snop  }
0x90: {  	(tm) =	ssettm $0x1  }
0x91: {  	s18 =	sld [smem:$0x3FFB];
	_ =	sdelay $0x3  }
0x92: {  	_ =	strace s18  }
0x93: {  	s2 =	sld [smem:$0x3FFC];
	_ =	sdelay $0x3  }
0x94: {  	_ =	strace s2  }
0x95: {  	s2 =	sld [smem:$0x3FFD];
	_ =	sdelay $0x3  }
0x96: {  	_ =	strace s2  }
0x97: {  	_ =	strace $0x8FFFFFFF  }
0x98: {  	s19 =	sld [smem:$0x3FDB];
	_ =	sdelay $0x1  }
0x99: {  	s20 =	simm.s32 $_scs_section_size  }
0x9a: {  	s4 =	simm.s32 $_size__tile_overlayer_lowered;
	s5 =	simm.s32 $_tile_overlayer_lowered  }
0x9b: {  	s6 =	simm.s32 $0x1BFF;
	s21 =	sshll.u32 s5, $0x1;
	s3 =	sadd.s32 s20, s19  }
0x9c: {  	s22 =	simm.s32 $0x0;
	s4 =	sshll.u32 s4, $0x1;
	s5 =	sadd.s32 s21, s3  }
0x9d: {  	[timem:s22], [sflag:s6] =	dma.local [hbm:s5], s4  }
0x9e: {  	_ =	swait.ge [sflag:s6], s4  }
0x9f: {  	s4 =	ssub.s32 $0x0, s4;
	[sflag:s6] =	ssyncset.done $0x0  }
0xa0: {  	[sflag:s6] =	ssyncadd.s32 s4;
	_ =	sdelay $0x1  }
0xa1: {  	s23 =	simm.s32 $0x1B8B  }
0xa2: {  	_ =	swait.ge [sflag:s23], $0x1  }
0xa3: {  	[sflag:s23] =	ssyncset.done $0x0  }
0xa4: {  	[sflag:s23] =	ssyncadd.s32 $0xFFFFFFFF  }
0xa5: {  	s4 =	sld [smem:$0x0]  }
0xa6: {  	s5 =	sand.u32 $0xFFFFFFFE, s1  }
0xa7: {  	p0 =	sne.s32 s1, s5  }
0xa8: {  	s5 =	sshll.u32 @p0 s5, $0xE  }
0xa9: {  	s5 =	sadd.s32 @p0 $0x11B8D, s5;
	s6 =	sshll.u32 @p0 s4, $0x11  }
0xaa: {  	s5 =	sor.u32 @p0 s6, s5  }
0xab: {  	[sflag:s5] =	ssyncadd.remote.s32 @p0 $0x1;
	_ =	sdelay $0x1  }
0xac: {  	s5 =	simm.s32 @p0 $0x1B8D  }
0xad: {  	_ =	swait.eq @p0 [sflag:s5], $0x1  }
0xae: {  	[sflag:s5] =	ssyncadd.s32 @p0 $0xFFFFFFFF  }
0xaf: {  	s6 =	sshll.u32 @!p0 s1, $0xE  }
0xb0: {  	s6 =	sor.u32 @!p0 $0x4000, s6;
	s5 =	simm.s32 @!p0 $0x1B8D  }
0xb1: {  	s4 =	sshll.u32 @!p0 s4, $0x11;
	s6 =	sadd.s32 @!p0 $0x11B8D, s6;
	_ =	swait.eq @!p0 [sflag:s5], $0x1  }
0xb2: {  	s4 =	sor.u32 @!p0 s4, s6;
	[sflag:s5] =	ssyncadd.s32 @!p0 $0xFFFFFFFF  }
0xb3: {  	s25 =	simm.s32 $0x1B8E;
	s24 =	sld [smem:$0x3FFE];
	[sflag:s4] =	ssyncadd.remote.s32 @!p0 $0x1  }
0xb4: {  	s26 =	simm.s32 $execute0_lowered;
	[smem:$0x3FD2] =	sst s25  }
0xb5: {  	s5 =	sshll.u32 s26, $0x1;
	_ =	strace $0x80000049;
	[dreg:$0x1] =	wrdreg $0xFFFFFFFF  }
0xb6: {  	s28 =	simm.s32 $_size_execute0_lowered;
	s3 =	sadd.s32 s3, s5;
	[dreg:$0x0] =	wrdreg $0x0  }
0xb7: {  	s5 =	sshll.u32 s28, $0x1;
	[dreg:$0x2] =	wrdreg s3  }
0xb8: {  	[dreg:$0x3] =	wrdreg s5  }
0xb9: {  	[dreg:$0x4] =	wrdreg $0xC0  }
0xba: {  	_ =	task [dreg:s22], $0x5FFFF  }
0xbb: {  	[dreg:$0x1] =	wrdreg $0xFFFFFFFF  }
0xbc: {  	[dreg:$0x0] =	wrdreg $0x60  }
0xbd: {  	[dreg:$0x2] =	wrdreg s24  }
0xbe: {  	[dreg:$0x3] =	wrdreg $0xCE200  }
0xbf: {  	[dreg:$0x4] =	wrdreg $0xA  }
0xc0: {  	_ =	task.clear_ibuf [dreg:s22], $0x5FFFF;
	_ =	strace $0x90000049  }
0xc1: {  	s29 =	simm.s32 $0xA;
	_ =	strace $0x8000004B  }
0xc2: {  	_ =	swait.ge [sflag:s29], $0x1  }
0xc3: {  	[sflag:s29] =	ssyncadd.s32 $0xFFFFFFFF  }
0xc4: {  	_ =	strace $0x9000004B  }
0xc5: {  	_ =	sfence  }
0xc6: {  	s30 =	sld [smem:$0x0];
	_ =	sdelay $0x2  }
0xc7: {  	s31 =	sshll.u32 s1, $0xD;
	s1 =	sshrl.u32 s1, $0x2  }
0xc8: {  	s4 =	sand.u32 $0x4000, s31;
	s1 =	sadd.s32 s1, s30  }
0xc9: {  	s0 =	sor.u32 s4, s0;
	s1 =	sshll.u32 s1, $0x11  }
0xca: {  	s0 =	sor.u32 s1, s0  }
0xcb: {  	s0 =	sadd.s32 $0x8F2B, s0  }
0xcc: {  	[sflag:s0] =	ssyncadd.remote.s32 $0x1  }
0xcd: {  	_ =	sfence.sel $0xFFFF  }
0xce: {  	[dreg:$0x0] =	wrdreg $0xFFFFFFFF;
	(pc) =	sbr.abs _section_cstart, $3  }
0xcf: {  	[dreg:$0x1] =	wrdreg $0xFFFFFFFF  }
0xd0: {  	_ =	task.clear_ibuf [dreg:s22], $0x2FFFF;
	_ =	strace $0x9FFFFFFF  }
0xd1: {  	(tm) =	ssettm $0x7FFFFFFF  }
tec
execute0_lowered:
.L_overlay_start_1:
0x0: {  	(tag) =	ssettag $0x1  }
0x1: {  	s0 =	srdreg.scid;
	s5 =	rddreg [dreg:$0x0]  }
0x2: {  	s9 =	stileid.u32;
	s2 =	rddreg [dreg:$0x1];
	s3 =	simm.s32 $0x0  }
0x3: {  	s14 =	simm.s32 $0x2;
	s15 =	simm.s32 $0x3;
	s16 =	simm.s32 $0x1  }
0x4: {  	s17 =	simm.s32 $0x80;
	s18 =	simm.s32 $0x4E20;
	s19 =	simm.s32 $0x6E20  }
0x5: {  	s21 =	simm.s32 $0x8E20;
	s23 =	simm.s32 $0xAE20;
	s24 =	simm.s32 $0x5  }
0x6: {  	s25 =	simm.s32 $0x6;
	s26 =	simm.s32 $0x7;
	s28 =	simm.s32 $0x4  }
0x7: {  	s29 =	simm.s32 $0x8;
	s31 =	simm.s32 $0x10;
	s13 =	simm.s32 $0x9  }
0x8: {  	s20 =	simm.s32 $0x0;
	s0 =	sand.u32 $0x1, s0;
	s1 =	sshll.u32 s9, $0x1  }
0x9: {  	s6 =	smul.u32 $0x9C40, s9;
	[smem:$0x7FF] =	sst s3;
	s4 =	sadd.s32 $0x66200, s5  }
0xa: {  	s1 =	sor.u32 s0, s1;
	s7 =	smul.u32 $0x9C400, s0;
	_ =	strace $0x8000004A  }
0xb: {  	s0 =	ssub.s32 $0x2, s0;
	s1 =	smul.u32 $0x2710, s1;
	s8 =	sshrl.u32 s6, $0x3  }
0xc: {  	s30 =	sshrl.u32 s0, $0x1;
	s12 =	sadd.s32 s6, s2;
	s7 =	sadd.s32 s6, s7  }
0xd: {  	s8 =	sadd.s32 s8, s5;
	s0 =	ssub.s32 s0, s30;
	s12 =	sshrl.u32 s12, $0x3  }
0xe: {  	s1 =	sshrl.u32 s1, $0x3;
	s7 =	sshrl.u32 s7, $0x3;
	s6 =	sadd.s32 $0x2B600, s8  }
0xf: {  	s1 =	sadd.s32 s1, s5;
	s10 =	sadd.s32 s7, s5;
	s5 =	sshll.u32 s9, $0x6  }
0x10: {  	s11 =	smax.u32 s0, $0x1;
	s0 =	simm.s32 $0x4E10;
	s7 =	sor.u32 $0x1C01, s5  }
0x11: {  	s8 =	sadd.s32 $0x4200, s1;
	s9 =	sadd.s32 $0xDE40, s1;
	s10 =	sadd.s32 $0x79C00, s10  }
.LBB2_1:
0x12: {  	[spmem:s12], [sflag:s7] =	dma.local [hbm:s6], $0x1388  }
0x13: {  	[tilespmem:s3], [sflag:$0x2] =	stream.linear.gather [hbm4b:s8+s3], $0x2710, $0x38;
	[tilespmem:$0x16A60] =	vst v63  }
0x14: {  	s1 =	simm.s32 $0x2710  }
0x15: {  	[tilespmem:s1], [sflag:$0x3] =	stream.linear.gather [hbm4b:s9+s3], $0x2710, $0x38;
	[tilespmem:$0x16A60] =	vst v63  }
0x16: {  	_ =	swait.ge [sflag:s14], $0x2710  }
0x17: {  	[sflag:s14] =	ssyncset.done $0x0  }
0x18: {  	[sflag:s14] =	ssyncadd.s32 $0xFFFFD8F0  }
0x19: {  	_ =	swait.ge [sflag:s15], $0x2710  }
0x1a: {  	[sflag:s15] =	ssyncset.done $0x0  }
0x1b: {  	[sflag:s15] =	ssyncadd.s32 $0xFFFFD8F0  }
0x1c: {  	_ =	swait.ge [sflag:s16], $0x1388  }
0x1d: {  	[sflag:s16] =	ssyncset.done $0x0  }
0x1e: {  	[sflag:s16] =	ssyncadd.s32 $0xFFFFEC78  }
0x1f: {  	[bflag:$0x0] =	sbarrier.arrive $0xFFFF  }
0x20: {  	[tilespmem:s18], [sflag:$0x1] =	stream.indirect.gather [hbm4b:s4+s17], $0x40, s3, s17, $0xb8;
	[tilespmem:$0x16A60] =	vst v63  }
0x21: {  	_ = 	snop  }
0x22: {  	[tilespmem:s19], [sflag:$0x2] =	stream.indirect.gather [hbm4b:s4+s17], $0x40, s17, s17, $0xb8;
	[tilespmem:$0x16A60] =	vst v63  }
0x23: {  	s22 =	simm.s32 $0x100  }
0x24: {  	[tilespmem:s21], [sflag:$0x3] =	stream.indirect.gather [hbm4b:s4+s17], $0x40, s22, s17, $0xb8;
	[tilespmem:$0x16A60] =	vst v63  }
0x25: {  	s22 =	simm.s32 $0x180  }
0x26: {  	[tilespmem:s23], [sflag:$0x4] =	stream.indirect.gather [hbm4b:s4+s17], $0x40, s22, s17, $0xb8;
	[tilespmem:$0x16A60] =	vst v63  }
0x27: {  	_ =	swait.ge [sflag:s16], $0x2000  }
0x28: {  	[sflag:s16] =	ssyncset.done $0x0  }
0x29: {  	s22 =	simm.s32 $0x2710;
	[sflag:s16] =	ssyncadd.s32 $0xFFFFE000  }
0x2a: {  	[spmem:s2] =	stream.indirect.scatter.add.f32 [tilespmem:s18], [sflag:$0x5], $0x40, s22, s17, $0xb8;
	[tilespmem:$0x16A60] =	vst v63  }
0x2b: {  	_ =	swait.ge [sflag:s24], $0x2000  }
0x2c: {  	[sflag:s24] =	ssyncset.done $0x0  }
0x2d: {  	s1 =	simm.s32 $0x200;
	[sflag:s24] =	ssyncadd.s32 $0xFFFFE000  }
0x2e: {  	[tilespmem:s18], [sflag:$0x1] =	stream.indirect.gather [hbm4b:s4+s17], $0x40, s1, s17, $0xb8;
	[tilespmem:$0x16A60] =	vst v63  }
0x2f: {  	_ =	swait.ge [sflag:s14], $0x2000  }
0x30: {  	[sflag:s14] =	ssyncset.done $0x0  }
0x31: {  	s1 =	simm.s32 $0x2790;
	[sflag:s14] =	ssyncadd.s32 $0xFFFFE000  }
0x32: {  	[spmem:s2] =	stream.indirect.scatter.add.f32 [tilespmem:s19], [sflag:$0x6], $0x40, s1, s17, $0xb8;
	[tilespmem:$0x16A60] =	vst v63  }
0x33: {  	_ =	swait.ge [sflag:s25], $0x2000  }
0x34: {  	[sflag:s25] =	ssyncset.done $0x0  }
0x35: {  	s1 =	simm.s32 $0x280;
	[sflag:s25] =	ssyncadd.s32 $0xFFFFE000  }
0x36: {  	[tilespmem:s19], [sflag:$0x2] =	stream.indirect.gather [hbm4b:s4+s17], $0x40, s1, s17, $0xb8;
	[tilespmem:$0x16A60] =	vst v63  }
0x37: {  	_ =	swait.ge [sflag:s15], $0x2000  }
0x38: {  	[sflag:s15] =	ssyncset.done $0x0  }
0x39: {  	s1 =	simm.s32 $0x2810;
	[sflag:s15] =	ssyncadd.s32 $0xFFFFE000  }
0x3a: {  	[spmem:s2] =	stream.indirect.scatter.add.f32 [tilespmem:s21], [sflag:$0x7], $0x40, s1, s17, $0xb8;
	[tilespmem:$0x16A60] =	vst v63  }
0x3b: {  	_ =	swait.ge [sflag:s26], $0x2000  }
0x3c: {  	[sflag:s26] =	ssyncset.done $0x0  }
0x3d: {  	s1 =	simm.s32 $0x300;
	[sflag:s26] =	ssyncadd.s32 $0xFFFFE000  }
0x3e: {  	[tilespmem:s21], [sflag:$0x3] =	stream.indirect.gather [hbm4b:s4+s17], $0x40, s1, s17, $0xb8;
	[tilespmem:$0x16A60] =	vst v63  }
0x3f: {  	_ =	swait.ge [sflag:s28], $0x2000  }
0x40: {  	[sflag:s28] =	ssyncset.done $0x0  }
0x41: {  	s1 =	simm.s32 $0x2890;
	[sflag:s28] =	ssyncadd.s32 $0xFFFFE000  }
0x42: {  	[spmem:s2] =	stream.indirect.scatter.add.f32 [tilespmem:s23], [sflag:$0x8], $0x40, s1, s17, $0xb8;
	[tilespmem:$0x16A60] =	vst v63  }
0x43: {  	_ =	swait.ge [sflag:s29], $0x2000  }
0x44: {  	[sflag:s29] =	ssyncset.done $0x0  }
0x45: {  	s30 =	simm.s32 $0x380;
	s22 =	simm.s32 $0x800;
	[sflag:s29] =	ssyncadd.s32 $0xFFFFE000  }
.LBB2_2:
0x46: {  	[tilespmem:s23], [sflag:$0x4] =	stream.indirect.gather [hbm4b:s4+s17], $0x40, s30, s17, $0xb8;
	[tilespmem:$0x16A60] =	vst v63  }
0x47: {  	s30 =	smov.u32 s22  }
0x48: {  	p0 =	sne.s32 s22, $0x8800;
	s22 =	sadd.s32 $0x800, s22;
	_ =	swait.ge [sflag:s16], $0x2000  }
0x49: {  	s30 =	sshra.s32 s30, $0x2;
	[sflag:s16] =	ssyncset.done $0x0  }
0x4a: {  	s1 =	sadd.s32 $0x2710, s30;
	[sflag:s16] =	ssyncadd.s32 $0xFFFFE000  }
0x4b: {  	[spmem:s2] =	stream.indirect.scatter.add.f32 [tilespmem:s18], [sflag:$0x5], $0x40, s1, s17, $0xb8;
	[tilespmem:$0x16A60] =	vst v63  }
0x4c: {  	_ =	swait.ge [sflag:s24], $0x2000  }
0x4d: {  	[sflag:s24] =	ssyncset.done $0x0  }
0x4e: {  	s1 =	sadd.s32 $0x200, s30;
	[sflag:s24] =	ssyncadd.s32 $0xFFFFE000  }
0x4f: {  	[tilespmem:s18], [sflag:$0x1] =	stream.indirect.gather [hbm4b:s4+s17], $0x40, s1, s17, $0xb8;
	[tilespmem:$0x16A60] =	vst v63  }
0x50: {  	_ =	swait.ge [sflag:s14], $0x2000  }
0x51: {  	[sflag:s14] =	ssyncset.done $0x0  }
0x52: {  	s1 =	sadd.s32 $0x2790, s30;
	[sflag:s14] =	ssyncadd.s32 $0xFFFFE000  }
0x53: {  	[spmem:s2] =	stream.indirect.scatter.add.f32 [tilespmem:s19], [sflag:$0x6], $0x40, s1, s17, $0xb8;
	[tilespmem:$0x16A60] =	vst v63  }
0x54: {  	_ =	swait.ge [sflag:s25], $0x2000  }
0x55: {  	[sflag:s25] =	ssyncset.done $0x0  }
0x56: {  	s1 =	sadd.s32 $0x280, s30;
	[sflag:s25] =	ssyncadd.s32 $0xFFFFE000  }
0x57: {  	[tilespmem:s19], [sflag:$0x2] =	stream.indirect.gather [hbm4b:s4+s17], $0x40, s1, s17, $0xb8;
	[tilespmem:$0x16A60] =	vst v63  }
0x58: {  	_ =	swait.ge [sflag:s15], $0x2000  }
0x59: {  	[sflag:s15] =	ssyncset.done $0x0  }
0x5a: {  	s1 =	sadd.s32 $0x2810, s30;
	[sflag:s15] =	ssyncadd.s32 $0xFFFFE000  }
0x5b: {  	[spmem:s2] =	stream.indirect.scatter.add.f32 [tilespmem:s21], [sflag:$0x7], $0x40, s1, s17, $0xb8;
	[tilespmem:$0x16A60] =	vst v63  }
0x5c: {  	_ =	swait.ge [sflag:s26], $0x2000  }
0x5d: {  	[sflag:s26] =	ssyncset.done $0x0  }
0x5e: {  	s1 =	sadd.s32 $0x300, s30;
	[sflag:s26] =	ssyncadd.s32 $0xFFFFE000  }
0x5f: {  	[tilespmem:s21], [sflag:$0x3] =	stream.indirect.gather [hbm4b:s4+s17], $0x40, s1, s17, $0xb8;
	[tilespmem:$0x16A60] =	vst v63  }
0x60: {  	_ =	swait.ge [sflag:s28], $0x2000  }
0x61: {  	[sflag:s28] =	ssyncset.done $0x0  }
.Ltmp0:
0x62: {  	s1 =	sadd.s32 $0x2890, s30;
	[sflag:s28] =	ssyncadd.s32 $0xFFFFE000;
	(pc) =	sbr.rel @p0 .LBB2_2-.Ltmp0, $4  }
0x63: {  	[spmem:s2] =	stream.indirect.scatter.add.f32 [tilespmem:s23], [sflag:$0x8], $0x40, s1, s17, $0xb8;
	[tilespmem:$0x16A60] =	vst v63  }
0x64: {  	_ =	swait.ge [sflag:s29], $0x2000  }
0x65: {  	[sflag:s29] =	ssyncset.done $0x0  }
0x66: {  	s30 =	sadd.s32 $0x380, s30;
	[sflag:s29] =	ssyncadd.s32 $0xFFFFE000  }
0x67: {  	[tilespmem:s23], [sflag:$0x4] =	stream.indirect.gather [hbm4b:s4+s17], $0x40, s30, s17, $0xb8;
	[tilespmem:$0x16A60] =	vst v63  }
0x68: {  	_ =	swait.ge [sflag:s16], $0x2000  }
0x69: {  	[sflag:s16] =	ssyncset.done $0x0  }
0x6a: {  	s1 =	simm.s32 $0x4B10;
	[sflag:s16] =	ssyncadd.s32 $0xFFFFE000  }
0x6b: {  	[spmem:s2] =	stream.indirect.scatter.add.f32 [tilespmem:s18], [sflag:$0x5], $0x40, s1, s17, $0xb8;
	[tilespmem:$0x16A60] =	vst v63  }
0x6c: {  	_ =	swait.ge [sflag:s24], $0x2000  }
0x6d: {  	[sflag:s24] =	ssyncset.done $0x0  }
0x6e: {  	s30 =	simm.s32 $0x2600;
	[sflag:s24] =	ssyncadd.s32 $0xFFFFE000  }
0x6f: {  	[tilespmem:s18], [sflag:$0x1] =	stream.indirect.gather [hbm4b:s4+s17], $0x40, s30, s17, $0xb8;
	[tilespmem:$0x16A60] =	vst v63  }
0x70: {  	_ =	swait.ge [sflag:s14], $0x2000  }
0x71: {  	[sflag:s14] =	ssyncset.done $0x0  }
0x72: {  	s22 =	simm.s32 $0x4B90;
	[sflag:s14] =	ssyncadd.s32 $0xFFFFE000  }
0x73: {  	[spmem:s2] =	stream.indirect.scatter.add.f32 [tilespmem:s19], [sflag:$0x6], $0x40, s22, s17, $0xb8;
	[tilespmem:$0x16A60] =	vst v63  }
0x74: {  	_ =	swait.ge [sflag:s25], $0x2000  }
0x75: {  	[sflag:s25] =	ssyncset.done $0x0  }
0x76: {  	s30 =	simm.s32 $0x2680;
	[sflag:s25] =	ssyncadd.s32 $0xFFFFE000  }
0x77: {  	[tilespmem:s19], [sflag:$0x2] =	stream.indirect.gather [hbm4b:s4+s17], $0x40, s30, s17, $0xb8;
	[tilespmem:$0x16A60] =	vst v63  }
0x78: {  	_ =	swait.ge [sflag:s15], $0x2000  }
0x79: {  	[sflag:s15] =	ssyncset.done $0x0  }
0x7a: {  	s22 =	simm.s32 $0x4C10;
	[sflag:s15] =	ssyncadd.s32 $0xFFFFE000  }
0x7b: {  	[spmem:s2] =	stream.indirect.scatter.add.f32 [tilespmem:s21], [sflag:$0x7], $0x40, s22, s17, $0xb8;
	[tilespmem:$0x16A60] =	vst v63  }
0x7c: {  	_ =	swait.ge [sflag:s26], $0x2000  }
0x7d: {  	[sflag:s26] =	ssyncset.done $0x0  }
0x7e: {  	[sflag:s26] =	ssyncadd.s32 $0xFFFFE000  }
0x7f: {  	_ =	swait.ge [sflag:s28], $0x2000  }
0x80: {  	[sflag:s28] =	ssyncset.done $0x0  }
0x81: {  	s30 =	simm.s32 $0x4C90;
	[sflag:s28] =	ssyncadd.s32 $0xFFFFE000  }
0x82: {  	[spmem:s2] =	stream.indirect.scatter.add.f32 [tilespmem:s23], [sflag:$0x8], $0x40, s30, s17, $0xb8;
	[tilespmem:$0x16A60] =	vst v63  }
0x83: {  	_ =	swait.ge [sflag:s29], $0x2000  }
0x84: {  	[sflag:s29] =	ssyncset.done $0x0  }
0x85: {  	[sflag:s29] =	ssyncadd.s32 $0xFFFFE000  }
0x86: {  	_ =	swait.ge [sflag:s16], $0x2000  }
0x87: {  	[sflag:s16] =	ssyncset.done $0x0  }
0x88: {  	s22 =	simm.s32 $0x4D10;
	[sflag:s16] =	ssyncadd.s32 $0xFFFFE000  }
0x89: {  	[spmem:s2] =	stream.indirect.scatter.add.f32 [tilespmem:s18], [sflag:$0x5], $0x40, s22, s17, $0xb8;
	[tilespmem:$0x16A60] =	vst v63  }
0x8a: {  	_ =	swait.ge [sflag:s24], $0x2000  }
0x8b: {  	[sflag:s24] =	ssyncset.done $0x0  }
0x8c: {  	[sflag:s24] =	ssyncadd.s32 $0xFFFFE000  }
0x8d: {  	_ =	swait.ge [sflag:s14], $0x2000  }
0x8e: {  	[sflag:s14] =	ssyncset.done $0x0  }
0x8f: {  	s30 =	simm.s32 $0x4D90;
	[sflag:s14] =	ssyncadd.s32 $0xFFFFE000  }
0x90: {  	[spmem:s2] =	stream.indirect.scatter.add.f32 [tilespmem:s19], [sflag:$0x6], $0x40, s30, s17, $0xb8;
	[tilespmem:$0x16A60] =	vst v63  }
0x91: {  	_ =	swait.ge [sflag:s25], $0x2000  }
0x92: {  	[sflag:s25] =	ssyncset.done $0x0  }
0x93: {  	s22 =	simm.s32 $0x2700;
	[sflag:s25] =	ssyncadd.s32 $0xFFFFE000  }
0x94: {  	[tilespmem:s18], [sflag:$0x1] =	stream.indirect.gather [hbm4b:s4+s31], $0x40, s22, s31, $0xb8;
	[tilespmem:$0x16A60] =	vst v63  }
0x95: {  	_ =	swait.ge [sflag:s16], $0x400  }
0x96: {  	[sflag:s16] =	ssyncset.done $0x0  }
0x97: {  	[sflag:s16] =	ssyncadd.s32 $0xFFFFFC00  }
0x98: {  	[spmem:s2] =	stream.indirect.scatter.add.f32 [tilespmem:s18], [sflag:$0x5], $0x40, s0, s31, $0xb8;
	[tilespmem:$0x16A60] =	vst v63  }
0x99: {  	_ =	swait.ge [sflag:s24], $0x400  }
0x9a: {  	s20 =	sadd.s32 $0x1, s20;
	[sflag:s24] =	ssyncset.done $0x0  }
0x9b: {  	p0 =	sne.s32 s20, s11;
	[sflag:s24] =	ssyncadd.s32 $0xFFFFFC00  }
.Ltmp1:
0x9c: {  	s30 =	sor.u32 $0x1C09, s5;
	[bflag:$0x0] =	sbarrier.arrive $0xFFFF;
	(pc) =	sbr.rel @p0 .LBB2_1-.Ltmp1, $4  }
0x9d: {  	[hbm:s10], [sflag:s30] =	dma.local [spmem:s12], $0x1388  }
0x9e: {  	_ =	swait.ge [sflag:s13], $0x1388  }
0x9f: {  	[sflag:s13] =	ssyncset.done $0x0  }
0xa0: {  	[sflag:s13] =	ssyncadd.s32 $0xFFFFEC78  }
0xa1: {  	_ =	sfence.sel $0x180000  }
0xa2: {  	[bflag:$0x0] =	sbarrier.arrive $0xFFFF  }
0xa3: {  	_ =	strace $0x9000004A  }
0xa4: {  	s0 =	stileid.u32;
	[bflag:$0x2] =	sbarrier.arrive $0xFFFF  }
0xa5: {  	p0 =	sne.s32 s0, $0x0;
	s0 =	rddreg [dreg:$0x2]  }
0xa6: {  	s0 =	sadd.s32 @!p0 $0x100000, s0  }
0xa7: {  	[sflag:s0] =	ssyncadd.tile.s32 @!p0 $0x1;
	_ =	shalt  }
.Lfunc_end2:
_tile_overlayer_lowered:
.L_overlay_start_2:
0xa8: {  	(tag) =	ssettag $0x2  }
0xa9: {  	s0 =	rddreg [dreg:$0x0];
	s2 =	stileid.u32  }
0xaa: {  	s1 =	rddreg [dreg:$0x1];
	p0 =	sne.s32 s2, $0x0  }
0xab: {  	s3 =	rddreg [dreg:$0x2];
	[bflag:$0x3] =	sbarrier.arrive $0xFFFF;
	s2 =	simm.s32 @!p0 $0x1C09  }
0xac: {  	[timem:s3], [sflag:s2] =	dma.local @!p0 [hbm:s0], s1  }
0xad: {  	s0 =	simm.s32 @!p0 $0x9  }
0xae: {  	_ =	swait.ge @!p0 [sflag:s0], s1  }
0xaf: {  	s1 =	ssub.s32 @!p0 $0x0, s1;
	[sflag:s0] =	ssyncset.done @!p0 $0x0  }
0xb0: {  	[sflag:s0] =	ssyncadd.s32 @!p0 s1  }
0xb1: {  	[bflag:$0x3] =	sbarrier.arrive $0xFFFF  }
0xb2: {  	_ =	shalt  }

// kernel: kernel.15.cloned.1.call-start
scs
__scs_entry_jumppad:
0x0: {  	(pc) =	sbr.rel $0x88, $3  }
0x1: {  	(tag) =	ssettag $0x0;
	lr =	simm.s32 $0x1  }
0x2: {  	[smem:$0x3F91] =	sst lr;
	_ =	strace $0xD0000000  }
0x3: {  	_ = 	snop  }
0x4: {  	_ = 	snop  }
0x5: {  	_ = 	snop  }
0x6: {  	_ = 	snop  }
0x7: {  	_ = 	snop  }
__scs_overlays_trampoline_lowered:
0x8: {  	[smem:$0x3FA0] =	sst s0  }
0x9: {  	[smem:$0x3FA1] =	sst s1  }
0xa: {  	[smem:$0x3FA2] =	sst s2  }
0xb: {  	[smem:$0x3FA3] =	sst s3  }
0xc: {  	[smem:$0x3FA4] =	sst s4  }
0xd: {  	[smem:$0x3FA5] =	sst s5  }
0xe: {  	[smem:$0x3FA6] =	sst s6  }
0xf: {  	[smem:$0x3FA7] =	sst s7  }
0x10: {  	[smem:$0x3FA8] =	sst s8  }
0x11: {  	[smem:$0x3FA9] =	sst s9;
	s0 =	simm.s32 @!p0 $0x0  }
0x12: {  	s1 =	sld [smem:$0x3F8F];
	s0 =	simm.s32 @p0 $0x1  }
0x13: {  	[smem:$0x3FAA] =	sst s0;
	s0 =	simm.s32 @!p1 $0x0  }
0x14: {  	s2 =	sld [smem:$0x3F8E];
	s0 =	simm.s32 @p1 $0x1  }
0x15: {  	[smem:$0x3FAB] =	sst s0;
	s0 =	simm.s32 @!p2 $0x0  }
0x16: {  	s3 =	sld [smem:$0x3FDB];
	s0 =	simm.s32 @p2 $0x1  }
0x17: {  	s4 =	simm.s32 $0x1BF5;
	[smem:$0x3FAD] =	sst s0  }
0x18: {  	s0 =	sld [smem:$0x3F90];
	_ =	swait.ge [sflag:s4], $0x0  }
0x19: {  	s7 =	sld [smem:$0x3F91]  }
0x1a: {  	s8 =	sadd.s32 $0xFFFFE003, lr  }
0x1b: {  	s9 =	sadd.s32 $0xFFFFFEF7, lr;
	s5 =	simm.s32 $0xFFFFFFFF;
	p2 =	slt.u32 s8, $0xFFFFF086  }
0x1c: {  	p1 =	slt.u32 s9, $0xF7A;
	s5 =	simm.s32 @!p2 $0x0  }
0x1d: {  	s5 =	simm.s32 @p1 $0x1;
	p0 =	seq.s32 s7, s2  }
0x1e: {  	s7 =	smul.u32 @!p0 $0xF7A, s2;
	p2 =	seq.s32 @!p0 s5, $0x0  }
0x1f: {  	s9 =	smul.u32 $0xF7A, s1;
	s8 =	simm.s32 @!p0 $0x1BF5;
	p2 =	por !p2, p0  }
0x20: {  	[sflag:s8] =	ssyncset.s32 @!p0 $0xFFFFF086;
	s6 =	sadd.s32 @!p0 s3, s7;
	s7 =	simm.s32 @!p0 $0x108  }
0x21: {  	s3 =	sadd.s32 s3, s9;
	s6 =	sadd.s32 @!p0 $0x88, s6;
	s7 =	simm.s32 @p2 $0x1082  }
0x22: {  	[simem:s7], [sflag:s8] =	dma.local @!p0 [hbm:s6], $0xF7A  }
0x23: {  	s9 =	sor.u32 $0xD0000000, s2;
	s6 =	simm.s32 $0x108;
	_ =	swait.ge @!p0 [sflag:s8], $0x0  }
0x24: {  	s3 =	sadd.s32 $0x88, s3;
	s6 =	simm.s32 @!p1 $0x1082;
	[sflag:s4] =	ssyncset.s32 $0xFFFFF086  }
0x25: {  	[simem:s6], [sflag:s4] =	dma.local [hbm:s3], $0xF7A  }
0x26: {  	[smem:$0x3F91] =	sst s1;
	(tag) =	ssettag s2;
	_ =	strace s9  }
0x27: {  	s1 =	sld [smem:$0x3FA1]  }
0x28: {  	s2 =	sld [smem:$0x3FA2]  }
0x29: {  	s4 =	sld [smem:$0x3FA4]  }
0x2a: {  	p0 =	seq.s32 s5, $0x0;
	s5 =	sld [smem:$0x3FA5]  }
0x2b: {  	s6 =	sld [smem:$0x3FA6]  }
0x2c: {  	s7 =	sld [smem:$0x3FA7]  }
0x2d: {  	s3 =	simm.s32 $0x108;
	s8 =	sld [smem:$0x3FA8]  }
0x2e: {  	s3 =	simm.s32 @!p0 $0x1082;
	s9 =	sld [smem:$0x3FA9]  }
0x2f: {  	lr =	sadd.s32 s0, s3;
	s0 =	sld [smem:$0x3FA0]  }
0x30: {  	s3 =	sld [smem:$0x3FA3]  }
0x31: {  	[smem:$0x3FAC] =	sst s10  }
0x32: {  	s10 =	sld [smem:$0x3FAA];
	_ =	sdelay $0x3  }
0x33: {  	p0 =	seq.s32 s10, $0x1;
	s10 =	sld [smem:$0x3FAC];
	_ =	sdelay $0x3  }
0x34: {  	[smem:$0x3FAC] =	sst s10  }
0x35: {  	s10 =	sld [smem:$0x3FAB];
	_ =	sdelay $0x3  }
0x36: {  	p1 =	seq.s32 s10, $0x1;
	s10 =	sld [smem:$0x3FAC];
	_ =	sdelay $0x3  }
0x37: {  	[smem:$0x3FAC] =	sst s10  }
0x38: {  	s10 =	sld [smem:$0x3FAD]  }
0x39: {  	_ = 	snop;
	(pc) =	sbr.ind lr, $3  }
0x3a: {  	_ = 	snop  }
0x3b: {  	_ = 	snop  }
0x3c: {  	p2 =	seq.s32 s10, $0x1;
	s10 =	sld [smem:$0x3FAC]  }
0x3d: {  	_ =	shalt  }
0x3e: {  	_ =	shalt  }
0x3f: {  	_ =	shalt  }
0x40: {  	_ =	shalt  }
0x41: {  	_ =	shalt  }
0x42: {  	_ =	shalt  }
0x43: {  	_ =	shalt  }
0x44: {  	_ =	shalt  }
0x45: {  	_ =	shalt  }
0x46: {  	_ =	shalt  }
0x47: {  	_ =	shalt  }
0x48: {  	_ =	shalt  }
0x49: {  	_ =	shalt  }
0x4a: {  	_ =	shalt  }
0x4b: {  	_ =	shalt  }
0x4c: {  	_ =	shalt  }
0x4d: {  	_ =	shalt  }
0x4e: {  	_ =	shalt  }
0x4f: {  	_ =	shalt  }
0x50: {  	_ =	shalt  }
0x51: {  	_ =	shalt  }
0x52: {  	_ =	shalt  }
0x53: {  	_ =	shalt  }
0x54: {  	_ =	shalt  }
0x55: {  	_ =	shalt  }
0x56: {  	_ =	shalt  }
0x57: {  	_ =	shalt  }
0x58: {  	_ =	shalt  }
0x59: {  	_ =	shalt  }
0x5a: {  	_ =	shalt  }
0x5b: {  	_ =	shalt  }
0x5c: {  	_ =	shalt  }
0x5d: {  	_ =	shalt  }
0x5e: {  	_ =	shalt  }
0x5f: {  	_ =	shalt  }
0x60: {  	_ =	shalt  }
0x61: {  	_ =	shalt  }
0x62: {  	_ =	shalt  }
0x63: {  	_ =	shalt  }
0x64: {  	_ =	shalt  }
0x65: {  	_ =	shalt  }
0x66: {  	_ =	shalt  }
0x67: {  	_ =	shalt  }
0x68: {  	_ =	shalt  }
0x69: {  	_ =	shalt  }
0x6a: {  	_ =	shalt  }
0x6b: {  	_ =	shalt  }
0x6c: {  	_ =	shalt  }
0x6d: {  	_ =	shalt  }
0x6e: {  	_ =	shalt  }
0x6f: {  	_ =	shalt  }
0x70: {  	_ =	shalt  }
0x71: {  	_ =	shalt  }
0x72: {  	_ =	shalt  }
0x73: {  	_ =	shalt  }
0x74: {  	_ =	shalt  }
0x75: {  	_ =	shalt  }
0x76: {  	_ =	shalt  }
0x77: {  	_ =	shalt  }
0x78: {  	_ =	shalt  }
0x79: {  	_ =	shalt  }
0x7a: {  	_ =	shalt  }
0x7b: {  	_ =	shalt  }
0x7c: {  	_ =	shalt  }
0x7d: {  	_ =	shalt  }
0x7e: {  	_ =	shalt  }
0x7f: {  	_ =	shalt  }
0x80: {  	_ =	shalt  }
0x81: {  	_ =	shalt  }
0x82: {  	_ =	shalt  }
0x83: {  	_ =	shalt  }
0x84: {  	_ =	shalt  }
0x85: {  	_ =	shalt  }
0x86: {  	_ =	shalt  }
0x87: {  	_ =	shalt  }
.Lfunc_end0:
.L_simem_size_0:
called_computation.2_lowered:
.L_overlay_start_0:
0x88: {  	s2 =	sld [smem:$0x3FD9]  }
0x89: {  	s3 =	sld [smem:$0x3FFE];
	_ =	sdelay $0x1  }
0x8a: {  	s1 =	srdreg.scid  }
0x8b: {  	s0 =	sand.u32 $0x1, s1  }
0x8c: {  	s16 =	sshll.u32 s0, $0xA;
	s2 =	sadd.s32 s3, s2  }
0x8d: {  	s2 =	sadd.s32 s2, s16  }
0x8e: {  	[smem:$0x3FB8] =	sst s2  }
0x8f: {  	_ = 	snop  }
0x90: {  	(tm) =	ssettm $0x1  }
0x91: {  	s17 =	sld [smem:$0x3FFB];
	_ =	sdelay $0x3  }
0x92: {  	_ =	strace s17  }
0x93: {  	s2 =	sld [smem:$0x3FFC];
	_ =	sdelay $0x3  }
0x94: {  	_ =	strace s2  }
0x95: {  	s2 =	sld [smem:$0x3FFD];
	_ =	sdelay $0x3  }
0x96: {  	_ =	strace s2  }
0x97: {  	_ =	strace $0x8FFFFFFF  }
0x98: {  	s18 =	sld [smem:$0x3FDB];
	_ =	sdelay $0x1  }
0x99: {  	s19 =	simm.s32 $_scs_section_size  }
0x9a: {  	s4 =	simm.s32 $_size__tile_overlayer_lowered;
	s5 =	simm.s32 $_tile_overlayer_lowered  }
0x9b: {  	s22 =	simm.s32 $0x1BFF;
	s21 =	sshll.u32 s5, $0x1;
	s2 =	sadd.s32 s19, s18  }
0x9c: {  	s6 =	simm.s32 $0x0;
	s20 =	sshll.u32 s4, $0x1;
	s4 =	sadd.s32 s21, s2  }
0x9d: {  	[timem:s6], [sflag:s22] =	dma.local [hbm:s4], s20  }
0x9e: {  	_ =	swait.ge [sflag:s22], s20  }
0x9f: {  	s3 =	ssub.s32 $0x0, s20;
	[sflag:s22] =	ssyncset.done $0x0  }
0xa0: {  	[sflag:s22] =	ssyncadd.s32 s3;
	_ =	sdelay $0x1  }
0xa1: {  	s23 =	simm.s32 $0x1B8B  }
0xa2: {  	_ =	swait.ge [sflag:s23], $0x1  }
0xa3: {  	[sflag:s23] =	ssyncset.done $0x0  }
0xa4: {  	s25 =	simm.s32 $0x1B8E;
	s24 =	sld [smem:$0x3FFE];
	[sflag:s23] =	ssyncadd.s32 $0xFFFFFFFF  }
0xa5: {  	s26 =	simm.s32 $execute0_lowered;
	[smem:$0x3FD2] =	sst s25  }
0xa6: {  	s4 =	sshll.u32 s26, $0x1;
	_ =	strace $0x8000004C;
	[dreg:$0x1] =	wrdreg $0xFFFFFFFF  }
0xa7: {  	s28 =	simm.s32 $_size_execute0_lowered;
	s2 =	sadd.s32 s2, s4;
	[dreg:$0x0] =	wrdreg $0x0  }
0xa8: {  	s4 =	sshll.u32 s28, $0x1;
	[dreg:$0x2] =	wrdreg s2  }
0xa9: {  	[dreg:$0x3] =	wrdreg s4  }
0xaa: {  	[dreg:$0x4] =	wrdreg $0xC0  }
0xab: {  	_ =	task [dreg:s6], $0x5FFFF  }
0xac: {  	[dreg:$0x1] =	wrdreg $0xFFFFFFFF  }
0xad: {  	[dreg:$0x0] =	wrdreg $0x60  }
0xae: {  	[dreg:$0x2] =	wrdreg s24  }
0xaf: {  	[dreg:$0x3] =	wrdreg $0xCE200  }
0xb0: {  	[dreg:$0x4] =	wrdreg $0x9  }
0xb1: {  	_ =	task.clear_ibuf [dreg:s6], $0x5FFFF;
	_ =	strace $0x9000004C  }
0xb2: {  	s29 =	simm.s32 $0x9;
	_ =	strace $0x8000004E  }
0xb3: {  	_ =	swait.ge [sflag:s29], $0x1  }
0xb4: {  	[sflag:s29] =	ssyncadd.s32 $0xFFFFFFFF  }
0xb5: {  	_ =	strace $0x9000004E  }
0xb6: {  	_ =	sfence  }
0xb7: {  	s30 =	sld [smem:$0x0];
	_ =	sdelay $0x2  }
0xb8: {  	s31 =	sshll.u32 s1, $0xD;
	s1 =	sshrl.u32 s1, $0x2  }
0xb9: {  	s3 =	sand.u32 $0x4000, s31;
	s1 =	sadd.s32 s1, s30  }
0xba: {  	s0 =	sor.u32 s3, s0;
	s1 =	sshll.u32 s1, $0x11  }
0xbb: {  	s0 =	sor.u32 s1, s0  }
0xbc: {  	s0 =	sadd.s32 $0x8F2B, s0  }
0xbd: {  	[sflag:s0] =	ssyncadd.remote.s32 $0x1  }
0xbe: {  	_ =	sfence.sel $0xFFFF  }
0xbf: {  	[dreg:$0x0] =	wrdreg $0xFFFFFFFF;
	(pc) =	sbr.abs _section_cstart, $3  }
0xc0: {  	[dreg:$0x1] =	wrdreg $0xFFFFFFFF  }
0xc1: {  	_ =	task.clear_ibuf [dreg:s6], $0x2FFFF;
	_ =	strace $0x9FFFFFFF  }
0xc2: {  	(tm) =	ssettm $0x7FFFFFFF  }
0xc3: {  	_ =	shalt  }
tec
execute0_lowered:
.L_overlay_start_1:
0x0: {  	(tag) =	ssettag $0x1  }
0x1: {  	s0 =	srdreg.scid;
	s5 =	rddreg [dreg:$0x0]  }
0x2: {  	s9 =	stileid.u32;
	s2 =	rddreg [dreg:$0x1];
	s3 =	simm.s32 $0x0  }
0x3: {  	s14 =	simm.s32 $0x2;
	s15 =	simm.s32 $0x3;
	s16 =	simm.s32 $0x1  }
0x4: {  	s17 =	simm.s32 $0x80;
	s18 =	simm.s32 $0x4E20;
	s19 =	simm.s32 $0x6E20  }
0x5: {  	s21 =	simm.s32 $0x8E20;
	s23 =	simm.s32 $0xAE20;
	s24 =	simm.s32 $0x5  }
0x6: {  	s25 =	simm.s32 $0x6;
	s26 =	simm.s32 $0x7;
	s28 =	simm.s32 $0x4  }
0x7: {  	s29 =	simm.s32 $0x8;
	s31 =	simm.s32 $0x10;
	s13 =	simm.s32 $0x9  }
0x8: {  	s20 =	simm.s32 $0x0;
	s0 =	sand.u32 $0x1, s0;
	s1 =	sshll.u32 s9, $0x1  }
0x9: {  	s6 =	smul.u32 $0x9C40, s9;
	[smem:$0x7FF] =	sst s3;
	s4 =	sadd.s32 $0x17C00, s5  }
0xa: {  	s1 =	sor.u32 s0, s1;
	s7 =	smul.u32 $0x9C400, s0;
	_ =	strace $0x8000004D  }
0xb: {  	s0 =	ssub.s32 $0x2, s0;
	s1 =	smul.u32 $0x2710, s1;
	s8 =	sshrl.u32 s6, $0x3  }
0xc: {  	s30 =	sshrl.u32 s0, $0x1;
	s12 =	sadd.s32 s6, s2;
	s7 =	sadd.s32 s6, s7  }
0xd: {  	s8 =	sadd.s32 s8, s5;
	s0 =	ssub.s32 s0, s30;
	s12 =	sshrl.u32 s12, $0x3  }
0xe: {  	s1 =	sshrl.u32 s1, $0x3;
	s7 =	sshrl.u32 s7, $0x3;
	s6 =	sadd.s32 $0x2B600, s8  }
0xf: {  	s1 =	sadd.s32 s1, s5;
	s10 =	sadd.s32 s7, s5;
	s5 =	sshll.u32 s9, $0x6  }
0x10: {  	s11 =	smax.u32 s0, $0x1;
	s0 =	simm.s32 $0x4E10;
	s7 =	sor.u32 $0x1C01, s5  }
0x11: {  	s8 =	sadd.s32 $0x4200, s1;
	s9 =	sadd.s32 $0xDE40, s1;
	s10 =	sadd.s32 $0x3F000, s10  }
.LBB2_1:
0x12: {  	[spmem:s12], [sflag:s7] =	dma.local [hbm:s6], $0x1388  }
0x13: {  	[tilespmem:s3], [sflag:$0x2] =	stream.linear.gather [hbm4b:s8+s3], $0x2710, $0x38;
	[tilespmem:$0x16A60] =	vst v63  }
0x14: {  	s1 =	simm.s32 $0x2710  }
0x15: {  	[tilespmem:s1], [sflag:$0x3] =	stream.linear.gather [hbm4b:s9+s3], $0x2710, $0x38;
	[tilespmem:$0x16A60] =	vst v63  }
0x16: {  	_ =	swait.ge [sflag:s14], $0x2710  }
0x17: {  	[sflag:s14] =	ssyncset.done $0x0  }
0x18: {  	[sflag:s14] =	ssyncadd.s32 $0xFFFFD8F0  }
0x19: {  	_ =	swait.ge [sflag:s15], $0x2710  }
0x1a: {  	[sflag:s15] =	ssyncset.done $0x0  }
0x1b: {  	[sflag:s15] =	ssyncadd.s32 $0xFFFFD8F0  }
0x1c: {  	_ =	swait.ge [sflag:s16], $0x1388  }
0x1d: {  	[sflag:s16] =	ssyncset.done $0x0  }
0x1e: {  	[sflag:s16] =	ssyncadd.s32 $0xFFFFEC78  }
0x1f: {  	[bflag:$0x0] =	sbarrier.arrive $0xFFFF  }
0x20: {  	[tilespmem:s18], [sflag:$0x1] =	stream.indirect.gather [hbm4b:s4+s17], $0x40, s3, s17, $0xb8;
	[tilespmem:$0x16A60] =	vst v63  }
0x21: {  	_ = 	snop  }
0x22: {  	[tilespmem:s19], [sflag:$0x2] =	stream.indirect.gather [hbm4b:s4+s17], $0x40, s17, s17, $0xb8;
	[tilespmem:$0x16A60] =	vst v63  }
0x23: {  	s22 =	simm.s32 $0x100  }
0x24: {  	[tilespmem:s21], [sflag:$0x3] =	stream.indirect.gather [hbm4b:s4+s17], $0x40, s22, s17, $0xb8;
	[tilespmem:$0x16A60] =	vst v63  }
0x25: {  	s22 =	simm.s32 $0x180  }
0x26: {  	[tilespmem:s23], [sflag:$0x4] =	stream.indirect.gather [hbm4b:s4+s17], $0x40, s22, s17, $0xb8;
	[tilespmem:$0x16A60] =	vst v63  }
0x27: {  	_ =	swait.ge [sflag:s16], $0x2000  }
0x28: {  	[sflag:s16] =	ssyncset.done $0x0  }
0x29: {  	s22 =	simm.s32 $0x2710;
	[sflag:s16] =	ssyncadd.s32 $0xFFFFE000  }
0x2a: {  	[spmem:s2] =	stream.indirect.scatter.add.f32 [tilespmem:s18], [sflag:$0x5], $0x40, s22, s17, $0xb8;
	[tilespmem:$0x16A60] =	vst v63  }
0x2b: {  	_ =	swait.ge [sflag:s24], $0x2000  }
0x2c: {  	[sflag:s24] =	ssyncset.done $0x0  }
0x2d: {  	s1 =	simm.s32 $0x200;
	[sflag:s24] =	ssyncadd.s32 $0xFFFFE000  }
0x2e: {  	[tilespmem:s18], [sflag:$0x1] =	stream.indirect.gather [hbm4b:s4+s17], $0x40, s1, s17, $0xb8;
	[tilespmem:$0x16A60] =	vst v63  }
0x2f: {  	_ =	swait.ge [sflag:s14], $0x2000  }
0x30: {  	[sflag:s14] =	ssyncset.done $0x0  }
0x31: {  	s1 =	simm.s32 $0x2790;
	[sflag:s14] =	ssyncadd.s32 $0xFFFFE000  }
0x32: {  	[spmem:s2] =	stream.indirect.scatter.add.f32 [tilespmem:s19], [sflag:$0x6], $0x40, s1, s17, $0xb8;
	[tilespmem:$0x16A60] =	vst v63  }
0x33: {  	_ =	swait.ge [sflag:s25], $0x2000  }
0x34: {  	[sflag:s25] =	ssyncset.done $0x0  }
0x35: {  	s1 =	simm.s32 $0x280;
	[sflag:s25] =	ssyncadd.s32 $0xFFFFE000  }
0x36: {  	[tilespmem:s19], [sflag:$0x2] =	stream.indirect.gather [hbm4b:s4+s17], $0x40, s1, s17, $0xb8;
	[tilespmem:$0x16A60] =	vst v63  }
0x37: {  	_ =	swait.ge [sflag:s15], $0x2000  }
0x38: {  	[sflag:s15] =	ssyncset.done $0x0  }
0x39: {  	s1 =	simm.s32 $0x2810;
	[sflag:s15] =	ssyncadd.s32 $0xFFFFE000  }
0x3a: {  	[spmem:s2] =	stream.indirect.scatter.add.f32 [tilespmem:s21], [sflag:$0x7], $0x40, s1, s17, $0xb8;
	[tilespmem:$0x16A60] =	vst v63  }
0x3b: {  	_ =	swait.ge [sflag:s26], $0x2000  }
0x3c: {  	[sflag:s26] =	ssyncset.done $0x0  }
0x3d: {  	s1 =	simm.s32 $0x300;
	[sflag:s26] =	ssyncadd.s32 $0xFFFFE000  }
0x3e: {  	[tilespmem:s21], [sflag:$0x3] =	stream.indirect.gather [hbm4b:s4+s17], $0x40, s1, s17, $0xb8;
	[tilespmem:$0x16A60] =	vst v63  }
0x3f: {  	_ =	swait.ge [sflag:s28], $0x2000  }
0x40: {  	[sflag:s28] =	ssyncset.done $0x0  }
0x41: {  	s1 =	simm.s32 $0x2890;
	[sflag:s28] =	ssyncadd.s32 $0xFFFFE000  }
0x42: {  	[spmem:s2] =	stream.indirect.scatter.add.f32 [tilespmem:s23], [sflag:$0x8], $0x40, s1, s17, $0xb8;
	[tilespmem:$0x16A60] =	vst v63  }
0x43: {  	_ =	swait.ge [sflag:s29], $0x2000  }
0x44: {  	[sflag:s29] =	ssyncset.done $0x0  }
0x45: {  	s30 =	simm.s32 $0x380;
	s22 =	simm.s32 $0x800;
	[sflag:s29] =	ssyncadd.s32 $0xFFFFE000  }
.LBB2_2:
0x46: {  	[tilespmem:s23], [sflag:$0x4] =	stream.indirect.gather [hbm4b:s4+s17], $0x40, s30, s17, $0xb8;
	[tilespmem:$0x16A60] =	vst v63  }
0x47: {  	s30 =	smov.u32 s22  }
0x48: {  	p0 =	sne.s32 s22, $0x8800;
	s22 =	sadd.s32 $0x800, s22;
	_ =	swait.ge [sflag:s16], $0x2000  }
0x49: {  	s30 =	sshra.s32 s30, $0x2;
	[sflag:s16] =	ssyncset.done $0x0  }
0x4a: {  	s1 =	sadd.s32 $0x2710, s30;
	[sflag:s16] =	ssyncadd.s32 $0xFFFFE000  }
0x4b: {  	[spmem:s2] =	stream.indirect.scatter.add.f32 [tilespmem:s18], [sflag:$0x5], $0x40, s1, s17, $0xb8;
	[tilespmem:$0x16A60] =	vst v63  }
0x4c: {  	_ =	swait.ge [sflag:s24], $0x2000  }
0x4d: {  	[sflag:s24] =	ssyncset.done $0x0  }
0x4e: {  	s1 =	sadd.s32 $0x200, s30;
	[sflag:s24] =	ssyncadd.s32 $0xFFFFE000  }
0x4f: {  	[tilespmem:s18], [sflag:$0x1] =	stream.indirect.gather [hbm4b:s4+s17], $0x40, s1, s17, $0xb8;
	[tilespmem:$0x16A60] =	vst v63  }
0x50: {  	_ =	swait.ge [sflag:s14], $0x2000  }
0x51: {  	[sflag:s14] =	ssyncset.done $0x0  }
0x52: {  	s1 =	sadd.s32 $0x2790, s30;
	[sflag:s14] =	ssyncadd.s32 $0xFFFFE000  }
0x53: {  	[spmem:s2] =	stream.indirect.scatter.add.f32 [tilespmem:s19], [sflag:$0x6], $0x40, s1, s17, $0xb8;
	[tilespmem:$0x16A60] =	vst v63  }
0x54: {  	_ =	swait.ge [sflag:s25], $0x2000  }
0x55: {  	[sflag:s25] =	ssyncset.done $0x0  }
0x56: {  	s1 =	sadd.s32 $0x280, s30;
	[sflag:s25] =	ssyncadd.s32 $0xFFFFE000  }
0x57: {  	[tilespmem:s19], [sflag:$0x2] =	stream.indirect.gather [hbm4b:s4+s17], $0x40, s1, s17, $0xb8;
	[tilespmem:$0x16A60] =	vst v63  }
0x58: {  	_ =	swait.ge [sflag:s15], $0x2000  }
0x59: {  	[sflag:s15] =	ssyncset.done $0x0  }
0x5a: {  	s1 =	sadd.s32 $0x2810, s30;
	[sflag:s15] =	ssyncadd.s32 $0xFFFFE000  }
0x5b: {  	[spmem:s2] =	stream.indirect.scatter.add.f32 [tilespmem:s21], [sflag:$0x7], $0x40, s1, s17, $0xb8;
	[tilespmem:$0x16A60] =	vst v63  }
0x5c: {  	_ =	swait.ge [sflag:s26], $0x2000  }
0x5d: {  	[sflag:s26] =	ssyncset.done $0x0  }
0x5e: {  	s1 =	sadd.s32 $0x300, s30;
	[sflag:s26] =	ssyncadd.s32 $0xFFFFE000  }
0x5f: {  	[tilespmem:s21], [sflag:$0x3] =	stream.indirect.gather [hbm4b:s4+s17], $0x40, s1, s17, $0xb8;
	[tilespmem:$0x16A60] =	vst v63  }
0x60: {  	_ =	swait.ge [sflag:s28], $0x2000  }
0x61: {  	[sflag:s28] =	ssyncset.done $0x0  }
.Ltmp0:
0x62: {  	s1 =	sadd.s32 $0x2890, s30;
	[sflag:s28] =	ssyncadd.s32 $0xFFFFE000;
	(pc) =	sbr.rel @p0 .LBB2_2-.Ltmp0, $4  }
0x63: {  	[spmem:s2] =	stream.indirect.scatter.add.f32 [tilespmem:s23], [sflag:$0x8], $0x40, s1, s17, $0xb8;
	[tilespmem:$0x16A60] =	vst v63  }
0x64: {  	_ =	swait.ge [sflag:s29], $0x2000  }
0x65: {  	[sflag:s29] =	ssyncset.done $0x0  }
0x66: {  	s30 =	sadd.s32 $0x380, s30;
	[sflag:s29] =	ssyncadd.s32 $0xFFFFE000  }
0x67: {  	[tilespmem:s23], [sflag:$0x4] =	stream.indirect.gather [hbm4b:s4+s17], $0x40, s30, s17, $0xb8;
	[tilespmem:$0x16A60] =	vst v63  }
0x68: {  	_ =	swait.ge [sflag:s16], $0x2000  }
0x69: {  	[sflag:s16] =	ssyncset.done $0x0  }
0x6a: {  	s1 =	simm.s32 $0x4B10;
	[sflag:s16] =	ssyncadd.s32 $0xFFFFE000  }
0x6b: {  	[spmem:s2] =	stream.indirect.scatter.add.f32 [tilespmem:s18], [sflag:$0x5], $0x40, s1, s17, $0xb8;
	[tilespmem:$0x16A60] =	vst v63  }
0x6c: {  	_ =	swait.ge [sflag:s24], $0x2000  }
0x6d: {  	[sflag:s24] =	ssyncset.done $0x0  }
0x6e: {  	s30 =	simm.s32 $0x2600;
	[sflag:s24] =	ssyncadd.s32 $0xFFFFE000  }
0x6f: {  	[tilespmem:s18], [sflag:$0x1] =	stream.indirect.gather [hbm4b:s4+s17], $0x40, s30, s17, $0xb8;
	[tilespmem:$0x16A60] =	vst v63  }
0x70: {  	_ =	swait.ge [sflag:s14], $0x2000  }
0x71: {  	[sflag:s14] =	ssyncset.done $0x0  }
0x72: {  	s22 =	simm.s32 $0x4B90;
	[sflag:s14] =	ssyncadd.s32 $0xFFFFE000  }
0x73: {  	[spmem:s2] =	stream.indirect.scatter.add.f32 [tilespmem:s19], [sflag:$0x6], $0x40, s22, s17, $0xb8;
	[tilespmem:$0x16A60] =	vst v63  }
0x74: {  	_ =	swait.ge [sflag:s25], $0x2000  }
0x75: {  	[sflag:s25] =	ssyncset.done $0x0  }
0x76: {  	s30 =	simm.s32 $0x2680;
	[sflag:s25] =	ssyncadd.s32 $0xFFFFE000  }
0x77: {  	[tilespmem:s19], [sflag:$0x2] =	stream.indirect.gather [hbm4b:s4+s17], $0x40, s30, s17, $0xb8;
	[tilespmem:$0x16A60] =	vst v63  }
0x78: {  	_ =	swait.ge [sflag:s15], $0x2000  }
0x79: {  	[sflag:s15] =	ssyncset.done $0x0  }
0x7a: {  	s22 =	simm.s32 $0x4C10;
	[sflag:s15] =	ssyncadd.s32 $0xFFFFE000  }
0x7b: {  	[spmem:s2] =	stream.indirect.scatter.add.f32 [tilespmem:s21], [sflag:$0x7], $0x40, s22, s17, $0xb8;
	[tilespmem:$0x16A60] =	vst v63  }
0x7c: {  	_ =	swait.ge [sflag:s26], $0x2000  }
0x7d: {  	[sflag:s26] =	ssyncset.done $0x0  }
0x7e: {  	[sflag:s26] =	ssyncadd.s32 $0xFFFFE000  }
0x7f: {  	_ =	swait.ge [sflag:s28], $0x2000  }
0x80: {  	[sflag:s28] =	ssyncset.done $0x0  }
0x81: {  	s30 =	simm.s32 $0x4C90;
	[sflag:s28] =	ssyncadd.s32 $0xFFFFE000  }
0x82: {  	[spmem:s2] =	stream.indirect.scatter.add.f32 [tilespmem:s23], [sflag:$0x8], $0x40, s30, s17, $0xb8;
	[tilespmem:$0x16A60] =	vst v63  }
0x83: {  	_ =	swait.ge [sflag:s29], $0x2000  }
0x84: {  	[sflag:s29] =	ssyncset.done $0x0  }
0x85: {  	[sflag:s29] =	ssyncadd.s32 $0xFFFFE000  }
0x86: {  	_ =	swait.ge [sflag:s16], $0x2000  }
0x87: {  	[sflag:s16] =	ssyncset.done $0x0  }
0x88: {  	s22 =	simm.s32 $0x4D10;
	[sflag:s16] =	ssyncadd.s32 $0xFFFFE000  }
0x89: {  	[spmem:s2] =	stream.indirect.scatter.add.f32 [tilespmem:s18], [sflag:$0x5], $0x40, s22, s17, $0xb8;
	[tilespmem:$0x16A60] =	vst v63  }
0x8a: {  	_ =	swait.ge [sflag:s24], $0x2000  }
0x8b: {  	[sflag:s24] =	ssyncset.done $0x0  }
0x8c: {  	[sflag:s24] =	ssyncadd.s32 $0xFFFFE000  }
0x8d: {  	_ =	swait.ge [sflag:s14], $0x2000  }
0x8e: {  	[sflag:s14] =	ssyncset.done $0x0  }
0x8f: {  	s30 =	simm.s32 $0x4D90;
	[sflag:s14] =	ssyncadd.s32 $0xFFFFE000  }
0x90: {  	[spmem:s2] =	stream.indirect.scatter.add.f32 [tilespmem:s19], [sflag:$0x6], $0x40, s30, s17, $0xb8;
	[tilespmem:$0x16A60] =	vst v63  }
0x91: {  	_ =	swait.ge [sflag:s25], $0x2000  }
0x92: {  	[sflag:s25] =	ssyncset.done $0x0  }
0x93: {  	s22 =	simm.s32 $0x2700;
	[sflag:s25] =	ssyncadd.s32 $0xFFFFE000  }
0x94: {  	[tilespmem:s18], [sflag:$0x1] =	stream.indirect.gather [hbm4b:s4+s31], $0x40, s22, s31, $0xb8;
	[tilespmem:$0x16A60] =	vst v63  }
0x95: {  	_ =	swait.ge [sflag:s16], $0x400  }
0x96: {  	[sflag:s16] =	ssyncset.done $0x0  }
0x97: {  	[sflag:s16] =	ssyncadd.s32 $0xFFFFFC00  }
0x98: {  	[spmem:s2] =	stream.indirect.scatter.add.f32 [tilespmem:s18], [sflag:$0x5], $0x40, s0, s31, $0xb8;
	[tilespmem:$0x16A60] =	vst v63  }
0x99: {  	_ =	swait.ge [sflag:s24], $0x400  }
0x9a: {  	s20 =	sadd.s32 $0x1, s20;
	[sflag:s24] =	ssyncset.done $0x0  }
0x9b: {  	p0 =	sne.s32 s20, s11;
	[sflag:s24] =	ssyncadd.s32 $0xFFFFFC00  }
.Ltmp1:
0x9c: {  	s30 =	sor.u32 $0x1C09, s5;
	[bflag:$0x0] =	sbarrier.arrive $0xFFFF;
	(pc) =	sbr.rel @p0 .LBB2_1-.Ltmp1, $4  }
0x9d: {  	[hbm:s10], [sflag:s30] =	dma.local [spmem:s12], $0x1388  }
0x9e: {  	_ =	swait.ge [sflag:s13], $0x1388  }
0x9f: {  	[sflag:s13] =	ssyncset.done $0x0  }
0xa0: {  	[sflag:s13] =	ssyncadd.s32 $0xFFFFEC78  }
0xa1: {  	_ =	sfence.sel $0x180000  }
0xa2: {  	[bflag:$0x0] =	sbarrier.arrive $0xFFFF  }
0xa3: {  	_ =	strace $0x9000004D  }
0xa4: {  	s0 =	stileid.u32;
	[bflag:$0x2] =	sbarrier.arrive $0xFFFF  }
0xa5: {  	p0 =	sne.s32 s0, $0x0;
	s0 =	rddreg [dreg:$0x2]  }
0xa6: {  	s0 =	sadd.s32 @!p0 $0x100000, s0  }
0xa7: {  	[sflag:s0] =	ssyncadd.tile.s32 @!p0 $0x1;
	_ =	shalt  }
.Lfunc_end2:
_tile_overlayer_lowered:
.L_overlay_start_2:
0xa8: {  	(tag) =	ssettag $0x2  }
0xa9: {  	s0 =	rddreg [dreg:$0x0];
	s2 =	stileid.u32  }
0xaa: {  	s1 =	rddreg [dreg:$0x1];
	p0 =	sne.s32 s2, $0x0  }
0xab: {  	s3 =	rddreg [dreg:$0x2];
	[bflag:$0x3] =	sbarrier.arrive $0xFFFF;
	s2 =	simm.s32 @!p0 $0x1C09  }
0xac: {  	[timem:s3], [sflag:s2] =	dma.local @!p0 [hbm:s0], s1  }
0xad: {  	s0 =	simm.s32 @!p0 $0x9  }
0xae: {  	_ =	swait.ge @!p0 [sflag:s0], s1  }
0xaf: {  	s1 =	ssub.s32 @!p0 $0x0, s1;
	[sflag:s0] =	ssyncset.done @!p0 $0x0  }
0xb0: {  	[sflag:s0] =	ssyncadd.s32 @!p0 s1  }
0xb1: {  	[bflag:$0x3] =	sbarrier.arrive $0xFFFF  }
0xb2: {  	_ =	shalt  }

// kernel: kernel.18.cloned.1.call-start
scs
__scs_entry_jumppad:
0x0: {  	(pc) =	sbr.rel $0x88, $3  }
0x1: {  	(tag) =	ssettag $0x0;
	lr =	simm.s32 $0x1  }
0x2: {  	[smem:$0x3F91] =	sst lr;
	_ =	strace $0xD0000000  }
0x3: {  	_ = 	snop  }
0x4: {  	_ = 	snop  }
0x5: {  	_ = 	snop  }
0x6: {  	_ = 	snop  }
0x7: {  	_ = 	snop  }
__scs_overlays_trampoline_lowered:
0x8: {  	[smem:$0x3FA0] =	sst s0  }
0x9: {  	[smem:$0x3FA1] =	sst s1  }
0xa: {  	[smem:$0x3FA2] =	sst s2  }
0xb: {  	[smem:$0x3FA3] =	sst s3  }
0xc: {  	[smem:$0x3FA4] =	sst s4  }
0xd: {  	[smem:$0x3FA5] =	sst s5  }
0xe: {  	[smem:$0x3FA6] =	sst s6  }
0xf: {  	[smem:$0x3FA7] =	sst s7  }
0x10: {  	[smem:$0x3FA8] =	sst s8  }
0x11: {  	[smem:$0x3FA9] =	sst s9;
	s0 =	simm.s32 @!p0 $0x0  }
0x12: {  	s1 =	sld [smem:$0x3F8F];
	s0 =	simm.s32 @p0 $0x1  }
0x13: {  	[smem:$0x3FAA] =	sst s0;
	s0 =	simm.s32 @!p1 $0x0  }
0x14: {  	s2 =	sld [smem:$0x3F8E];
	s0 =	simm.s32 @p1 $0x1  }
0x15: {  	[smem:$0x3FAB] =	sst s0;
	s0 =	simm.s32 @!p2 $0x0  }
0x16: {  	s3 =	sld [smem:$0x3FDB];
	s0 =	simm.s32 @p2 $0x1  }
0x17: {  	s4 =	simm.s32 $0x1BF5;
	[smem:$0x3FAD] =	sst s0  }
0x18: {  	s0 =	sld [smem:$0x3F90];
	_ =	swait.ge [sflag:s4], $0x0  }
0x19: {  	s7 =	sld [smem:$0x3F91]  }
0x1a: {  	s8 =	sadd.s32 $0xFFFFE003, lr  }
0x1b: {  	s9 =	sadd.s32 $0xFFFFFEF7, lr;
	s5 =	simm.s32 $0xFFFFFFFF;
	p2 =	slt.u32 s8, $0xFFFFF086  }
0x1c: {  	p1 =	slt.u32 s9, $0xF7A;
	s5 =	simm.s32 @!p2 $0x0  }
0x1d: {  	s5 =	simm.s32 @p1 $0x1;
	p0 =	seq.s32 s7, s2  }
0x1e: {  	s7 =	smul.u32 @!p0 $0xF7A, s2;
	p2 =	seq.s32 @!p0 s5, $0x0  }
0x1f: {  	s9 =	smul.u32 $0xF7A, s1;
	s8 =	simm.s32 @!p0 $0x1BF5;
	p2 =	por !p2, p0  }
0x20: {  	[sflag:s8] =	ssyncset.s32 @!p0 $0xFFFFF086;
	s6 =	sadd.s32 @!p0 s3, s7;
	s7 =	simm.s32 @!p0 $0x108  }
0x21: {  	s3 =	sadd.s32 s3, s9;
	s6 =	sadd.s32 @!p0 $0x88, s6;
	s7 =	simm.s32 @p2 $0x1082  }
0x22: {  	[simem:s7], [sflag:s8] =	dma.local @!p0 [hbm:s6], $0xF7A  }
0x23: {  	s9 =	sor.u32 $0xD0000000, s2;
	s6 =	simm.s32 $0x108;
	_ =	swait.ge @!p0 [sflag:s8], $0x0  }
0x24: {  	s3 =	sadd.s32 $0x88, s3;
	s6 =	simm.s32 @!p1 $0x1082;
	[sflag:s4] =	ssyncset.s32 $0xFFFFF086  }
0x25: {  	[simem:s6], [sflag:s4] =	dma.local [hbm:s3], $0xF7A  }
0x26: {  	[smem:$0x3F91] =	sst s1;
	(tag) =	ssettag s2;
	_ =	strace s9  }
0x27: {  	s1 =	sld [smem:$0x3FA1]  }
0x28: {  	s2 =	sld [smem:$0x3FA2]  }
0x29: {  	s4 =	sld [smem:$0x3FA4]  }
0x2a: {  	p0 =	seq.s32 s5, $0x0;
	s5 =	sld [smem:$0x3FA5]  }
0x2b: {  	s6 =	sld [smem:$0x3FA6]  }
0x2c: {  	s7 =	sld [smem:$0x3FA7]  }
0x2d: {  	s3 =	simm.s32 $0x108;
	s8 =	sld [smem:$0x3FA8]  }
0x2e: {  	s3 =	simm.s32 @!p0 $0x1082;
	s9 =	sld [smem:$0x3FA9]  }
0x2f: {  	lr =	sadd.s32 s0, s3;
	s0 =	sld [smem:$0x3FA0]  }
0x30: {  	s3 =	sld [smem:$0x3FA3]  }
0x31: {  	[smem:$0x3FAC] =	sst s10  }
0x32: {  	s10 =	sld [smem:$0x3FAA];
	_ =	sdelay $0x3  }
0x33: {  	p0 =	seq.s32 s10, $0x1;
	s10 =	sld [smem:$0x3FAC];
	_ =	sdelay $0x3  }
0x34: {  	[smem:$0x3FAC] =	sst s10  }
0x35: {  	s10 =	sld [smem:$0x3FAB];
	_ =	sdelay $0x3  }
0x36: {  	p1 =	seq.s32 s10, $0x1;
	s10 =	sld [smem:$0x3FAC];
	_ =	sdelay $0x3  }
0x37: {  	[smem:$0x3FAC] =	sst s10  }
0x38: {  	s10 =	sld [smem:$0x3FAD]  }
0x39: {  	_ = 	snop;
	(pc) =	sbr.ind lr, $3  }
0x3a: {  	_ = 	snop  }
0x3b: {  	_ = 	snop  }
0x3c: {  	p2 =	seq.s32 s10, $0x1;
	s10 =	sld [smem:$0x3FAC]  }
0x3d: {  	_ =	shalt  }
0x3e: {  	_ =	shalt  }
0x3f: {  	_ =	shalt  }
0x40: {  	_ =	shalt  }
0x41: {  	_ =	shalt  }
0x42: {  	_ =	shalt  }
0x43: {  	_ =	shalt  }
0x44: {  	_ =	shalt  }
0x45: {  	_ =	shalt  }
0x46: {  	_ =	shalt  }
0x47: {  	_ =	shalt  }
0x48: {  	_ =	shalt  }
0x49: {  	_ =	shalt  }
0x4a: {  	_ =	shalt  }
0x4b: {  	_ =	shalt  }
0x4c: {  	_ =	shalt  }
0x4d: {  	_ =	shalt  }
0x4e: {  	_ =	shalt  }
0x4f: {  	_ =	shalt  }
0x50: {  	_ =	shalt  }
0x51: {  	_ =	shalt  }
0x52: {  	_ =	shalt  }
0x53: {  	_ =	shalt  }
0x54: {  	_ =	shalt  }
0x55: {  	_ =	shalt  }
0x56: {  	_ =	shalt  }
0x57: {  	_ =	shalt  }
0x58: {  	_ =	shalt  }
0x59: {  	_ =	shalt  }
0x5a: {  	_ =	shalt  }
0x5b: {  	_ =	shalt  }
0x5c: {  	_ =	shalt  }
0x5d: {  	_ =	shalt  }
0x5e: {  	_ =	shalt  }
0x5f: {  	_ =	shalt  }
0x60: {  	_ =	shalt  }
0x61: {  	_ =	shalt  }
0x62: {  	_ =	shalt  }
0x63: {  	_ =	shalt  }
0x64: {  	_ =	shalt  }
0x65: {  	_ =	shalt  }
0x66: {  	_ =	shalt  }
0x67: {  	_ =	shalt  }
0x68: {  	_ =	shalt  }
0x69: {  	_ =	shalt  }
0x6a: {  	_ =	shalt  }
0x6b: {  	_ =	shalt  }
0x6c: {  	_ =	shalt  }
0x6d: {  	_ =	shalt  }
0x6e: {  	_ =	shalt  }
0x6f: {  	_ =	shalt  }
0x70: {  	_ =	shalt  }
0x71: {  	_ =	shalt  }
0x72: {  	_ =	shalt  }
0x73: {  	_ =	shalt  }
0x74: {  	_ =	shalt  }
0x75: {  	_ =	shalt  }
0x76: {  	_ =	shalt  }
0x77: {  	_ =	shalt  }
0x78: {  	_ =	shalt  }
0x79: {  	_ =	shalt  }
0x7a: {  	_ =	shalt  }
0x7b: {  	_ =	shalt  }
0x7c: {  	_ =	shalt  }
0x7d: {  	_ =	shalt  }
0x7e: {  	_ =	shalt  }
0x7f: {  	_ =	shalt  }
0x80: {  	_ =	shalt  }
0x81: {  	_ =	shalt  }
0x82: {  	_ =	shalt  }
0x83: {  	_ =	shalt  }
0x84: {  	_ =	shalt  }
0x85: {  	_ =	shalt  }
0x86: {  	_ =	shalt  }
0x87: {  	_ =	shalt  }
.Lfunc_end0:
.L_simem_size_0:
called_computation.3_lowered:
.L_overlay_start_0:
0x88: {  	s2 =	sld [smem:$0x3FD9]  }
0x89: {  	s3 =	sld [smem:$0x3FFE];
	_ =	sdelay $0x1  }
0x8a: {  	s1 =	srdreg.scid  }
0x8b: {  	s0 =	sand.u32 $0x1, s1  }
0x8c: {  	s16 =	sshll.u32 s0, $0xA;
	s2 =	sadd.s32 s3, s2  }
0x8d: {  	s2 =	sadd.s32 s2, s16  }
0x8e: {  	[smem:$0x3FB8] =	sst s2  }
0x8f: {  	_ = 	snop  }
0x90: {  	(tm) =	ssettm $0x1  }
0x91: {  	s17 =	sld [smem:$0x3FFB];
	_ =	sdelay $0x3  }
0x92: {  	_ =	strace s17  }
0x93: {  	s2 =	sld [smem:$0x3FFC];
	_ =	sdelay $0x3  }
0x94: {  	_ =	strace s2  }
0x95: {  	s2 =	sld [smem:$0x3FFD];
	_ =	sdelay $0x3  }
0x96: {  	_ =	strace s2  }
0x97: {  	_ =	strace $0x8FFFFFFF  }
0x98: {  	s18 =	sld [smem:$0x3FDB];
	_ =	sdelay $0x1  }
0x99: {  	s19 =	simm.s32 $_scs_section_size  }
0x9a: {  	s4 =	simm.s32 $_size__tile_overlayer_lowered;
	s5 =	simm.s32 $_tile_overlayer_lowered  }
0x9b: {  	s22 =	simm.s32 $0x1BFF;
	s21 =	sshll.u32 s5, $0x1;
	s2 =	sadd.s32 s19, s18  }
0x9c: {  	s6 =	simm.s32 $0x0;
	s20 =	sshll.u32 s4, $0x1;
	s4 =	sadd.s32 s21, s2  }
0x9d: {  	[timem:s6], [sflag:s22] =	dma.local [hbm:s4], s20  }
0x9e: {  	_ =	swait.ge [sflag:s22], s20  }
0x9f: {  	s3 =	ssub.s32 $0x0, s20;
	[sflag:s22] =	ssyncset.done $0x0  }
0xa0: {  	[sflag:s22] =	ssyncadd.s32 s3;
	_ =	sdelay $0x1  }
0xa1: {  	s23 =	simm.s32 $0x1B8B  }
0xa2: {  	_ =	swait.ge [sflag:s23], $0x1  }
0xa3: {  	[sflag:s23] =	ssyncset.done $0x0  }
0xa4: {  	s25 =	simm.s32 $0x1B8E;
	s24 =	sld [smem:$0x3FFE];
	[sflag:s23] =	ssyncadd.s32 $0xFFFFFFFF  }
0xa5: {  	s26 =	simm.s32 $execute0_lowered;
	[smem:$0x3FD2] =	sst s25  }
0xa6: {  	s4 =	sshll.u32 s26, $0x1;
	_ =	strace $0x8000004F;
	[dreg:$0x1] =	wrdreg $0xFFFFFFFF  }
0xa7: {  	s28 =	simm.s32 $_size_execute0_lowered;
	s2 =	sadd.s32 s2, s4;
	[dreg:$0x0] =	wrdreg $0x0  }
0xa8: {  	s4 =	sshll.u32 s28, $0x1;
	[dreg:$0x2] =	wrdreg s2  }
0xa9: {  	[dreg:$0x3] =	wrdreg s4  }
0xaa: {  	[dreg:$0x4] =	wrdreg $0xC0  }
0xab: {  	_ =	task [dreg:s6], $0x5FFFF  }
0xac: {  	[dreg:$0x1] =	wrdreg $0xFFFFFFFF  }
0xad: {  	[dreg:$0x0] =	wrdreg $0x60  }
0xae: {  	[dreg:$0x2] =	wrdreg s24  }
0xaf: {  	[dreg:$0x3] =	wrdreg $0xCE200  }
0xb0: {  	[dreg:$0x4] =	wrdreg $0x9  }
0xb1: {  	_ =	task.clear_ibuf [dreg:s6], $0x5FFFF;
	_ =	strace $0x9000004F  }
0xb2: {  	s29 =	simm.s32 $0x9;
	_ =	strace $0x80000051  }
0xb3: {  	_ =	swait.ge [sflag:s29], $0x1  }
0xb4: {  	[sflag:s29] =	ssyncadd.s32 $0xFFFFFFFF  }
0xb5: {  	_ =	strace $0x90000051  }
0xb6: {  	_ =	sfence  }
0xb7: {  	s30 =	sld [smem:$0x0];
	_ =	sdelay $0x2  }
0xb8: {  	s31 =	sshll.u32 s1, $0xD;
	s1 =	sshrl.u32 s1, $0x2  }
0xb9: {  	s3 =	sand.u32 $0x4000, s31;
	s1 =	sadd.s32 s1, s30  }
0xba: {  	s0 =	sor.u32 s3, s0;
	s1 =	sshll.u32 s1, $0x11  }
0xbb: {  	s0 =	sor.u32 s1, s0  }
0xbc: {  	s0 =	sadd.s32 $0x8F2B, s0  }
0xbd: {  	[sflag:s0] =	ssyncadd.remote.s32 $0x1  }
0xbe: {  	_ =	sfence.sel $0xFFFF  }
0xbf: {  	[dreg:$0x0] =	wrdreg $0xFFFFFFFF;
	(pc) =	sbr.abs _section_cstart, $3  }
0xc0: {  	[dreg:$0x1] =	wrdreg $0xFFFFFFFF  }
0xc1: {  	_ =	task.clear_ibuf [dreg:s6], $0x2FFFF;
	_ =	strace $0x9FFFFFFF  }
0xc2: {  	(tm) =	ssettm $0x7FFFFFFF  }
0xc3: {  	_ =	shalt  }
tec
execute0_lowered:
.L_overlay_start_1:
0x0: {  	(tag) =	ssettag $0x1  }
0x1: {  	s0 =	srdreg.scid;
	s5 =	rddreg [dreg:$0x0]  }
0x2: {  	s9 =	stileid.u32;
	s2 =	rddreg [dreg:$0x1];
	s3 =	simm.s32 $0x0  }
0x3: {  	s14 =	simm.s32 $0x2;
	s15 =	simm.s32 $0x3;
	s16 =	simm.s32 $0x1  }
0x4: {  	s17 =	simm.s32 $0x80;
	s18 =	simm.s32 $0x4E20;
	s19 =	simm.s32 $0x6E20  }
0x5: {  	s21 =	simm.s32 $0x8E20;
	s23 =	simm.s32 $0xAE20;
	s24 =	simm.s32 $0x5  }
0x6: {  	s25 =	simm.s32 $0x6;
	s26 =	simm.s32 $0x7;
	s28 =	simm.s32 $0x4  }
0x7: {  	s29 =	simm.s32 $0x8;
	s31 =	simm.s32 $0x10;
	s13 =	simm.s32 $0x9  }
0x8: {  	s20 =	simm.s32 $0x0;
	s0 =	sand.u32 $0x1, s0;
	s1 =	sshll.u32 s9, $0x1  }
0x9: {  	s6 =	smul.u32 $0x9C40, s9;
	[smem:$0x7FF] =	sst s3;
	s4 =	sadd.s32 $0x17C00, s5  }
0xa: {  	s1 =	sor.u32 s0, s1;
	s7 =	smul.u32 $0x9C400, s0;
	_ =	strace $0x80000050  }
0xb: {  	s0 =	ssub.s32 $0x2, s0;
	s1 =	smul.u32 $0x2710, s1;
	s8 =	sshrl.u32 s6, $0x3  }
0xc: {  	s30 =	sshrl.u32 s0, $0x1;
	s12 =	sadd.s32 s6, s2;
	s7 =	sadd.s32 s6, s7  }
0xd: {  	s8 =	sadd.s32 s8, s5;
	s0 =	ssub.s32 s0, s30;
	s12 =	sshrl.u32 s12, $0x3  }
0xe: {  	s1 =	sshrl.u32 s1, $0x3;
	s7 =	sshrl.u32 s7, $0x3;
	s6 =	sadd.s32 $0x2B600, s8  }
0xf: {  	s1 =	sadd.s32 s1, s5;
	s10 =	sadd.s32 s7, s5;
	s5 =	sshll.u32 s9, $0x6  }
0x10: {  	s11 =	smax.u32 s0, $0x1;
	s0 =	simm.s32 $0x4E10;
	s7 =	sor.u32 $0x1C01, s5  }
0x11: {  	s8 =	sadd.s32 $0x4200, s1;
	s9 =	sadd.s32 $0xDE40, s1;
	s10 =	sadd.s32 $0x3F000, s10  }
.LBB2_1:
0x12: {  	[spmem:s12], [sflag:s7] =	dma.local [hbm:s6], $0x1388  }
0x13: {  	[tilespmem:s3], [sflag:$0x2] =	stream.linear.gather [hbm4b:s8+s3], $0x2710, $0x38;
	[tilespmem:$0x16A60] =	vst v63  }
0x14: {  	s1 =	simm.s32 $0x2710  }
0x15: {  	[tilespmem:s1], [sflag:$0x3] =	stream.linear.gather [hbm4b:s9+s3], $0x2710, $0x38;
	[tilespmem:$0x16A60] =	vst v63  }
0x16: {  	_ =	swait.ge [sflag:s14], $0x2710  }
0x17: {  	[sflag:s14] =	ssyncset.done $0x0  }
0x18: {  	[sflag:s14] =	ssyncadd.s32 $0xFFFFD8F0  }
0x19: {  	_ =	swait.ge [sflag:s15], $0x2710  }
0x1a: {  	[sflag:s15] =	ssyncset.done $0x0  }
0x1b: {  	[sflag:s15] =	ssyncadd.s32 $0xFFFFD8F0  }
0x1c: {  	_ =	swait.ge [sflag:s16], $0x1388  }
0x1d: {  	[sflag:s16] =	ssyncset.done $0x0  }
0x1e: {  	[sflag:s16] =	ssyncadd.s32 $0xFFFFEC78  }
0x1f: {  	[bflag:$0x0] =	sbarrier.arrive $0xFFFF  }
0x20: {  	[tilespmem:s18], [sflag:$0x1] =	stream.indirect.gather [hbm4b:s4+s17], $0x40, s3, s17, $0xb8;
	[tilespmem:$0x16A60] =	vst v63  }
0x21: {  	_ = 	snop  }
0x22: {  	[tilespmem:s19], [sflag:$0x2] =	stream.indirect.gather [hbm4b:s4+s17], $0x40, s17, s17, $0xb8;
	[tilespmem:$0x16A60] =	vst v63  }
0x23: {  	s22 =	simm.s32 $0x100  }
0x24: {  	[tilespmem:s21], [sflag:$0x3] =	stream.indirect.gather [hbm4b:s4+s17], $0x40, s22, s17, $0xb8;
	[tilespmem:$0x16A60] =	vst v63  }
0x25: {  	s22 =	simm.s32 $0x180  }
0x26: {  	[tilespmem:s23], [sflag:$0x4] =	stream.indirect.gather [hbm4b:s4+s17], $0x40, s22, s17, $0xb8;
	[tilespmem:$0x16A60] =	vst v63  }
0x27: {  	_ =	swait.ge [sflag:s16], $0x2000  }
0x28: {  	[sflag:s16] =	ssyncset.done $0x0  }
0x29: {  	s22 =	simm.s32 $0x2710;
	[sflag:s16] =	ssyncadd.s32 $0xFFFFE000  }
0x2a: {  	[spmem:s2] =	stream.indirect.scatter.add.f32 [tilespmem:s18], [sflag:$0x5], $0x40, s22, s17, $0xb8;
	[tilespmem:$0x16A60] =	vst v63  }
0x2b: {  	_ =	swait.ge [sflag:s24], $0x2000  }
0x2c: {  	[sflag:s24] =	ssyncset.done $0x0  }
0x2d: {  	s1 =	simm.s32 $0x200;
	[sflag:s24] =	ssyncadd.s32 $0xFFFFE000  }
0x2e: {  	[tilespmem:s18], [sflag:$0x1] =	stream.indirect.gather [hbm4b:s4+s17], $0x40, s1, s17, $0xb8;
	[tilespmem:$0x16A60] =	vst v63  }
0x2f: {  	_ =	swait.ge [sflag:s14], $0x2000  }
0x30: {  	[sflag:s14] =	ssyncset.done $0x0  }
0x31: {  	s1 =	simm.s32 $0x2790;
	[sflag:s14] =	ssyncadd.s32 $0xFFFFE000  }
0x32: {  	[spmem:s2] =	stream.indirect.scatter.add.f32 [tilespmem:s19], [sflag:$0x6], $0x40, s1, s17, $0xb8;
	[tilespmem:$0x16A60] =	vst v63  }
0x33: {  	_ =	swait.ge [sflag:s25], $0x2000  }
0x34: {  	[sflag:s25] =	ssyncset.done $0x0  }
0x35: {  	s1 =	simm.s32 $0x280;
	[sflag:s25] =	ssyncadd.s32 $0xFFFFE000  }
0x36: {  	[tilespmem:s19], [sflag:$0x2] =	stream.indirect.gather [hbm4b:s4+s17], $0x40, s1, s17, $0xb8;
	[tilespmem:$0x16A60] =	vst v63  }
0x37: {  	_ =	swait.ge [sflag:s15], $0x2000  }
0x38: {  	[sflag:s15] =	ssyncset.done $0x0  }
0x39: {  	s1 =	simm.s32 $0x2810;
	[sflag:s15] =	ssyncadd.s32 $0xFFFFE000  }
0x3a: {  	[spmem:s2] =	stream.indirect.scatter.add.f32 [tilespmem:s21], [sflag:$0x7], $0x40, s1, s17, $0xb8;
	[tilespmem:$0x16A60] =	vst v63  }
0x3b: {  	_ =	swait.ge [sflag:s26], $0x2000  }
0x3c: {  	[sflag:s26] =	ssyncset.done $0x0  }
0x3d: {  	s1 =	simm.s32 $0x300;
	[sflag:s26] =	ssyncadd.s32 $0xFFFFE000  }
0x3e: {  	[tilespmem:s21], [sflag:$0x3] =	stream.indirect.gather [hbm4b:s4+s17], $0x40, s1, s17, $0xb8;
	[tilespmem:$0x16A60] =	vst v63  }
0x3f: {  	_ =	swait.ge [sflag:s28], $0x2000  }
0x40: {  	[sflag:s28] =	ssyncset.done $0x0  }
0x41: {  	s1 =	simm.s32 $0x2890;
	[sflag:s28] =	ssyncadd.s32 $0xFFFFE000  }
0x42: {  	[spmem:s2] =	stream.indirect.scatter.add.f32 [tilespmem:s23], [sflag:$0x8], $0x40, s1, s17, $0xb8;
	[tilespmem:$0x16A60] =	vst v63  }
0x43: {  	_ =	swait.ge [sflag:s29], $0x2000  }
0x44: {  	[sflag:s29] =	ssyncset.done $0x0  }
0x45: {  	s30 =	simm.s32 $0x380;
	s22 =	simm.s32 $0x800;
	[sflag:s29] =	ssyncadd.s32 $0xFFFFE000  }
.LBB2_2:
0x46: {  	[tilespmem:s23], [sflag:$0x4] =	stream.indirect.gather [hbm4b:s4+s17], $0x40, s30, s17, $0xb8;
	[tilespmem:$0x16A60] =	vst v63  }
0x47: {  	s30 =	smov.u32 s22  }
0x48: {  	p0 =	sne.s32 s22, $0x8800;
	s22 =	sadd.s32 $0x800, s22;
	_ =	swait.ge [sflag:s16], $0x2000  }
0x49: {  	s30 =	sshra.s32 s30, $0x2;
	[sflag:s16] =	ssyncset.done $0x0  }
0x4a: {  	s1 =	sadd.s32 $0x2710, s30;
	[sflag:s16] =	ssyncadd.s32 $0xFFFFE000  }
0x4b: {  	[spmem:s2] =	stream.indirect.scatter.add.f32 [tilespmem:s18], [sflag:$0x5], $0x40, s1, s17, $0xb8;
	[tilespmem:$0x16A60] =	vst v63  }
0x4c: {  	_ =	swait.ge [sflag:s24], $0x2000  }
0x4d: {  	[sflag:s24] =	ssyncset.done $0x0  }
0x4e: {  	s1 =	sadd.s32 $0x200, s30;
	[sflag:s24] =	ssyncadd.s32 $0xFFFFE000  }
0x4f: {  	[tilespmem:s18], [sflag:$0x1] =	stream.indirect.gather [hbm4b:s4+s17], $0x40, s1, s17, $0xb8;
	[tilespmem:$0x16A60] =	vst v63  }
0x50: {  	_ =	swait.ge [sflag:s14], $0x2000  }
0x51: {  	[sflag:s14] =	ssyncset.done $0x0  }
0x52: {  	s1 =	sadd.s32 $0x2790, s30;
	[sflag:s14] =	ssyncadd.s32 $0xFFFFE000  }
0x53: {  	[spmem:s2] =	stream.indirect.scatter.add.f32 [tilespmem:s19], [sflag:$0x6], $0x40, s1, s17, $0xb8;
	[tilespmem:$0x16A60] =	vst v63  }
0x54: {  	_ =	swait.ge [sflag:s25], $0x2000  }
0x55: {  	[sflag:s25] =	ssyncset.done $0x0  }
0x56: {  	s1 =	sadd.s32 $0x280, s30;
	[sflag:s25] =	ssyncadd.s32 $0xFFFFE000  }
0x57: {  	[tilespmem:s19], [sflag:$0x2] =	stream.indirect.gather [hbm4b:s4+s17], $0x40, s1, s17, $0xb8;
	[tilespmem:$0x16A60] =	vst v63  }
0x58: {  	_ =	swait.ge [sflag:s15], $0x2000  }
0x59: {  	[sflag:s15] =	ssyncset.done $0x0  }
0x5a: {  	s1 =	sadd.s32 $0x2810, s30;
	[sflag:s15] =	ssyncadd.s32 $0xFFFFE000  }
0x5b: {  	[spmem:s2] =	stream.indirect.scatter.add.f32 [tilespmem:s21], [sflag:$0x7], $0x40, s1, s17, $0xb8;
	[tilespmem:$0x16A60] =	vst v63  }
0x5c: {  	_ =	swait.ge [sflag:s26], $0x2000  }
0x5d: {  	[sflag:s26] =	ssyncset.done $0x0  }
0x5e: {  	s1 =	sadd.s32 $0x300, s30;
	[sflag:s26] =	ssyncadd.s32 $0xFFFFE000  }
0x5f: {  	[tilespmem:s21], [sflag:$0x3] =	stream.indirect.gather [hbm4b:s4+s17], $0x40, s1, s17, $0xb8;
	[tilespmem:$0x16A60] =	vst v63  }
0x60: {  	_ =	swait.ge [sflag:s28], $0x2000  }
0x61: {  	[sflag:s28] =	ssyncset.done $0x0  }
.Ltmp0:
0x62: {  	s1 =	sadd.s32 $0x2890, s30;
	[sflag:s28] =	ssyncadd.s32 $0xFFFFE000;
	(pc) =	sbr.rel @p0 .LBB2_2-.Ltmp0, $4  }
0x63: {  	[spmem:s2] =	stream.indirect.scatter.add.f32 [tilespmem:s23], [sflag:$0x8], $0x40, s1, s17, $0xb8;
	[tilespmem:$0x16A60] =	vst v63  }
0x64: {  	_ =	swait.ge [sflag:s29], $0x2000  }
0x65: {  	[sflag:s29] =	ssyncset.done $0x0  }
0x66: {  	s30 =	sadd.s32 $0x380, s30;
	[sflag:s29] =	ssyncadd.s32 $0xFFFFE000  }
0x67: {  	[tilespmem:s23], [sflag:$0x4] =	stream.indirect.gather [hbm4b:s4+s17], $0x40, s30, s17, $0xb8;
	[tilespmem:$0x16A60] =	vst v63  }
0x68: {  	_ =	swait.ge [sflag:s16], $0x2000  }
0x69: {  	[sflag:s16] =	ssyncset.done $0x0  }
0x6a: {  	s1 =	simm.s32 $0x4B10;
	[sflag:s16] =	ssyncadd.s32 $0xFFFFE000  }
0x6b: {  	[spmem:s2] =	stream.indirect.scatter.add.f32 [tilespmem:s18], [sflag:$0x5], $0x40, s1, s17, $0xb8;
	[tilespmem:$0x16A60] =	vst v63  }
0x6c: {  	_ =	swait.ge [sflag:s24], $0x2000  }
0x6d: {  	[sflag:s24] =	ssyncset.done $0x0  }
0x6e: {  	s30 =	simm.s32 $0x2600;
	[sflag:s24] =	ssyncadd.s32 $0xFFFFE000  }
0x6f: {  	[tilespmem:s18], [sflag:$0x1] =	stream.indirect.gather [hbm4b:s4+s17], $0x40, s30, s17, $0xb8;
	[tilespmem:$0x16A60] =	vst v63  }
0x70: {  	_ =	swait.ge [sflag:s14], $0x2000  }
0x71: {  	[sflag:s14] =	ssyncset.done $0x0  }
0x72: {  	s22 =	simm.s32 $0x4B90;
	[sflag:s14] =	ssyncadd.s32 $0xFFFFE000  }
0x73: {  	[spmem:s2] =	stream.indirect.scatter.add.f32 [tilespmem:s19], [sflag:$0x6], $0x40, s22, s17, $0xb8;
	[tilespmem:$0x16A60] =	vst v63  }
0x74: {  	_ =	swait.ge [sflag:s25], $0x2000  }
0x75: {  	[sflag:s25] =	ssyncset.done $0x0  }
0x76: {  	s30 =	simm.s32 $0x2680;
	[sflag:s25] =	ssyncadd.s32 $0xFFFFE000  }
0x77: {  	[tilespmem:s19], [sflag:$0x2] =	stream.indirect.gather [hbm4b:s4+s17], $0x40, s30, s17, $0xb8;
	[tilespmem:$0x16A60] =	vst v63  }
0x78: {  	_ =	swait.ge [sflag:s15], $0x2000  }
0x79: {  	[sflag:s15] =	ssyncset.done $0x0  }
0x7a: {  	s22 =	simm.s32 $0x4C10;
	[sflag:s15] =	ssyncadd.s32 $0xFFFFE000  }
0x7b: {  	[spmem:s2] =	stream.indirect.scatter.add.f32 [tilespmem:s21], [sflag:$0x7], $0x40, s22, s17, $0xb8;
	[tilespmem:$0x16A60] =	vst v63  }
0x7c: {  	_ =	swait.ge [sflag:s26], $0x2000  }
0x7d: {  	[sflag:s26] =	ssyncset.done $0x0  }
0x7e: {  	[sflag:s26] =	ssyncadd.s32 $0xFFFFE000  }
0x7f: {  	_ =	swait.ge [sflag:s28], $0x2000  }
0x80: {  	[sflag:s28] =	ssyncset.done $0x0  }
0x81: {  	s30 =	simm.s32 $0x4C90;
	[sflag:s28] =	ssyncadd.s32 $0xFFFFE000  }
0x82: {  	[spmem:s2] =	stream.indirect.scatter.add.f32 [tilespmem:s23], [sflag:$0x8], $0x40, s30, s17, $0xb8;
	[tilespmem:$0x16A60] =	vst v63  }
0x83: {  	_ =	swait.ge [sflag:s29], $0x2000  }
0x84: {  	[sflag:s29] =	ssyncset.done $0x0  }
0x85: {  	[sflag:s29] =	ssyncadd.s32 $0xFFFFE000  }
0x86: {  	_ =	swait.ge [sflag:s16], $0x2000  }
0x87: {  	[sflag:s16] =	ssyncset.done $0x0  }
0x88: {  	s22 =	simm.s32 $0x4D10;
	[sflag:s16] =	ssyncadd.s32 $0xFFFFE000  }
0x89: {  	[spmem:s2] =	stream.indirect.scatter.add.f32 [tilespmem:s18], [sflag:$0x5], $0x40, s22, s17, $0xb8;
	[tilespmem:$0x16A60] =	vst v63  }
0x8a: {  	_ =	swait.ge [sflag:s24], $0x2000  }
0x8b: {  	[sflag:s24] =	ssyncset.done $0x0  }
0x8c: {  	[sflag:s24] =	ssyncadd.s32 $0xFFFFE000  }
0x8d: {  	_ =	swait.ge [sflag:s14], $0x2000  }
0x8e: {  	[sflag:s14] =	ssyncset.done $0x0  }
0x8f: {  	s30 =	simm.s32 $0x4D90;
	[sflag:s14] =	ssyncadd.s32 $0xFFFFE000  }
0x90: {  	[spmem:s2] =	stream.indirect.scatter.add.f32 [tilespmem:s19], [sflag:$0x6], $0x40, s30, s17, $0xb8;
	[tilespmem:$0x16A60] =	vst v63  }
0x91: {  	_ =	swait.ge [sflag:s25], $0x2000  }
0x92: {  	[sflag:s25] =	ssyncset.done $0x0  }
0x93: {  	s22 =	simm.s32 $0x2700;
	[sflag:s25] =	ssyncadd.s32 $0xFFFFE000  }
0x94: {  	[tilespmem:s18], [sflag:$0x1] =	stream.indirect.gather [hbm4b:s4+s31], $0x40, s22, s31, $0xb8;
	[tilespmem:$0x16A60] =	vst v63  }
0x95: {  	_ =	swait.ge [sflag:s16], $0x400  }
0x96: {  	[sflag:s16] =	ssyncset.done $0x0  }
0x97: {  	[sflag:s16] =	ssyncadd.s32 $0xFFFFFC00  }
0x98: {  	[spmem:s2] =	stream.indirect.scatter.add.f32 [tilespmem:s18], [sflag:$0x5], $0x40, s0, s31, $0xb8;
	[tilespmem:$0x16A60] =	vst v63  }
0x99: {  	_ =	swait.ge [sflag:s24], $0x400  }
0x9a: {  	s20 =	sadd.s32 $0x1, s20;
	[sflag:s24] =	ssyncset.done $0x0  }
0x9b: {  	p0 =	sne.s32 s20, s11;
	[sflag:s24] =	ssyncadd.s32 $0xFFFFFC00  }
.Ltmp1:
0x9c: {  	s30 =	sor.u32 $0x1C09, s5;
	[bflag:$0x0] =	sbarrier.arrive $0xFFFF;
	(pc) =	sbr.rel @p0 .LBB2_1-.Ltmp1, $4  }
0x9d: {  	[hbm:s10], [sflag:s30] =	dma.local [spmem:s12], $0x1388  }
0x9e: {  	_ =	swait.ge [sflag:s13], $0x1388  }
0x9f: {  	[sflag:s13] =	ssyncset.done $0x0  }
0xa0: {  	[sflag:s13] =	ssyncadd.s32 $0xFFFFEC78  }
0xa1: {  	_ =	sfence.sel $0x180000  }
0xa2: {  	[bflag:$0x0] =	sbarrier.arrive $0xFFFF  }
0xa3: {  	_ =	strace $0x90000050  }
0xa4: {  	s0 =	stileid.u32;
	[bflag:$0x2] =	sbarrier.arrive $0xFFFF  }
0xa5: {  	p0 =	sne.s32 s0, $0x0;
	s0 =	rddreg [dreg:$0x2]  }
0xa6: {  	s0 =	sadd.s32 @!p0 $0x100000, s0  }
0xa7: {  	[sflag:s0] =	ssyncadd.tile.s32 @!p0 $0x1;
	_ =	shalt  }
.Lfunc_end2:
_tile_overlayer_lowered:
.L_overlay_start_2:
0xa8: {  	(tag) =	ssettag $0x2  }
0xa9: {  	s0 =	rddreg [dreg:$0x0];
	s2 =	stileid.u32  }
0xaa: {  	s1 =	rddreg [dreg:$0x1];
	p0 =	sne.s32 s2, $0x0  }
0xab: {  	s3 =	rddreg [dreg:$0x2];
	[bflag:$0x3] =	sbarrier.arrive $0xFFFF;
	s2 =	simm.s32 @!p0 $0x1C09  }
0xac: {  	[timem:s3], [sflag:s2] =	dma.local @!p0 [hbm:s0], s1  }
0xad: {  	s0 =	simm.s32 @!p0 $0x9  }
0xae: {  	_ =	swait.ge @!p0 [sflag:s0], s1  }
0xaf: {  	s1 =	ssub.s32 @!p0 $0x0, s1;
	[sflag:s0] =	ssyncset.done @!p0 $0x0  }
0xb0: {  	[sflag:s0] =	ssyncadd.s32 @!p0 s1  }
0xb1: {  	[bflag:$0x3] =	sbarrier.arrive $0xFFFF  }
0xb2: {  	_ =	shalt  }

// kernel: kernel.9.cloned.1.call-start
scs
__scs_entry_jumppad:
0x0: {  	(pc) =	sbr.rel $0x88, $3  }
0x1: {  	(tag) =	ssettag $0x0;
	lr =	simm.s32 $0x1  }
0x2: {  	[smem:$0x3F91] =	sst lr;
	_ =	strace $0xD0000000  }
0x3: {  	_ = 	snop  }
0x4: {  	_ = 	snop  }
0x5: {  	_ = 	snop  }
0x6: {  	_ = 	snop  }
0x7: {  	_ = 	snop  }
__scs_overlays_trampoline_lowered:
0x8: {  	[smem:$0x3FA0] =	sst s0  }
0x9: {  	[smem:$0x3FA1] =	sst s1  }
0xa: {  	[smem:$0x3FA2] =	sst s2  }
0xb: {  	[smem:$0x3FA3] =	sst s3  }
0xc: {  	[smem:$0x3FA4] =	sst s4  }
0xd: {  	[smem:$0x3FA5] =	sst s5  }
0xe: {  	[smem:$0x3FA6] =	sst s6  }
0xf: {  	[smem:$0x3FA7] =	sst s7  }
0x10: {  	[smem:$0x3FA8] =	sst s8  }
0x11: {  	[smem:$0x3FA9] =	sst s9;
	s0 =	simm.s32 @!p0 $0x0  }
0x12: {  	s1 =	sld [smem:$0x3F8F];
	s0 =	simm.s32 @p0 $0x1  }
0x13: {  	[smem:$0x3FAA] =	sst s0;
	s0 =	simm.s32 @!p1 $0x0  }
0x14: {  	s2 =	sld [smem:$0x3F8E];
	s0 =	simm.s32 @p1 $0x1  }
0x15: {  	[smem:$0x3FAB] =	sst s0;
	s0 =	simm.s32 @!p2 $0x0  }
0x16: {  	s3 =	sld [smem:$0x3FDB];
	s0 =	simm.s32 @p2 $0x1  }
0x17: {  	s4 =	simm.s32 $0x1BF5;
	[smem:$0x3FAD] =	sst s0  }
0x18: {  	s0 =	sld [smem:$0x3F90];
	_ =	swait.ge [sflag:s4], $0x0  }
0x19: {  	s7 =	sld [smem:$0x3F91]  }
0x1a: {  	s8 =	sadd.s32 $0xFFFFE003, lr  }
0x1b: {  	s9 =	sadd.s32 $0xFFFFFEF7, lr;
	s5 =	simm.s32 $0xFFFFFFFF;
	p2 =	slt.u32 s8, $0xFFFFF086  }
0x1c: {  	p1 =	slt.u32 s9, $0xF7A;
	s5 =	simm.s32 @!p2 $0x0  }
0x1d: {  	s5 =	simm.s32 @p1 $0x1;
	p0 =	seq.s32 s7, s2  }
0x1e: {  	s7 =	smul.u32 @!p0 $0xF7A, s2;
	p2 =	seq.s32 @!p0 s5, $0x0  }
0x1f: {  	s9 =	smul.u32 $0xF7A, s1;
	s8 =	simm.s32 @!p0 $0x1BF5;
	p2 =	por !p2, p0  }
0x20: {  	[sflag:s8] =	ssyncset.s32 @!p0 $0xFFFFF086;
	s6 =	sadd.s32 @!p0 s3, s7;
	s7 =	simm.s32 @!p0 $0x108  }
0x21: {  	s3 =	sadd.s32 s3, s9;
	s6 =	sadd.s32 @!p0 $0x88, s6;
	s7 =	simm.s32 @p2 $0x1082  }
0x22: {  	[simem:s7], [sflag:s8] =	dma.local @!p0 [hbm:s6], $0xF7A  }
0x23: {  	s9 =	sor.u32 $0xD0000000, s2;
	s6 =	simm.s32 $0x108;
	_ =	swait.ge @!p0 [sflag:s8], $0x0  }
0x24: {  	s3 =	sadd.s32 $0x88, s3;
	s6 =	simm.s32 @!p1 $0x1082;
	[sflag:s4] =	ssyncset.s32 $0xFFFFF086  }
0x25: {  	[simem:s6], [sflag:s4] =	dma.local [hbm:s3], $0xF7A  }
0x26: {  	[smem:$0x3F91] =	sst s1;
	(tag) =	ssettag s2;
	_ =	strace s9  }
0x27: {  	s1 =	sld [smem:$0x3FA1]  }
0x28: {  	s2 =	sld [smem:$0x3FA2]  }
0x29: {  	s4 =	sld [smem:$0x3FA4]  }
0x2a: {  	p0 =	seq.s32 s5, $0x0;
	s5 =	sld [smem:$0x3FA5]  }
0x2b: {  	s6 =	sld [smem:$0x3FA6]  }
0x2c: {  	s7 =	sld [smem:$0x3FA7]  }
0x2d: {  	s3 =	simm.s32 $0x108;
	s8 =	sld [smem:$0x3FA8]  }
0x2e: {  	s3 =	simm.s32 @!p0 $0x1082;
	s9 =	sld [smem:$0x3FA9]  }
0x2f: {  	lr =	sadd.s32 s0, s3;
	s0 =	sld [smem:$0x3FA0]  }
0x30: {  	s3 =	sld [smem:$0x3FA3]  }
0x31: {  	[smem:$0x3FAC] =	sst s10  }
0x32: {  	s10 =	sld [smem:$0x3FAA];
	_ =	sdelay $0x3  }
0x33: {  	p0 =	seq.s32 s10, $0x1;
	s10 =	sld [smem:$0x3FAC];
	_ =	sdelay $0x3  }
0x34: {  	[smem:$0x3FAC] =	sst s10  }
0x35: {  	s10 =	sld [smem:$0x3FAB];
	_ =	sdelay $0x3  }
0x36: {  	p1 =	seq.s32 s10, $0x1;
	s10 =	sld [smem:$0x3FAC];
	_ =	sdelay $0x3  }
0x37: {  	[smem:$0x3FAC] =	sst s10  }
0x38: {  	s10 =	sld [smem:$0x3FAD]  }
0x39: {  	_ = 	snop;
	(pc) =	sbr.ind lr, $3  }
0x3a: {  	_ = 	snop  }
0x3b: {  	_ = 	snop  }
0x3c: {  	p2 =	seq.s32 s10, $0x1;
	s10 =	sld [smem:$0x3FAC]  }
0x3d: {  	_ =	shalt  }
0x3e: {  	_ =	shalt  }
0x3f: {  	_ =	shalt  }
0x40: {  	_ =	shalt  }
0x41: {  	_ =	shalt  }
0x42: {  	_ =	shalt  }
0x43: {  	_ =	shalt  }
0x44: {  	_ =	shalt  }
0x45: {  	_ =	shalt  }
0x46: {  	_ =	shalt  }
0x47: {  	_ =	shalt  }
0x48: {  	_ =	shalt  }
0x49: {  	_ =	shalt  }
0x4a: {  	_ =	shalt  }
0x4b: {  	_ =	shalt  }
0x4c: {  	_ =	shalt  }
0x4d: {  	_ =	shalt  }
0x4e: {  	_ =	shalt  }
0x4f: {  	_ =	shalt  }
0x50: {  	_ =	shalt  }
0x51: {  	_ =	shalt  }
0x52: {  	_ =	shalt  }
0x53: {  	_ =	shalt  }
0x54: {  	_ =	shalt  }
0x55: {  	_ =	shalt  }
0x56: {  	_ =	shalt  }
0x57: {  	_ =	shalt  }
0x58: {  	_ =	shalt  }
0x59: {  	_ =	shalt  }
0x5a: {  	_ =	shalt  }
0x5b: {  	_ =	shalt  }
0x5c: {  	_ =	shalt  }
0x5d: {  	_ =	shalt  }
0x5e: {  	_ =	shalt  }
0x5f: {  	_ =	shalt  }
0x60: {  	_ =	shalt  }
0x61: {  	_ =	shalt  }
0x62: {  	_ =	shalt  }
0x63: {  	_ =	shalt  }
0x64: {  	_ =	shalt  }
0x65: {  	_ =	shalt  }
0x66: {  	_ =	shalt  }
0x67: {  	_ =	shalt  }
0x68: {  	_ =	shalt  }
0x69: {  	_ =	shalt  }
0x6a: {  	_ =	shalt  }
0x6b: {  	_ =	shalt  }
0x6c: {  	_ =	shalt  }
0x6d: {  	_ =	shalt  }
0x6e: {  	_ =	shalt  }
0x6f: {  	_ =	shalt  }
0x70: {  	_ =	shalt  }
0x71: {  	_ =	shalt  }
0x72: {  	_ =	shalt  }
0x73: {  	_ =	shalt  }
0x74: {  	_ =	shalt  }
0x75: {  	_ =	shalt  }
0x76: {  	_ =	shalt  }
0x77: {  	_ =	shalt  }
0x78: {  	_ =	shalt  }
0x79: {  	_ =	shalt  }
0x7a: {  	_ =	shalt  }
0x7b: {  	_ =	shalt  }
0x7c: {  	_ =	shalt  }
0x7d: {  	_ =	shalt  }
0x7e: {  	_ =	shalt  }
0x7f: {  	_ =	shalt  }
0x80: {  	_ =	shalt  }
0x81: {  	_ =	shalt  }
0x82: {  	_ =	shalt  }
0x83: {  	_ =	shalt  }
0x84: {  	_ =	shalt  }
0x85: {  	_ =	shalt  }
0x86: {  	_ =	shalt  }
0x87: {  	_ =	shalt  }
.Lfunc_end0:
.L_simem_size_0:
called_computation_lowered:
.L_overlay_start_0:
0x88: {  	s2 =	sld [smem:$0x3FD9]  }
0x89: {  	s3 =	sld [smem:$0x3FFE];
	_ =	sdelay $0x1  }
0x8a: {  	s1 =	srdreg.scid  }
0x8b: {  	s0 =	sand.u32 $0x1, s1  }
0x8c: {  	s16 =	sshll.u32 s0, $0xA;
	s2 =	sadd.s32 s3, s2  }
0x8d: {  	s2 =	sadd.s32 s2, s16  }
0x8e: {  	[smem:$0x3FB8] =	sst s2  }
0x8f: {  	_ = 	snop  }
0x90: {  	(tm) =	ssettm $0x1  }
0x91: {  	s17 =	sld [smem:$0x3FFB];
	_ =	sdelay $0x3  }
0x92: {  	_ =	strace s17  }
0x93: {  	s2 =	sld [smem:$0x3FFC];
	_ =	sdelay $0x3  }
0x94: {  	_ =	strace s2  }
0x95: {  	s2 =	sld [smem:$0x3FFD];
	_ =	sdelay $0x3  }
0x96: {  	_ =	strace s2  }
0x97: {  	_ =	strace $0x8FFFFFFF  }
0x98: {  	s18 =	sld [smem:$0x3FDB];
	_ =	sdelay $0x1  }
0x99: {  	s19 =	simm.s32 $_scs_section_size  }
0x9a: {  	s4 =	simm.s32 $_size__tile_overlayer_lowered;
	s5 =	simm.s32 $_tile_overlayer_lowered  }
0x9b: {  	s22 =	simm.s32 $0x1BFF;
	s21 =	sshll.u32 s5, $0x1;
	s2 =	sadd.s32 s19, s18  }
0x9c: {  	s6 =	simm.s32 $0x0;
	s20 =	sshll.u32 s4, $0x1;
	s4 =	sadd.s32 s21, s2  }
0x9d: {  	[timem:s6], [sflag:s22] =	dma.local [hbm:s4], s20  }
0x9e: {  	_ =	swait.ge [sflag:s22], s20  }
0x9f: {  	s3 =	ssub.s32 $0x0, s20;
	[sflag:s22] =	ssyncset.done $0x0  }
0xa0: {  	[sflag:s22] =	ssyncadd.s32 s3;
	_ =	sdelay $0x1  }
0xa1: {  	s23 =	simm.s32 $0x1B8B  }
0xa2: {  	_ =	swait.ge [sflag:s23], $0x1  }
0xa3: {  	[sflag:s23] =	ssyncset.done $0x0  }
0xa4: {  	s25 =	simm.s32 $0x1B8E;
	s24 =	sld [smem:$0x3FFE];
	[sflag:s23] =	ssyncadd.s32 $0xFFFFFFFF  }
0xa5: {  	s26 =	simm.s32 $execute0_lowered;
	[smem:$0x3FD2] =	sst s25  }
0xa6: {  	s4 =	sshll.u32 s26, $0x1;
	_ =	strace $0x80000046;
	[dreg:$0x1] =	wrdreg $0xFFFFFFFF  }
0xa7: {  	s28 =	simm.s32 $_size_execute0_lowered;
	s2 =	sadd.s32 s2, s4;
	[dreg:$0x0] =	wrdreg $0x0  }
0xa8: {  	s4 =	sshll.u32 s28, $0x1;
	[dreg:$0x2] =	wrdreg s2  }
0xa9: {  	[dreg:$0x3] =	wrdreg s4  }
0xaa: {  	[dreg:$0x4] =	wrdreg $0xC0  }
0xab: {  	_ =	task [dreg:s6], $0x5FFFF  }
0xac: {  	[dreg:$0x1] =	wrdreg $0xFFFFFFFF  }
0xad: {  	[dreg:$0x0] =	wrdreg $0x60  }
0xae: {  	[dreg:$0x2] =	wrdreg s24  }
0xaf: {  	[dreg:$0x3] =	wrdreg $0xCE200  }
0xb0: {  	[dreg:$0x4] =	wrdreg $0x9  }
0xb1: {  	_ =	task.clear_ibuf [dreg:s6], $0x5FFFF;
	_ =	strace $0x90000046  }
0xb2: {  	s29 =	simm.s32 $0x9;
	_ =	strace $0x80000048  }
0xb3: {  	_ =	swait.ge [sflag:s29], $0x1  }
0xb4: {  	[sflag:s29] =	ssyncadd.s32 $0xFFFFFFFF  }
0xb5: {  	_ =	strace $0x90000048  }
0xb6: {  	_ =	sfence  }
0xb7: {  	s30 =	sld [smem:$0x0];
	_ =	sdelay $0x2  }
0xb8: {  	s31 =	sshll.u32 s1, $0xD;
	s1 =	sshrl.u32 s1, $0x2  }
0xb9: {  	s3 =	sand.u32 $0x4000, s31;
	s1 =	sadd.s32 s1, s30  }
0xba: {  	s0 =	sor.u32 s3, s0;
	s1 =	sshll.u32 s1, $0x11  }
0xbb: {  	s0 =	sor.u32 s1, s0  }
0xbc: {  	s0 =	sadd.s32 $0x8F2B, s0  }
0xbd: {  	[sflag:s0] =	ssyncadd.remote.s32 $0x1  }
0xbe: {  	_ =	sfence.sel $0xFFFF  }
0xbf: {  	[dreg:$0x0] =	wrdreg $0xFFFFFFFF;
	(pc) =	sbr.abs _section_cstart, $3  }
0xc0: {  	[dreg:$0x1] =	wrdreg $0xFFFFFFFF  }
0xc1: {  	_ =	task.clear_ibuf [dreg:s6], $0x2FFFF;
	_ =	strace $0x9FFFFFFF  }
0xc2: {  	(tm) =	ssettm $0x7FFFFFFF  }
0xc3: {  	_ =	shalt  }
tec
execute0_lowered:
.L_overlay_start_1:
0x0: {  	(tag) =	ssettag $0x1  }
0x1: {  	s0 =	srdreg.scid;
	s5 =	rddreg [dreg:$0x0]  }
0x2: {  	s9 =	stileid.u32;
	s2 =	rddreg [dreg:$0x1];
	s3 =	simm.s32 $0x0  }
0x3: {  	s14 =	simm.s32 $0x2;
	s15 =	simm.s32 $0x3;
	s16 =	simm.s32 $0x1  }
0x4: {  	s17 =	simm.s32 $0x80;
	s18 =	simm.s32 $0x4E20;
	s19 =	simm.s32 $0x6E20  }
0x5: {  	s21 =	simm.s32 $0x8E20;
	s23 =	simm.s32 $0xAE20;
	s24 =	simm.s32 $0x5  }
0x6: {  	s25 =	simm.s32 $0x6;
	s26 =	simm.s32 $0x7;
	s28 =	simm.s32 $0x4  }
0x7: {  	s29 =	simm.s32 $0x8;
	s31 =	simm.s32 $0x10;
	s13 =	simm.s32 $0x9  }
0x8: {  	s20 =	simm.s32 $0x0;
	s0 =	sand.u32 $0x1, s0;
	s1 =	sshll.u32 s9, $0x1  }
0x9: {  	s6 =	smul.u32 $0x9C40, s9;
	[smem:$0x7FF] =	sst s3;
	s4 =	sadd.s32 $0x17C00, s5  }
0xa: {  	s1 =	sor.u32 s0, s1;
	s7 =	smul.u32 $0x9C400, s0;
	_ =	strace $0x80000047  }
0xb: {  	s0 =	ssub.s32 $0x2, s0;
	s1 =	smul.u32 $0x2710, s1;
	s8 =	sshrl.u32 s6, $0x3  }
0xc: {  	s30 =	sshrl.u32 s0, $0x1;
	s12 =	sadd.s32 s6, s2;
	s7 =	sadd.s32 s6, s7  }
0xd: {  	s8 =	sadd.s32 s8, s5;
	s0 =	ssub.s32 s0, s30;
	s12 =	sshrl.u32 s12, $0x3  }
0xe: {  	s1 =	sshrl.u32 s1, $0x3;
	s7 =	sshrl.u32 s7, $0x3;
	s6 =	sadd.s32 $0x2B600, s8  }
0xf: {  	s1 =	sadd.s32 s1, s5;
	s10 =	sadd.s32 s7, s5;
	s5 =	sshll.u32 s9, $0x6  }
0x10: {  	s11 =	smax.u32 s0, $0x1;
	s0 =	simm.s32 $0x4E10;
	s7 =	sor.u32 $0x1C01, s5  }
0x11: {  	s8 =	sadd.s32 $0x4200, s1;
	s9 =	sadd.s32 $0xDE40, s1;
	s10 =	sadd.s32 $0x3F000, s10  }
.LBB2_1:
0x12: {  	[spmem:s12], [sflag:s7] =	dma.local [hbm:s6], $0x1388  }
0x13: {  	[tilespmem:s3], [sflag:$0x2] =	stream.linear.gather [hbm4b:s8+s3], $0x2710, $0x38;
	[tilespmem:$0x16A60] =	vst v63  }
0x14: {  	s1 =	simm.s32 $0x2710  }
0x15: {  	[tilespmem:s1], [sflag:$0x3] =	stream.linear.gather [hbm4b:s9+s3], $0x2710, $0x38;
	[tilespmem:$0x16A60] =	vst v63  }
0x16: {  	_ =	swait.ge [sflag:s14], $0x2710  }
0x17: {  	[sflag:s14] =	ssyncset.done $0x0  }
0x18: {  	[sflag:s14] =	ssyncadd.s32 $0xFFFFD8F0  }
0x19: {  	_ =	swait.ge [sflag:s15], $0x2710  }
0x1a: {  	[sflag:s15] =	ssyncset.done $0x0  }
0x1b: {  	[sflag:s15] =	ssyncadd.s32 $0xFFFFD8F0  }
0x1c: {  	_ =	swait.ge [sflag:s16], $0x1388  }
0x1d: {  	[sflag:s16] =	ssyncset.done $0x0  }
0x1e: {  	[sflag:s16] =	ssyncadd.s32 $0xFFFFEC78  }
0x1f: {  	[bflag:$0x0] =	sbarrier.arrive $0xFFFF  }
0x20: {  	[tilespmem:s18], [sflag:$0x1] =	stream.indirect.gather [hbm4b:s4+s17], $0x40, s3, s17, $0xb8;
	[tilespmem:$0x16A60] =	vst v63  }
0x21: {  	_ = 	snop  }
0x22: {  	[tilespmem:s19], [sflag:$0x2] =	stream.indirect.gather [hbm4b:s4+s17], $0x40, s17, s17, $0xb8;
	[tilespmem:$0x16A60] =	vst v63  }
0x23: {  	s22 =	simm.s32 $0x100  }
0x24: {  	[tilespmem:s21], [sflag:$0x3] =	stream.indirect.gather [hbm4b:s4+s17], $0x40, s22, s17, $0xb8;
	[tilespmem:$0x16A60] =	vst v63  }
0x25: {  	s22 =	simm.s32 $0x180  }
0x26: {  	[tilespmem:s23], [sflag:$0x4] =	stream.indirect.gather [hbm4b:s4+s17], $0x40, s22, s17, $0xb8;
	[tilespmem:$0x16A60] =	vst v63  }
0x27: {  	_ =	swait.ge [sflag:s16], $0x2000  }
0x28: {  	[sflag:s16] =	ssyncset.done $0x0  }
0x29: {  	s22 =	simm.s32 $0x2710;
	[sflag:s16] =	ssyncadd.s32 $0xFFFFE000  }
0x2a: {  	[spmem:s2] =	stream.indirect.scatter.add.f32 [tilespmem:s18], [sflag:$0x5], $0x40, s22, s17, $0xb8;
	[tilespmem:$0x16A60] =	vst v63  }
0x2b: {  	_ =	swait.ge [sflag:s24], $0x2000  }
0x2c: {  	[sflag:s24] =	ssyncset.done $0x0  }
0x2d: {  	s1 =	simm.s32 $0x200;
	[sflag:s24] =	ssyncadd.s32 $0xFFFFE000  }
0x2e: {  	[tilespmem:s18], [sflag:$0x1] =	stream.indirect.gather [hbm4b:s4+s17], $0x40, s1, s17, $0xb8;
	[tilespmem:$0x16A60] =	vst v63  }
0x2f: {  	_ =	swait.ge [sflag:s14], $0x2000  }
0x30: {  	[sflag:s14] =	ssyncset.done $0x0  }
0x31: {  	s1 =	simm.s32 $0x2790;
	[sflag:s14] =	ssyncadd.s32 $0xFFFFE000  }
0x32: {  	[spmem:s2] =	stream.indirect.scatter.add.f32 [tilespmem:s19], [sflag:$0x6], $0x40, s1, s17, $0xb8;
	[tilespmem:$0x16A60] =	vst v63  }
0x33: {  	_ =	swait.ge [sflag:s25], $0x2000  }
0x34: {  	[sflag:s25] =	ssyncset.done $0x0  }
0x35: {  	s1 =	simm.s32 $0x280;
	[sflag:s25] =	ssyncadd.s32 $0xFFFFE000  }
0x36: {  	[tilespmem:s19], [sflag:$0x2] =	stream.indirect.gather [hbm4b:s4+s17], $0x40, s1, s17, $0xb8;
	[tilespmem:$0x16A60] =	vst v63  }
0x37: {  	_ =	swait.ge [sflag:s15], $0x2000  }
0x38: {  	[sflag:s15] =	ssyncset.done $0x0  }
0x39: {  	s1 =	simm.s32 $0x2810;
	[sflag:s15] =	ssyncadd.s32 $0xFFFFE000  }
0x3a: {  	[spmem:s2] =	stream.indirect.scatter.add.f32 [tilespmem:s21], [sflag:$0x7], $0x40, s1, s17, $0xb8;
	[tilespmem:$0x16A60] =	vst v63  }
0x3b: {  	_ =	swait.ge [sflag:s26], $0x2000  }
0x3c: {  	[sflag:s26] =	ssyncset.done $0x0  }
0x3d: {  	s1 =	simm.s32 $0x300;
	[sflag:s26] =	ssyncadd.s32 $0xFFFFE000  }
0x3e: {  	[tilespmem:s21], [sflag:$0x3] =	stream.indirect.gather [hbm4b:s4+s17], $0x40, s1, s17, $0xb8;
	[tilespmem:$0x16A60] =	vst v63  }
0x3f: {  	_ =	swait.ge [sflag:s28], $0x2000  }
0x40: {  	[sflag:s28] =	ssyncset.done $0x0  }
0x41: {  	s1 =	simm.s32 $0x2890;
	[sflag:s28] =	ssyncadd.s32 $0xFFFFE000  }
0x42: {  	[spmem:s2] =	stream.indirect.scatter.add.f32 [tilespmem:s23], [sflag:$0x8], $0x40, s1, s17, $0xb8;
	[tilespmem:$0x16A60] =	vst v63  }
0x43: {  	_ =	swait.ge [sflag:s29], $0x2000  }
0x44: {  	[sflag:s29] =	ssyncset.done $0x0  }
0x45: {  	s30 =	simm.s32 $0x380;
	s22 =	simm.s32 $0x800;
	[sflag:s29] =	ssyncadd.s32 $0xFFFFE000  }
.LBB2_2:
0x46: {  	[tilespmem:s23], [sflag:$0x4] =	stream.indirect.gather [hbm4b:s4+s17], $0x40, s30, s17, $0xb8;
	[tilespmem:$0x16A60] =	vst v63  }
0x47: {  	s30 =	smov.u32 s22  }
0x48: {  	p0 =	sne.s32 s22, $0x8800;
	s22 =	sadd.s32 $0x800, s22;
	_ =	swait.ge [sflag:s16], $0x2000  }
0x49: {  	s30 =	sshra.s32 s30, $0x2;
	[sflag:s16] =	ssyncset.done $0x0  }
0x4a: {  	s1 =	sadd.s32 $0x2710, s30;
	[sflag:s16] =	ssyncadd.s32 $0xFFFFE000  }
0x4b: {  	[spmem:s2] =	stream.indirect.scatter.add.f32 [tilespmem:s18], [sflag:$0x5], $0x40, s1, s17, $0xb8;
	[tilespmem:$0x16A60] =	vst v63  }
0x4c: {  	_ =	swait.ge [sflag:s24], $0x2000  }
0x4d: {  	[sflag:s24] =	ssyncset.done $0x0  }
0x4e: {  	s1 =	sadd.s32 $0x200, s30;
	[sflag:s24] =	ssyncadd.s32 $0xFFFFE000  }
0x4f: {  	[tilespmem:s18], [sflag:$0x1] =	stream.indirect.gather [hbm4b:s4+s17], $0x40, s1, s17, $0xb8;
	[tilespmem:$0x16A60] =	vst v63  }
0x50: {  	_ =	swait.ge [sflag:s14], $0x2000  }
0x51: {  	[sflag:s14] =	ssyncset.done $0x0  }
0x52: {  	s1 =	sadd.s32 $0x2790, s30;
	[sflag:s14] =	ssyncadd.s32 $0xFFFFE000  }
0x53: {  	[spmem:s2] =	stream.indirect.scatter.add.f32 [tilespmem:s19], [sflag:$0x6], $0x40, s1, s17, $0xb8;
	[tilespmem:$0x16A60] =	vst v63  }
0x54: {  	_ =	swait.ge [sflag:s25], $0x2000  }
0x55: {  	[sflag:s25] =	ssyncset.done $0x0  }
0x56: {  	s1 =	sadd.s32 $0x280, s30;
	[sflag:s25] =	ssyncadd.s32 $0xFFFFE000  }
0x57: {  	[tilespmem:s19], [sflag:$0x2] =	stream.indirect.gather [hbm4b:s4+s17], $0x40, s1, s17, $0xb8;
	[tilespmem:$0x16A60] =	vst v63  }
0x58: {  	_ =	swait.ge [sflag:s15], $0x2000  }
0x59: {  	[sflag:s15] =	ssyncset.done $0x0  }
0x5a: {  	s1 =	sadd.s32 $0x2810, s30;
	[sflag:s15] =	ssyncadd.s32 $0xFFFFE000  }
0x5b: {  	[spmem:s2] =	stream.indirect.scatter.add.f32 [tilespmem:s21], [sflag:$0x7], $0x40, s1, s17, $0xb8;
	[tilespmem:$0x16A60] =	vst v63  }
0x5c: {  	_ =	swait.ge [sflag:s26], $0x2000  }
0x5d: {  	[sflag:s26] =	ssyncset.done $0x0  }
0x5e: {  	s1 =	sadd.s32 $0x300, s30;
	[sflag:s26] =	ssyncadd.s32 $0xFFFFE000  }
0x5f: {  	[tilespmem:s21], [sflag:$0x3] =	stream.indirect.gather [hbm4b:s4+s17], $0x40, s1, s17, $0xb8;
	[tilespmem:$0x16A60] =	vst v63  }
0x60: {  	_ =	swait.ge [sflag:s28], $0x2000  }
0x61: {  	[sflag:s28] =	ssyncset.done $0x0  }
.Ltmp0:
0x62: {  	s1 =	sadd.s32 $0x2890, s30;
	[sflag:s28] =	ssyncadd.s32 $0xFFFFE000;
	(pc) =	sbr.rel @p0 .LBB2_2-.Ltmp0, $4  }
0x63: {  	[spmem:s2] =	stream.indirect.scatter.add.f32 [tilespmem:s23], [sflag:$0x8], $0x40, s1, s17, $0xb8;
	[tilespmem:$0x16A60] =	vst v63  }
0x64: {  	_ =	swait.ge [sflag:s29], $0x2000  }
0x65: {  	[sflag:s29] =	ssyncset.done $0x0  }
0x66: {  	s30 =	sadd.s32 $0x380, s30;
	[sflag:s29] =	ssyncadd.s32 $0xFFFFE000  }
0x67: {  	[tilespmem:s23], [sflag:$0x4] =	stream.indirect.gather [hbm4b:s4+s17], $0x40, s30, s17, $0xb8;
	[tilespmem:$0x16A60] =	vst v63  }
0x68: {  	_ =	swait.ge [sflag:s16], $0x2000  }
0x69: {  	[sflag:s16] =	ssyncset.done $0x0  }
0x6a: {  	s1 =	simm.s32 $0x4B10;
	[sflag:s16] =	ssyncadd.s32 $0xFFFFE000  }
0x6b: {  	[spmem:s2] =	stream.indirect.scatter.add.f32 [tilespmem:s18], [sflag:$0x5], $0x40, s1, s17, $0xb8;
	[tilespmem:$0x16A60] =	vst v63  }
0x6c: {  	_ =	swait.ge [sflag:s24], $0x2000  }
0x6d: {  	[sflag:s24] =	ssyncset.done $0x0  }
0x6e: {  	s30 =	simm.s32 $0x2600;
	[sflag:s24] =	ssyncadd.s32 $0xFFFFE000  }
0x6f: {  	[tilespmem:s18], [sflag:$0x1] =	stream.indirect.gather [hbm4b:s4+s17], $0x40, s30, s17, $0xb8;
	[tilespmem:$0x16A60] =	vst v63  }
0x70: {  	_ =	swait.ge [sflag:s14], $0x2000  }
0x71: {  	[sflag:s14] =	ssyncset.done $0x0  }
0x72: {  	s22 =	simm.s32 $0x4B90;
	[sflag:s14] =	ssyncadd.s32 $0xFFFFE000  }
0x73: {  	[spmem:s2] =	stream.indirect.scatter.add.f32 [tilespmem:s19], [sflag:$0x6], $0x40, s22, s17, $0xb8;
	[tilespmem:$0x16A60] =	vst v63  }
0x74: {  	_ =	swait.ge [sflag:s25], $0x2000  }
0x75: {  	[sflag:s25] =	ssyncset.done $0x0  }
0x76: {  	s30 =	simm.s32 $0x2680;
	[sflag:s25] =	ssyncadd.s32 $0xFFFFE000  }
0x77: {  	[tilespmem:s19], [sflag:$0x2] =	stream.indirect.gather [hbm4b:s4+s17], $0x40, s30, s17, $0xb8;
	[tilespmem:$0x16A60] =	vst v63  }
0x78: {  	_ =	swait.ge [sflag:s15], $0x2000  }
0x79: {  	[sflag:s15] =	ssyncset.done $0x0  }
0x7a: {  	s22 =	simm.s32 $0x4C10;
	[sflag:s15] =	ssyncadd.s32 $0xFFFFE000  }
0x7b: {  	[spmem:s2] =	stream.indirect.scatter.add.f32 [tilespmem:s21], [sflag:$0x7], $0x40, s22, s17, $0xb8;
	[tilespmem:$0x16A60] =	vst v63  }
0x7c: {  	_ =	swait.ge [sflag:s26], $0x2000  }
0x7d: {  	[sflag:s26] =	ssyncset.done $0x0  }
0x7e: {  	[sflag:s26] =	ssyncadd.s32 $0xFFFFE000  }
0x7f: {  	_ =	swait.ge [sflag:s28], $0x2000  }
0x80: {  	[sflag:s28] =	ssyncset.done $0x0  }
0x81: {  	s30 =	simm.s32 $0x4C90;
	[sflag:s28] =	ssyncadd.s32 $0xFFFFE000  }
0x82: {  	[spmem:s2] =	stream.indirect.scatter.add.f32 [tilespmem:s23], [sflag:$0x8], $0x40, s30, s17, $0xb8;
	[tilespmem:$0x16A60] =	vst v63  }
0x83: {  	_ =	swait.ge [sflag:s29], $0x2000  }
0x84: {  	[sflag:s29] =	ssyncset.done $0x0  }
0x85: {  	[sflag:s29] =	ssyncadd.s32 $0xFFFFE000  }
0x86: {  	_ =	swait.ge [sflag:s16], $0x2000  }
0x87: {  	[sflag:s16] =	ssyncset.done $0x0  }
0x88: {  	s22 =	simm.s32 $0x4D10;
	[sflag:s16] =	ssyncadd.s32 $0xFFFFE000  }
0x89: {  	[spmem:s2] =	stream.indirect.scatter.add.f32 [tilespmem:s18], [sflag:$0x5], $0x40, s22, s17, $0xb8;
	[tilespmem:$0x16A60] =	vst v63  }
0x8a: {  	_ =	swait.ge [sflag:s24], $0x2000  }
0x8b: {  	[sflag:s24] =	ssyncset.done $0x0  }
0x8c: {  	[sflag:s24] =	ssyncadd.s32 $0xFFFFE000  }
0x8d: {  	_ =	swait.ge [sflag:s14], $0x2000  }
0x8e: {  	[sflag:s14] =	ssyncset.done $0x0  }
0x8f: {  	s30 =	simm.s32 $0x4D90;
	[sflag:s14] =	ssyncadd.s32 $0xFFFFE000  }
0x90: {  	[spmem:s2] =	stream.indirect.scatter.add.f32 [tilespmem:s19], [sflag:$0x6], $0x40, s30, s17, $0xb8;
	[tilespmem:$0x16A60] =	vst v63  }
0x91: {  	_ =	swait.ge [sflag:s25], $0x2000  }
0x92: {  	[sflag:s25] =	ssyncset.done $0x0  }
0x93: {  	s22 =	simm.s32 $0x2700;
	[sflag:s25] =	ssyncadd.s32 $0xFFFFE000  }
0x94: {  	[tilespmem:s18], [sflag:$0x1] =	stream.indirect.gather [hbm4b:s4+s31], $0x40, s22, s31, $0xb8;
	[tilespmem:$0x16A60] =	vst v63  }
0x95: {  	_ =	swait.ge [sflag:s16], $0x400  }
0x96: {  	[sflag:s16] =	ssyncset.done $0x0  }
0x97: {  	[sflag:s16] =	ssyncadd.s32 $0xFFFFFC00  }
0x98: {  	[spmem:s2] =	stream.indirect.scatter.add.f32 [tilespmem:s18], [sflag:$0x5], $0x40, s0, s31, $0xb8;
	[tilespmem:$0x16A60] =	vst v63  }
0x99: {  	_ =	swait.ge [sflag:s24], $0x400  }
0x9a: {  	s20 =	sadd.s32 $0x1, s20;
	[sflag:s24] =	ssyncset.done $0x0  }
0x9b: {  	p0 =	sne.s32 s20, s11;
	[sflag:s24] =	ssyncadd.s32 $0xFFFFFC00  }
.Ltmp1:
0x9c: {  	s30 =	sor.u32 $0x1C09, s5;
	[bflag:$0x0] =	sbarrier.arrive $0xFFFF;
	(pc) =	sbr.rel @p0 .LBB2_1-.Ltmp1, $4  }
0x9d: {  	[hbm:s10], [sflag:s30] =	dma.local [spmem:s12], $0x1388  }
0x9e: {  	_ =	swait.ge [sflag:s13], $0x1388  }
0x9f: {  	[sflag:s13] =	ssyncset.done $0x0  }
0xa0: {  	[sflag:s13] =	ssyncadd.s32 $0xFFFFEC78  }
0xa1: {  	_ =	sfence.sel $0x180000  }
0xa2: {  	[bflag:$0x0] =	sbarrier.arrive $0xFFFF  }
0xa3: {  	_ =	strace $0x90000047  }
0xa4: {  	s0 =	stileid.u32;
	[bflag:$0x2] =	sbarrier.arrive $0xFFFF  }
0xa5: {  	p0 =	sne.s32 s0, $0x0;
	s0 =	rddreg [dreg:$0x2]  }
0xa6: {  	s0 =	sadd.s32 @!p0 $0x100000, s0  }
0xa7: {  	[sflag:s0] =	ssyncadd.tile.s32 @!p0 $0x1;
	_ =	shalt  }
.Lfunc_end2:
_tile_overlayer_lowered:
.L_overlay_start_2:
0xa8: {  	(tag) =	ssettag $0x2  }
0xa9: {  	s0 =	rddreg [dreg:$0x0];
	s2 =	stileid.u32  }
0xaa: {  	s1 =	rddreg [dreg:$0x1];
	p0 =	sne.s32 s2, $0x0  }
0xab: {  	s3 =	rddreg [dreg:$0x2];
	[bflag:$0x3] =	sbarrier.arrive $0xFFFF;
	s2 =	simm.s32 @!p0 $0x1C09  }
0xac: {  	[timem:s3], [sflag:s2] =	dma.local @!p0 [hbm:s0], s1  }
0xad: {  	s0 =	simm.s32 @!p0 $0x9  }
0xae: {  	_ =	swait.ge @!p0 [sflag:s0], s1  }
0xaf: {  	s1 =	ssub.s32 @!p0 $0x0, s1;
	[sflag:s0] =	ssyncset.done @!p0 $0x0  }
0xb0: {  	[sflag:s0] =	ssyncadd.s32 @!p0 s1  }
0xb1: {  	[bflag:$0x3] =	sbarrier.arrive $0xFFFF  }
0xb2: {  	_ =	shalt  }

</sc_bundles>
